<compile_context>
chip_gen: v7x
topology: tpu7x:2x2x1
jax: 0.10.2.dev20260603
libtpu: 0.0.44.dev20260713+nightly
codegen_flags: <defaults>
</compile_context>

<pallas_src>
import functools

import jax
import jax.numpy as jnp
from jax import lax
from jax.experimental import pallas as pl
from jax.experimental.pallas import tpu as pltpu
from jax.experimental.pallas import tpu_sc as plsc

B = 2
S = 4096
D = 2048
L = 16
NC = 2
NS = 16
NW = NC * NS
ROWS = B * S
RPW = ROWS // NW
CH = 16
NCH = RPW // CH
NBUF = 3

_mesh = plsc.VectorSubcoreMesh(core_axis_name="c", subcore_axis_name="s")


@functools.partial(
    pl.kernel,
    out_type=jax.ShapeDtypeStruct((ROWS, D), jnp.float32),
    mesh=_mesh,
    compiler_params=pltpu.CompilerParams(needs_layout_passes=False),
    scratch_types=[
        pltpu.VMEM((S,), jnp.int32),
        pltpu.VMEM((NCH, CH), jnp.int32),
        pltpu.VMEM((L,), jnp.int32),
        pltpu.VMEM((NBUF, CH, D), jnp.float32),
        pltpu.SemaphoreType.DMA,
        pltpu.SemaphoreType.DMA,
        pltpu.SemaphoreType.DMA,
        pltpu.SemaphoreType.DMA,
        pltpu.SemaphoreType.DMA,
        pltpu.SemaphoreType.DMA,
    ],
)
def _pos_embed_sc(mask_hbm, wpos_hbm, out_hbm, mask_v, idx_v, tmp_v,
                  buf_v, sem_g0, sem_g1, sem_g2, sem_s0, sem_s1, sem_s2):
    cid = lax.axis_index("c")
    sid = lax.axis_index("s")
    wid = sid * NC + cid
    base = wid * RPW
    batch = base // S
    s0 = base - batch * S

    pltpu.sync_copy(mask_hbm.at[batch], mask_v)

    iota = lax.iota(jnp.int32, L)

    def _csum(x):
        for k in (1, 2, 4, 8):
            tmp_v[...] = x
            g = plsc.load_gather(tmp_v, [jnp.maximum(iota - k, 0)])
            x = x + jnp.where(iota >= k, g, jnp.int32(0))
        return x

    def _splat_last(x):
        tmp_v[...] = x
        return plsc.load_gather(tmp_v, [jnp.full((L,), L - 1, jnp.int32)])

    def _pf(j, acc):
        return acc + mask_v[pl.ds(j * L, L)]

    acc = lax.fori_loop(0, s0 // L, _pf, jnp.zeros((L,), jnp.int32))
    carry = _splat_last(_csum(acc))

    def _ix(c, st):
        carry, zacc = st
        m = mask_v[pl.ds(s0 + c * L, L)]
        cs = _csum(m)
        idx_v[c] = jnp.maximum(carry + cs - 1, 0)
        zacc = zacc + jnp.where(m == 0, 1, 0).astype(jnp.int32)
        return (carry + _splat_last(cs), zacc)

    _, zacc = lax.fori_loop(0, NCH, _ix, (carry, jnp.zeros((L,), jnp.int32)))

    sem_g = (sem_g0, sem_g1, sem_g2)
    sem_s = (sem_s0, sem_s1, sem_s2)
    gh = [None] * NBUF
    sh = [None] * NBUF
    for p in range(NBUF - 1):
        gh[p] = pltpu.async_copy(
            wpos_hbm.at[idx_v.at[p]], buf_v.at[p], sem_g[p])
    for c in range(NCH):
        nb = c % NBUF
        if c + NBUF - 1 < NCH:
            ob = (c + NBUF - 1) % NBUF
            if sh[ob] is not None:
                sh[ob].wait()
            gh[ob] = pltpu.async_copy(
                wpos_hbm.at[idx_v.at[c + NBUF - 1]], buf_v.at[ob], sem_g[ob])
        gh[nb].wait()
        sh[nb] = pltpu.async_copy(
            buf_v.at[nb], out_hbm.at[pl.ds(base + c * CH, CH)], sem_s[nb])
    for p in range(NBUF):
        if sh[p] is not None:
            sh[p].wait()

    @pl.when(plsc.all_reduce_population_count(zacc != 0)[0] != 0)
    def _fix():
        def _zb(k, _):
            buf_v[0, 0, pl.ds(k * L, L)] = jnp.zeros((L,), jnp.float32)
            return 0
        lax.fori_loop(0, D // L, _zb, 0)

        def _chunk(c, _):
            m = mask_v[pl.ds(s0 + c * L, L)]

            @pl.when(plsc.all_reduce_population_count(m == 0)[0] != 0)
            def _rows():
                tmp_v[...] = m

                def _row(r, _):
                    mr = plsc.load_gather(
                        tmp_v, [jnp.zeros((L,), jnp.int32) + r])

                    @pl.when(mr[0] == 0)
                    def _zero_row():
                        pltpu.sync_copy(buf_v.at[0, 0],
                                        out_hbm.at[base + c * L + r])
                    return 0

                lax.fori_loop(0, L, _row, 0)
            return 0

        lax.fori_loop(0, NCH, _chunk, 0)


def kernel(tokens, past_kv_pos_offset, attention_mask, W_pos):
    del tokens
    del past_kv_pos_offset
    out = _pos_embed_sc(attention_mask.astype(jnp.int32), W_pos)
    return out.reshape(B, S, D)

# --- scband reference (transcript-rebuilt; emitter-appended) ---
"""Pipeline reference for scband-pos-embed-16956530885013 (READ-ONLY COPY).

The authoritative reference and input builder live on the scoring server;
editing this copy changes nothing except your own understanding.
"""

import jax, jax.numpy as jnp
import numpy as np

N_CTX = 8192
D_MODEL = 2048
BATCH = 2
SEQ = 4096


def setup_inputs(seed: int = 0) -> dict:
    key = jax.random.key(seed)
    k1, k2 = jax.random.split(key)
    tokens = jax.random.randint(k1, (BATCH, SEQ), 0, 50257, dtype=jnp.int32)
    attention_mask = jnp.ones((BATCH, SEQ), dtype=jnp.int32)
    W_pos = jax.random.normal(k2, (N_CTX, D_MODEL), dtype=jnp.float32) * 0.02
    return {
        "tokens": tokens,
        "past_kv_pos_offset": 0,
        "attention_mask": attention_mask,
        "W_pos": W_pos,
    }


def _get_offset_position_ids(past_kv_pos_offset, attention_mask):
    # shift position ids so the first attended token position becomes zero
    shifted_position_ids = jnp.cumsum(attention_mask, axis=1) - 1  # [batch, pos]
    position_ids = jnp.where(shifted_position_ids < 0, 0, shifted_position_ids)
    return jax.lax.dynamic_slice(
        position_ids,
        (jnp.int32(0), jnp.asarray(past_kv_pos_offset, dtype=jnp.int32)),
        (position_ids.shape[0], position_ids.shape[1]),
    )


def reference(tokens, past_kv_pos_offset, attention_mask, W_pos):
    tokens_length = tokens.shape[-1]
    offset_position_ids = _get_offset_position_ids(past_kv_pos_offset, attention_mask)
    # gather: embedding lookup of position ids into W_pos
    pos_embed = jnp.take(W_pos, offset_position_ids, axis=0)  # [batch, pos, d_model]
    padding_mask = attention_mask == 0  # ~attention_mask.bool()
    offset_padding_mask = jax.lax.dynamic_slice(
        padding_mask,
        (jnp.int32(0), jnp.asarray(past_kv_pos_offset, dtype=jnp.int32)),
        (padding_mask.shape[0], tokens_length),
    )[:, :, None]
    batch_pos_embed = jnp.where(offset_padding_mask, jnp.zeros((), dtype=pos_embed.dtype), pos_embed)
    return batch_pos_embed

if __name__ == "__main__":
    import jax
    _d = setup_inputs()
    print(jax.jit(kernel)(*tuple(_d.values())))

</pallas_src>

<mosaic_0001>
#map = affine_map<(d0, d1) -> (0, 0)>
module attributes {stable_mosaic.version = 14 : i64} {
  func.func @_pos_embed_sc(%arg0: i32, %arg1: i32, %arg2: memref<2x4096xi32, #tpu.memory_space<hbm>>, %arg3: memref<8192x2048xf32, #tpu.memory_space<hbm>>, %arg4: memref<8192x2048xf32, #tpu.memory_space<hbm>>, %arg5: memref<4096xi32, #tpu.memory_space<vmem>>, %arg6: memref<16x16xi32, #tpu.memory_space<vmem>>, %arg7: memref<16xi32, #tpu.memory_space<vmem>>, %arg8: memref<3x16x2048xf32, #tpu.memory_space<vmem>>, %arg9: memref<!tpu.dma_semaphore, #tpu.memory_space<semaphore_mem>>, %arg10: memref<!tpu.dma_semaphore, #tpu.memory_space<semaphore_mem>>, %arg11: memref<!tpu.dma_semaphore, #tpu.memory_space<semaphore_mem>>, %arg12: memref<!tpu.dma_semaphore, #tpu.memory_space<semaphore_mem>>, %arg13: memref<!tpu.dma_semaphore, #tpu.memory_space<semaphore_mem>>, %arg14: memref<!tpu.dma_semaphore, #tpu.memory_space<semaphore_mem>>) attributes {dimension_semantics = [#tpu.dimension_semantics<core_parallel>, #tpu.dimension_semantics<subcore_parallel>], iteration_bounds = array<i64: 2, 16>, scalar_prefetch = 0 : i64, scratch_operands = 10 : i64, tpu.core_type = #tpu.core_type<sc_vector_subcore>, window_params = [{transform_indices = #map}, {transform_indices = #map}, {transform_indices = #map}]} {
    %mul3A = arith.constant 2 : i32
    %mul3A_0 = arith.muli %arg1, %mul3A : i32
    %add3A = arith.addi %mul3A_0, %arg0 : i32
    %mul3A_1 = arith.constant 256 : i32
    %mul3A_2 = arith.muli %add3A, %mul3A_1 : i32
    %jit3A = arith.constant 4096 : i32
    %div3A = arith.divsi %mul3A_2, %jit3A : i32
    %sign3A = arith.constant 0 : i32
    %sign3A_3 = arith.cmpi sgt, %mul3A_2, %sign3A : i32
    %sign3A_4 = arith.extui %sign3A_3 : i1 to i32
    %sign3A_5 = arith.constant 0 : i32
    %sign3A_6 = arith.cmpi slt, %mul3A_2, %sign3A_5 : i32
    %sign3A_7 = arith.extui %sign3A_6 : i1 to i32
    %sign3A_8 = arith.subi %sign3A_4, %sign3A_7 : i32
    %sign3A_9 = arith.constant 0 : i32
    %sign3A_10 = arith.cmpi sgt, %jit3A, %sign3A_9 : i32
    %sign3A_11 = arith.extui %sign3A_10 : i1 to i32
    %sign3A_12 = arith.constant 0 : i32
    %sign3A_13 = arith.cmpi slt, %jit3A, %sign3A_12 : i32
    %sign3A_14 = arith.extui %sign3A_13 : i1 to i32
    %sign3A_15 = arith.subi %sign3A_11, %sign3A_14 : i32
    %ne3A = arith.cmpi ne, %sign3A_8, %sign3A_15 : i32
    %rem3A = arith.remsi %mul3A_2, %jit3A : i32
    %ne3A_16 = arith.constant 0 : i32
    %ne3A_17 = arith.cmpi ne, %rem3A, %ne3A_16 : i32
    %and3A = arith.andi %ne3A, %ne3A_17 : i1
    %sub3A = arith.constant 1 : i32
    %sub3A_18 = arith.subi %div3A, %sub3A : i32
    %select_n3A = arith.select %and3A, %sub3A_18, %div3A : i32
    %mul3A_19 = arith.constant 4096 : i32
    %mul3A_20 = arith.muli %select_n3A, %mul3A_19 : i32
    %sub3A_21 = arith.subi %mul3A_2, %mul3A_20 : i32
    "tpu.region"() ({
      %run_scoped3A = tpu.sem_alloc : memref<!tpu.dma_semaphore, #tpu.memory_space<semaphore_mem>>
      %dma_start3A_965 = arith.constant 0 : i32
      %dma_start3A_966 = tpu.memref_slice %arg2[%select_n3A, %dma_start3A_965] : memref<2x4096xi32, #tpu.memory_space<hbm>> -> memref<1x4096xi32, #tpu.memory_space<hbm>>
      %dma_start3A_967 = tpu.memref_squeeze %dma_start3A_966 : memref<1x4096xi32, #tpu.memory_space<hbm>> -> memref<4096xi32, #tpu.memory_space<hbm>>
      %dma_start3A_968 = arith.constant 0 : i32
      %dma_start3A_969 = tpu.memref_slice %arg2[%select_n3A, %dma_start3A_968] : memref<2x4096xi32, #tpu.memory_space<hbm>> -> memref<1x4096xi32, #tpu.memory_space<hbm>>
      %dma_start3A_970 = tpu.memref_squeeze %dma_start3A_969 : memref<1x4096xi32, #tpu.memory_space<hbm>> -> memref<4096xi32, #tpu.memory_space<hbm>>
      tpu.enqueue_dma source(%dma_start3A_970 : memref<4096xi32, #tpu.memory_space<hbm>>) target(%arg5 : memref<4096xi32, #tpu.memory_space<vmem>>) target_semaphore(%run_scoped3A : memref<!tpu.dma_semaphore, #tpu.memory_space<semaphore_mem>>)
      %dma_wait3A_971 = arith.constant 0 : i32
      %dma_wait3A_972 = tpu.memref_slice %arg2[%select_n3A, %dma_wait3A_971] : memref<2x4096xi32, #tpu.memory_space<hbm>> -> memref<1x4096xi32, #tpu.memory_space<hbm>>
      %dma_wait3A_973 = tpu.memref_squeeze %dma_wait3A_972 : memref<1x4096xi32, #tpu.memory_space<hbm>> -> memref<4096xi32, #tpu.memory_space<hbm>>
      %dma_wait3A_974 = arith.constant 0 : i32
      %dma_wait3A_975 = tpu.memref_slice %arg2[%select_n3A, %dma_wait3A_974] : memref<2x4096xi32, #tpu.memory_space<hbm>> -> memref<1x4096xi32, #tpu.memory_space<hbm>>
      %dma_wait3A_976 = tpu.memref_squeeze %dma_wait3A_975 : memref<1x4096xi32, #tpu.memory_space<hbm>> -> memref<4096xi32, #tpu.memory_space<hbm>>
      tpu.wait_dma2 semaphore(%run_scoped3A : memref<!tpu.dma_semaphore, #tpu.memory_space<semaphore_mem>>) src(%dma_wait3A_976 : memref<4096xi32, #tpu.memory_space<hbm>>) dst(%arg5 : memref<4096xi32, #tpu.memory_space<vmem>>)
      tpu.yield
    }) : () -> ()
    %iota3A = tpu.iota {dimensions = array<i32: 0>} : vector<16xi32>
    %jit3A_22 = arith.constant 16 : i32
    %div3A_23 = arith.divsi %sub3A_21, %jit3A_22 : i32
    %sign3A_24 = arith.constant 0 : i32
    %sign3A_25 = arith.cmpi sgt, %sub3A_21, %sign3A_24 : i32
    %sign3A_26 = arith.extui %sign3A_25 : i1 to i32
    %sign3A_27 = arith.constant 0 : i32
    %sign3A_28 = arith.cmpi slt, %sub3A_21, %sign3A_27 : i32
    %sign3A_29 = arith.extui %sign3A_28 : i1 to i32
    %sign3A_30 = arith.subi %sign3A_26, %sign3A_29 : i32
    %sign3A_31 = arith.constant 0 : i32
    %sign3A_32 = arith.cmpi sgt, %jit3A_22, %sign3A_31 : i32
    %sign3A_33 = arith.extui %sign3A_32 : i1 to i32
    %sign3A_34 = arith.constant 0 : i32
    %sign3A_35 = arith.cmpi slt, %jit3A_22, %sign3A_34 : i32
    %sign3A_36 = arith.extui %sign3A_35 : i1 to i32
    %sign3A_37 = arith.subi %sign3A_33, %sign3A_36 : i32
    %ne3A_38 = arith.cmpi ne, %sign3A_30, %sign3A_37 : i32
    %rem3A_39 = arith.remsi %sub3A_21, %jit3A_22 : i32
    %ne3A_40 = arith.constant 0 : i32
    %ne3A_41 = arith.cmpi ne, %rem3A_39, %ne3A_40 : i32
    %and3A_42 = arith.andi %ne3A_38, %ne3A_41 : i1
    %sub3A_43 = arith.constant 1 : i32
    %sub3A_44 = arith.subi %div3A_23, %sub3A_43 : i32
    %select_n3A_45 = arith.select %and3A_42, %sub3A_44, %div3A_23 : i32
    %broadcast_in_dim3A = arith.constant 0 : i32
    %broadcast_in_dim3A_46 = vector.broadcast %broadcast_in_dim3A : i32 to vector<16xi32>
    %while3A = arith.constant 0 : i32
    %while3A_47 = arith.subi %select_n3A_45, %while3A : i32
    %while3A_48 = arith.addi %while3A, %while3A_47 : i32
    %while3A_49 = arith.constant 1 : i32
    %while3A_50 = arith.divsi %while3A_47, %while3A_49 : i32
    %while3A_51 = arith.muli %while3A_50, %while3A_49 : i32
    %while3A_52 = arith.addi %while3A, %while3A_51 : i32
    %while3A_53 = arith.constant 1 : i32
    %while3A_54 = scf.for %while3A_965 = %while3A to %while3A_52 step %while3A_53 iter_args(%while3A_966 = %broadcast_in_dim3A_46) -> (vector<16xi32>)  : i32 {
      %mul3A_967 = arith.constant 16 : i32
      %mul3A_968 = arith.muli %while3A_965, %mul3A_967 : i32
      %get3A = arith.index_cast %mul3A_968 : i32 to index
      %get3A_969 = tpu.vector_load %arg5[%get3A] {strides = array<i32>} : memref<4096xi32, #tpu.memory_space<vmem>>, vector<16xi32>,
      %add3A_970 = arith.addi %while3A_966, %get3A_969 : vector<16xi32>
      scf.yield %add3A_970 : vector<16xi32>
    }
    %while3A_55 = arith.constant 1 : i32
    %while3A_56 = scf.for %while3A_965 = %while3A_52 to %while3A_48 step %while3A_55 iter_args(%while3A_966 = %while3A_54) -> (vector<16xi32>)  : i32 {
      %mul3A_967 = arith.constant 16 : i32
      %mul3A_968 = arith.muli %while3A_965, %mul3A_967 : i32
      %get3A = arith.index_cast %mul3A_968 : i32 to index
      %get3A_969 = tpu.vector_load %arg5[%get3A] {strides = array<i32>} : memref<4096xi32, #tpu.memory_space<vmem>>, vector<16xi32>,
      %add3A_970 = arith.addi %while3A_966, %get3A_969 : vector<16xi32>
      scf.yield %add3A_970 : vector<16xi32>
    }
    %swap3A = arith.constant 0 : index
    %swap3A_57 = tpu.vector_load %arg7[%swap3A] {strides = array<i32>} : memref<16xi32, #tpu.memory_space<vmem>>, vector<16xi32>,
    tpu.vector_store %arg7[%swap3A], %while3A_56 {strides = array<i32>} : memref<16xi32, #tpu.memory_space<vmem>>, vector<16xi32>,
    %sub3A_58 = arith.constant 1 : i32
    %sub3A_59 = vector.broadcast %sub3A_58 : i32 to vector<16xi32>
    %sub3A_60 = arith.subi %iota3A, %sub3A_59 : vector<16xi32>
    %max3A = arith.constant 0 : i32
    %max3A_61 = vector.broadcast %max3A : i32 to vector<16xi32>
    %max3A_62 = arith.maxsi %sub3A_60, %max3A_61 : vector<16xi32>
    %gather3A = tpu.vector_load_idx %arg7[%max3A_62] : memref<16xi32, #tpu.memory_space<vmem>>[vector<16xi32>], vector<16xi32>,
    %ge3A = arith.constant 1 : i32
    %ge3A_63 = vector.broadcast %ge3A : i32 to vector<16xi32>
    %ge3A_64 = arith.cmpi sge, %iota3A, %ge3A_63 : vector<16xi32>
    %jit3A_65 = arith.constant 0 : i32
    %broadcast_in_dim3A_66 = vector.broadcast %jit3A_65 : i32 to vector<16xi32>
    %select_n3A_67 = arith.select %ge3A_64, %gather3A, %broadcast_in_dim3A_66 : vector<16xi1>, vector<16xi32>
    %add3A_68 = arith.addi %while3A_56, %select_n3A_67 : vector<16xi32>
    %swap3A_69 = arith.constant 0 : index
    %swap3A_70 = tpu.vector_load %arg7[%swap3A_69] {strides = array<i32>} : memref<16xi32, #tpu.memory_space<vmem>>, vector<16xi32>,
    tpu.vector_store %arg7[%swap3A_69], %add3A_68 {strides = array<i32>} : memref<16xi32, #tpu.memory_space<vmem>>, vector<16xi32>,
    %sub3A_71 = arith.constant 2 : i32
    %sub3A_72 = vector.broadcast %sub3A_71 : i32 to vector<16xi32>
    %sub3A_73 = arith.subi %iota3A, %sub3A_72 : vector<16xi32>
    %max3A_74 = arith.constant 0 : i32
    %max3A_75 = vector.broadcast %max3A_74 : i32 to vector<16xi32>
    %max3A_76 = arith.maxsi %sub3A_73, %max3A_75 : vector<16xi32>
    %gather3A_77 = tpu.vector_load_idx %arg7[%max3A_76] : memref<16xi32, #tpu.memory_space<vmem>>[vector<16xi32>], vector<16xi32>,
    %ge3A_78 = arith.constant 2 : i32
    %ge3A_79 = vector.broadcast %ge3A_78 : i32 to vector<16xi32>
    %ge3A_80 = arith.cmpi sge, %iota3A, %ge3A_79 : vector<16xi32>
    %jit3A_81 = arith.constant 0 : i32
    %broadcast_in_dim3A_82 = vector.broadcast %jit3A_81 : i32 to vector<16xi32>
    %select_n3A_83 = arith.select %ge3A_80, %gather3A_77, %broadcast_in_dim3A_82 : vector<16xi1>, vector<16xi32>
    %add3A_84 = arith.addi %add3A_68, %select_n3A_83 : vector<16xi32>
    %swap3A_85 = arith.constant 0 : index
    %swap3A_86 = tpu.vector_load %arg7[%swap3A_85] {strides = array<i32>} : memref<16xi32, #tpu.memory_space<vmem>>, vector<16xi32>,
    tpu.vector_store %arg7[%swap3A_85], %add3A_84 {strides = array<i32>} : memref<16xi32, #tpu.memory_space<vmem>>, vector<16xi32>,
    %sub3A_87 = arith.constant 4 : i32
    %sub3A_88 = vector.broadcast %sub3A_87 : i32 to vector<16xi32>
    %sub3A_89 = arith.subi %iota3A, %sub3A_88 : vector<16xi32>
    %max3A_90 = arith.constant 0 : i32
    %max3A_91 = vector.broadcast %max3A_90 : i32 to vector<16xi32>
    %max3A_92 = arith.maxsi %sub3A_89, %max3A_91 : vector<16xi32>
    %gather3A_93 = tpu.vector_load_idx %arg7[%max3A_92] : memref<16xi32, #tpu.memory_space<vmem>>[vector<16xi32>], vector<16xi32>,
    %ge3A_94 = arith.constant 4 : i32
    %ge3A_95 = vector.broadcast %ge3A_94 : i32 to vector<16xi32>
    %ge3A_96 = arith.cmpi sge, %iota3A, %ge3A_95 : vector<16xi32>
    %jit3A_97 = arith.constant 0 : i32
    %broadcast_in_dim3A_98 = vector.broadcast %jit3A_97 : i32 to vector<16xi32>
    %select_n3A_99 = arith.select %ge3A_96, %gather3A_93, %broadcast_in_dim3A_98 : vector<16xi1>, vector<16xi32>
    %add3A_100 = arith.addi %add3A_84, %select_n3A_99 : vector<16xi32>
    %swap3A_101 = arith.constant 0 : index
    %swap3A_102 = tpu.vector_load %arg7[%swap3A_101] {strides = array<i32>} : memref<16xi32, #tpu.memory_space<vmem>>, vector<16xi32>,
    tpu.vector_store %arg7[%swap3A_101], %add3A_100 {strides = array<i32>} : memref<16xi32, #tpu.memory_space<vmem>>, vector<16xi32>,
    %sub3A_103 = arith.constant 8 : i32
    %sub3A_104 = vector.broadcast %sub3A_103 : i32 to vector<16xi32>
    %sub3A_105 = arith.subi %iota3A, %sub3A_104 : vector<16xi32>
    %max3A_106 = arith.constant 0 : i32
    %max3A_107 = vector.broadcast %max3A_106 : i32 to vector<16xi32>
    %max3A_108 = arith.maxsi %sub3A_105, %max3A_107 : vector<16xi32>
    %gather3A_109 = tpu.vector_load_idx %arg7[%max3A_108] : memref<16xi32, #tpu.memory_space<vmem>>[vector<16xi32>], vector<16xi32>,
    %ge3A_110 = arith.constant 8 : i32
    %ge3A_111 = vector.broadcast %ge3A_110 : i32 to vector<16xi32>
    %ge3A_112 = arith.cmpi sge, %iota3A, %ge3A_111 : vector<16xi32>
    %jit3A_113 = arith.constant 0 : i32
    %broadcast_in_dim3A_114 = vector.broadcast %jit3A_113 : i32 to vector<16xi32>
    %select_n3A_115 = arith.select %ge3A_112, %gather3A_109, %broadcast_in_dim3A_114 : vector<16xi1>, vector<16xi32>
    %add3A_116 = arith.addi %add3A_100, %select_n3A_115 : vector<16xi32>
    %swap3A_117 = arith.constant 0 : index
    %swap3A_118 = tpu.vector_load %arg7[%swap3A_117] {strides = array<i32>} : memref<16xi32, #tpu.memory_space<vmem>>, vector<16xi32>,
    tpu.vector_store %arg7[%swap3A_117], %add3A_116 {strides = array<i32>} : memref<16xi32, #tpu.memory_space<vmem>>, vector<16xi32>,
    %broadcast_in_dim3A_119 = arith.constant 15 : i32
    %broadcast_in_dim3A_120 = vector.broadcast %broadcast_in_dim3A_119 : i32 to vector<16xi32>
    %gather3A_121 = tpu.vector_load_idx %arg7[%broadcast_in_dim3A_120] : memref<16xi32, #tpu.memory_space<vmem>>[vector<16xi32>], vector<16xi32>,
    %broadcast_in_dim3A_122 = arith.constant 0 : i32
    %broadcast_in_dim3A_123 = vector.broadcast %broadcast_in_dim3A_122 : i32 to vector<16xi32>
    %scan3A = arith.constant 0 : i32
    %scan3A_124 = arith.constant 16 : i32
    %scan3A_125 = arith.addi %scan3A, %scan3A_124 : i32
    %scan3A_126 = arith.constant 1 : i32
    %scan3A_127:2 = scf.for %scan3A_965 = %scan3A to %scan3A_125 step %scan3A_126 iter_args(%scan3A_966 = %gather3A_121, %scan3A_967 = %broadcast_in_dim3A_123) -> (vector<16xi32>, vector<16xi32>)  : i32 {
      %mul3A_968 = arith.constant 16 : i32
      %mul3A_969 = arith.muli %scan3A_965, %mul3A_968 : i32
      %add3A_970 = arith.addi %sub3A_21, %mul3A_969 : i32
      %get3A = arith.index_cast %add3A_970 : i32 to index
      %get3A_971 = tpu.vector_load %arg5[%get3A] {strides = array<i32>} : memref<4096xi32, #tpu.memory_space<vmem>>, vector<16xi32>,
      %swap3A_972 = arith.constant 0 : index
      %swap3A_973 = tpu.vector_load %arg7[%swap3A_972] {strides = array<i32>} : memref<16xi32, #tpu.memory_space<vmem>>, vector<16xi32>,
      tpu.vector_store %arg7[%swap3A_972], %get3A_971 {strides = array<i32>} : memref<16xi32, #tpu.memory_space<vmem>>, vector<16xi32>,
      %sub3A_974 = arith.constant 1 : i32
      %sub3A_975 = vector.broadcast %sub3A_974 : i32 to vector<16xi32>
      %sub3A_976 = arith.subi %iota3A, %sub3A_975 : vector<16xi32>
      %max3A_977 = arith.constant 0 : i32
      %max3A_978 = vector.broadcast %max3A_977 : i32 to vector<16xi32>
      %max3A_979 = arith.maxsi %sub3A_976, %max3A_978 : vector<16xi32>
      %gather3A_980 = tpu.vector_load_idx %arg7[%max3A_979] : memref<16xi32, #tpu.memory_space<vmem>>[vector<16xi32>], vector<16xi32>,
      %ge3A_981 = arith.constant 1 : i32
      %ge3A_982 = vector.broadcast %ge3A_981 : i32 to vector<16xi32>
      %ge3A_983 = arith.cmpi sge, %iota3A, %ge3A_982 : vector<16xi32>
      %jit3A_984 = arith.constant 0 : i32
      %broadcast_in_dim3A_985 = vector.broadcast %jit3A_984 : i32 to vector<16xi32>
      %select_n3A_986 = arith.select %ge3A_983, %gather3A_980, %broadcast_in_dim3A_985 : vector<16xi1>, vector<16xi32>
      %add3A_987 = arith.addi %get3A_971, %select_n3A_986 : vector<16xi32>
      %swap3A_988 = arith.constant 0 : index
      %swap3A_989 = tpu.vector_load %arg7[%swap3A_988] {strides = array<i32>} : memref<16xi32, #tpu.memory_space<vmem>>, vector<16xi32>,
      tpu.vector_store %arg7[%swap3A_988], %add3A_987 {strides = array<i32>} : memref<16xi32, #tpu.memory_space<vmem>>, vector<16xi32>,
      %sub3A_990 = arith.constant 2 : i32
      %sub3A_991 = vector.broadcast %sub3A_990 : i32 to vector<16xi32>
      %sub3A_992 = arith.subi %iota3A, %sub3A_991 : vector<16xi32>
      %max3A_993 = arith.constant 0 : i32
      %max3A_994 = vector.broadcast %max3A_993 : i32 to vector<16xi32>
      %max3A_995 = arith.maxsi %sub3A_992, %max3A_994 : vector<16xi32>
      %gather3A_996 = tpu.vector_load_idx %arg7[%max3A_995] : memref<16xi32, #tpu.memory_space<vmem>>[vector<16xi32>], vector<16xi32>,
      %ge3A_997 = arith.constant 2 : i32
      %ge3A_998 = vector.broadcast %ge3A_997 : i32 to vector<16xi32>
      %ge3A_999 = arith.cmpi sge, %iota3A, %ge3A_998 : vector<16xi32>
      %jit3A_1000 = arith.constant 0 : i32
      %broadcast_in_dim3A_1001 = vector.broadcast %jit3A_1000 : i32 to vector<16xi32>
      %select_n3A_1002 = arith.select %ge3A_999, %gather3A_996, %broadcast_in_dim3A_1001 : vector<16xi1>, vector<16xi32>
      %add3A_1003 = arith.addi %add3A_987, %select_n3A_1002 : vector<16xi32>
      %swap3A_1004 = arith.constant 0 : index
      %swap3A_1005 = tpu.vector_load %arg7[%swap3A_1004] {strides = array<i32>} : memref<16xi32, #tpu.memory_space<vmem>>, vector<16xi32>,
      tpu.vector_store %arg7[%swap3A_1004], %add3A_1003 {strides = array<i32>} : memref<16xi32, #tpu.memory_space<vmem>>, vector<16xi32>,
      %sub3A_1006 = arith.constant 4 : i32
      %sub3A_1007 = vector.broadcast %sub3A_1006 : i32 to vector<16xi32>
      %sub3A_1008 = arith.subi %iota3A, %sub3A_1007 : vector<16xi32>
      %max3A_1009 = arith.constant 0 : i32
      %max3A_1010 = vector.broadcast %max3A_1009 : i32 to vector<16xi32>
      %max3A_1011 = arith.maxsi %sub3A_1008, %max3A_1010 : vector<16xi32>
      %gather3A_1012 = tpu.vector_load_idx %arg7[%max3A_1011] : memref<16xi32, #tpu.memory_space<vmem>>[vector<16xi32>], vector<16xi32>,
      %ge3A_1013 = arith.constant 4 : i32
      %ge3A_1014 = vector.broadcast %ge3A_1013 : i32 to vector<16xi32>
      %ge3A_1015 = arith.cmpi sge, %iota3A, %ge3A_1014 : vector<16xi32>
      %jit3A_1016 = arith.constant 0 : i32
      %broadcast_in_dim3A_1017 = vector.broadcast %jit3A_1016 : i32 to vector<16xi32>
      %select_n3A_1018 = arith.select %ge3A_1015, %gather3A_1012, %broadcast_in_dim3A_1017 : vector<16xi1>, vector<16xi32>
      %add3A_1019 = arith.addi %add3A_1003, %select_n3A_1018 : vector<16xi32>
      %swap3A_1020 = arith.constant 0 : index
      %swap3A_1021 = tpu.vector_load %arg7[%swap3A_1020] {strides = array<i32>} : memref<16xi32, #tpu.memory_space<vmem>>, vector<16xi32>,
      tpu.vector_store %arg7[%swap3A_1020], %add3A_1019 {strides = array<i32>} : memref<16xi32, #tpu.memory_space<vmem>>, vector<16xi32>,
      %sub3A_1022 = arith.constant 8 : i32
      %sub3A_1023 = vector.broadcast %sub3A_1022 : i32 to vector<16xi32>
      %sub3A_1024 = arith.subi %iota3A, %sub3A_1023 : vector<16xi32>
      %max3A_1025 = arith.constant 0 : i32
      %max3A_1026 = vector.broadcast %max3A_1025 : i32 to vector<16xi32>
      %max3A_1027 = arith.maxsi %sub3A_1024, %max3A_1026 : vector<16xi32>
      %gather3A_1028 = tpu.vector_load_idx %arg7[%max3A_1027] : memref<16xi32, #tpu.memory_space<vmem>>[vector<16xi32>], vector<16xi32>,
      %ge3A_1029 = arith.constant 8 : i32
      %ge3A_1030 = vector.broadcast %ge3A_1029 : i32 to vector<16xi32>
      %ge3A_1031 = arith.cmpi sge, %iota3A, %ge3A_1030 : vector<16xi32>
      %jit3A_1032 = arith.constant 0 : i32
      %broadcast_in_dim3A_1033 = vector.broadcast %jit3A_1032 : i32 to vector<16xi32>
      %select_n3A_1034 = arith.select %ge3A_1031, %gather3A_1028, %broadcast_in_dim3A_1033 : vector<16xi1>, vector<16xi32>
      %add3A_1035 = arith.addi %add3A_1019, %select_n3A_1034 : vector<16xi32>
      %add3A_1036 = arith.addi %scan3A_966, %add3A_1035 : vector<16xi32>
      %sub3A_1037 = arith.constant 1 : i32
      %sub3A_1038 = vector.broadcast %sub3A_1037 : i32 to vector<16xi32>
      %sub3A_1039 = arith.subi %add3A_1036, %sub3A_1038 : vector<16xi32>
      %max3A_1040 = arith.constant 0 : i32
      %max3A_1041 = vector.broadcast %max3A_1040 : i32 to vector<16xi32>
      %max3A_1042 = arith.maxsi %sub3A_1039, %max3A_1041 : vector<16xi32>
      %swap3A_1043 = arith.index_cast %scan3A_965 : i32 to index
      %swap3A_1044 = arith.constant 0 : index
      %swap3A_1045 = tpu.vector_load %arg6[%swap3A_1043, %swap3A_1044] {strides = array<i32>} : memref<16x16xi32, #tpu.memory_space<vmem>>, vector<16xi32>,
      tpu.vector_store %arg6[%swap3A_1043, %swap3A_1044], %max3A_1042 {strides = array<i32>} : memref<16x16xi32, #tpu.memory_space<vmem>>, vector<16xi32>,
      %eq3A = arith.constant 0 : i32
      %eq3A_1046 = vector.broadcast %eq3A : i32 to vector<16xi32>
      %eq3A_1047 = arith.cmpi eq, %get3A_971, %eq3A_1046 : vector<16xi32>
      %jit3A_1048 = arith.constant 1 : i32
      %jit3A_1049 = arith.constant 0 : i32
      %broadcast_in_dim3A_1050 = vector.broadcast %jit3A_1048 : i32 to vector<16xi32>
      %broadcast_in_dim3A_1051 = vector.broadcast %jit3A_1049 : i32 to vector<16xi32>
      %select_n3A_1052 = arith.select %eq3A_1047, %broadcast_in_dim3A_1050, %broadcast_in_dim3A_1051 : vector<16xi1>, vector<16xi32>
      %add3A_1053 = arith.addi %scan3A_967, %select_n3A_1052 : vector<16xi32>
      %swap3A_1054 = arith.constant 0 : index
      %swap3A_1055 = tpu.vector_load %arg7[%swap3A_1054] {strides = array<i32>} : memref<16xi32, #tpu.memory_space<vmem>>, vector<16xi32>,
      tpu.vector_store %arg7[%swap3A_1054], %add3A_1035 {strides = array<i32>} : memref<16xi32, #tpu.memory_space<vmem>>, vector<16xi32>,
      %broadcast_in_dim3A_1056 = arith.constant 15 : i32
      %broadcast_in_dim3A_1057 = vector.broadcast %broadcast_in_dim3A_1056 : i32 to vector<16xi32>
      %gather3A_1058 = tpu.vector_load_idx %arg7[%broadcast_in_dim3A_1057] : memref<16xi32, #tpu.memory_space<vmem>>[vector<16xi32>], vector<16xi32>,
      %add3A_1059 = arith.addi %scan3A_966, %gather3A_1058 : vector<16xi32>
      scf.yield %add3A_1059, %add3A_1053 : vector<16xi32>, vector<16xi32>
    }
    %scan3A_128 = arith.constant 16 : i32
    %dma_start3A = arith.constant 0 : i32
    %dma_start3A_129 = arith.constant 0 : i32
    %dma_start3A_130 = arith.constant 0 : i32
    %dma_start3A_131 = arith.constant 0 : i32
    %dma_start3A_132 = tpu.memref_slice %arg8[%dma_start3A_129, %dma_start3A_130, %dma_start3A_131] : memref<3x16x2048xf32, #tpu.memory_space<vmem>> -> memref<1x16x2048xf32, #tpu.memory_space<vmem>>
    %dma_start3A_133 = tpu.memref_squeeze %dma_start3A_132 : memref<1x16x2048xf32, #tpu.memory_space<vmem>> -> memref<16x2048xf32, #tpu.memory_space<vmem>>
    %dma_start3A_134 = arith.constant 0 : i32
    %dma_start3A_135 = tpu.memref_slice %arg6[%dma_start3A, %dma_start3A_134] : memref<16x16xi32, #tpu.memory_space<vmem>> -> memref<1x16xi32, #tpu.memory_space<vmem>>
    %dma_start3A_136 = tpu.memref_squeeze %dma_start3A_135 : memref<1x16xi32, #tpu.memory_space<vmem>> -> memref<16xi32, #tpu.memory_space<vmem>>
    %dma_start3A_137 = arith.constant 0 : i32
    %dma_start3A_138 = arith.constant 0 : i32
    %dma_start3A_139 = tpu.memref_slice %arg3[%dma_start3A_137, %dma_start3A_138] : memref<8192x2048xf32, #tpu.memory_space<hbm>> -> memref<8192x2048xf32, #tpu.memory_space<hbm>>
    tpu.enqueue_indirect_dma source(%dma_start3A_139 : memref<8192x2048xf32, #tpu.memory_space<hbm>>) target(%dma_start3A_133 : memref<16x2048xf32, #tpu.memory_space<vmem>>) offsets(%dma_start3A_136 : memref<16xi32, #tpu.memory_space<vmem>>) semaphore(%arg9 : memref<!tpu.dma_semaphore, #tpu.memory_space<semaphore_mem>>)
    %dma_start3A_140 = arith.constant 1 : i32
    %dma_start3A_141 = arith.constant 1 : i32
    %dma_start3A_142 = arith.constant 0 : i32
    %dma_start3A_143 = arith.constant 0 : i32
    %dma_start3A_144 = tpu.memref_slice %arg8[%dma_start3A_141, %dma_start3A_142, %dma_start3A_143] : memref<3x16x2048xf32, #tpu.memory_space<vmem>> -> memref<1x16x2048xf32, #tpu.memory_space<vmem>>
    %dma_start3A_145 = tpu.memref_squeeze %dma_start3A_144 : memref<1x16x2048xf32, #tpu.memory_space<vmem>> -> memref<16x2048xf32, #tpu.memory_space<vmem>>
    %dma_start3A_146 = arith.constant 0 : i32
    %dma_start3A_147 = tpu.memref_slice %arg6[%dma_start3A_140, %dma_start3A_146] : memref<16x16xi32, #tpu.memory_space<vmem>> -> memref<1x16xi32, #tpu.memory_space<vmem>>
    %dma_start3A_148 = tpu.memref_squeeze %dma_start3A_147 : memref<1x16xi32, #tpu.memory_space<vmem>> -> memref<16xi32, #tpu.memory_space<vmem>>
    %dma_start3A_149 = arith.constant 0 : i32
    %dma_start3A_150 = arith.constant 0 : i32
    %dma_start3A_151 = tpu.memref_slice %arg3[%dma_start3A_149, %dma_start3A_150] : memref<8192x2048xf32, #tpu.memory_space<hbm>> -> memref<8192x2048xf32, #tpu.memory_space<hbm>>
    tpu.enqueue_indirect_dma source(%dma_start3A_151 : memref<8192x2048xf32, #tpu.memory_space<hbm>>) target(%dma_start3A_145 : memref<16x2048xf32, #tpu.memory_space<vmem>>) offsets(%dma_start3A_148 : memref<16xi32, #tpu.memory_space<vmem>>) semaphore(%arg10 : memref<!tpu.dma_semaphore, #tpu.memory_space<semaphore_mem>>)
    %dma_start3A_152 = arith.constant 2 : i32
    %dma_start3A_153 = arith.constant 2 : i32
    %dma_start3A_154 = arith.constant 0 : i32
    %dma_start3A_155 = arith.constant 0 : i32
    %dma_start3A_156 = tpu.memref_slice %arg8[%dma_start3A_153, %dma_start3A_154, %dma_start3A_155] : memref<3x16x2048xf32, #tpu.memory_space<vmem>> -> memref<1x16x2048xf32, #tpu.memory_space<vmem>>
    %dma_start3A_157 = tpu.memref_squeeze %dma_start3A_156 : memref<1x16x2048xf32, #tpu.memory_space<vmem>> -> memref<16x2048xf32, #tpu.memory_space<vmem>>
    %dma_start3A_158 = arith.constant 0 : i32
    %dma_start3A_159 = tpu.memref_slice %arg6[%dma_start3A_152, %dma_start3A_158] : memref<16x16xi32, #tpu.memory_space<vmem>> -> memref<1x16xi32, #tpu.memory_space<vmem>>
    %dma_start3A_160 = tpu.memref_squeeze %dma_start3A_159 : memref<1x16xi32, #tpu.memory_space<vmem>> -> memref<16xi32, #tpu.memory_space<vmem>>
    %dma_start3A_161 = arith.constant 0 : i32
    %dma_start3A_162 = arith.constant 0 : i32
    %dma_start3A_163 = tpu.memref_slice %arg3[%dma_start3A_161, %dma_start3A_162] : memref<8192x2048xf32, #tpu.memory_space<hbm>> -> memref<8192x2048xf32, #tpu.memory_space<hbm>>
    tpu.enqueue_indirect_dma source(%dma_start3A_163 : memref<8192x2048xf32, #tpu.memory_space<hbm>>) target(%dma_start3A_157 : memref<16x2048xf32, #tpu.memory_space<vmem>>) offsets(%dma_start3A_160 : memref<16xi32, #tpu.memory_space<vmem>>) semaphore(%arg11 : memref<!tpu.dma_semaphore, #tpu.memory_space<semaphore_mem>>)
    %dma_wait3A = arith.constant 0 : i32
    %dma_wait3A_164 = arith.constant 0 : i32
    %dma_wait3A_165 = arith.constant 0 : i32
    %dma_wait3A_166 = arith.constant 0 : i32
    %dma_wait3A_167 = tpu.memref_slice %arg8[%dma_wait3A_164, %dma_wait3A_165, %dma_wait3A_166] : memref<3x16x2048xf32, #tpu.memory_space<vmem>> -> memref<1x16x2048xf32, #tpu.memory_space<vmem>>
    %dma_wait3A_168 = tpu.memref_squeeze %dma_wait3A_167 : memref<1x16x2048xf32, #tpu.memory_space<vmem>> -> memref<16x2048xf32, #tpu.memory_space<vmem>>
    %dma_wait3A_169 = arith.constant 0 : i32
    %dma_wait3A_170 = tpu.memref_slice %arg6[%dma_wait3A, %dma_wait3A_169] : memref<16x16xi32, #tpu.memory_space<vmem>> -> memref<1x16xi32, #tpu.memory_space<vmem>>
    %dma_wait3A_171 = tpu.memref_squeeze %dma_wait3A_170 : memref<1x16xi32, #tpu.memory_space<vmem>> -> memref<16xi32, #tpu.memory_space<vmem>>
    %dma_wait3A_172 = arith.constant 0 : i32
    %dma_wait3A_173 = arith.constant 0 : i32
    %dma_wait3A_174 = tpu.memref_slice %arg3[%dma_wait3A_172, %dma_wait3A_173] : memref<8192x2048xf32, #tpu.memory_space<hbm>> -> memref<8192x2048xf32, #tpu.memory_space<hbm>>
    tpu.wait_indirect_dma semaphore(%arg9 : memref<!tpu.dma_semaphore, #tpu.memory_space<semaphore_mem>>) src(%dma_wait3A_174 : memref<8192x2048xf32, #tpu.memory_space<hbm>>) dst(%dma_wait3A_168 : memref<16x2048xf32, #tpu.memory_space<vmem>>)
    %add3A_175 = arith.constant 0 : i32
    %add3A_176 = arith.addi %mul3A_2, %add3A_175 : i32
    %dma_start3A_177 = arith.constant 0 : i32
    %dma_start3A_178 = arith.constant 0 : i32
    %dma_start3A_179 = arith.constant 0 : i32
    %dma_start3A_180 = tpu.memref_slice %arg8[%dma_start3A_177, %dma_start3A_178, %dma_start3A_179] : memref<3x16x2048xf32, #tpu.memory_space<vmem>> -> memref<1x16x2048xf32, #tpu.memory_space<vmem>>
    %dma_start3A_181 = tpu.memref_squeeze %dma_start3A_180 : memref<1x16x2048xf32, #tpu.memory_space<vmem>> -> memref<16x2048xf32, #tpu.memory_space<vmem>>
    %dma_start3A_182 = arith.constant 0 : i32
    %dma_start3A_183 = tpu.memref_slice %arg4[%add3A_176, %dma_start3A_182] : memref<8192x2048xf32, #tpu.memory_space<hbm>> -> memref<16x2048xf32, #tpu.memory_space<hbm>>
    %dma_start3A_184 = arith.constant 0 : i32
    %dma_start3A_185 = tpu.memref_slice %arg4[%add3A_176, %dma_start3A_184] : memref<8192x2048xf32, #tpu.memory_space<hbm>> -> memref<16x2048xf32, #tpu.memory_space<hbm>>
    %dma_start3A_186 = arith.constant 0 : i32
    %dma_start3A_187 = arith.constant 0 : i32
    %dma_start3A_188 = tpu.memref_slice %arg8[%dma_start3A_177, %dma_start3A_186, %dma_start3A_187] : memref<3x16x2048xf32, #tpu.memory_space<vmem>> -> memref<1x16x2048xf32, #tpu.memory_space<vmem>>
    %dma_start3A_189 = tpu.memref_squeeze %dma_start3A_188 : memref<1x16x2048xf32, #tpu.memory_space<vmem>> -> memref<16x2048xf32, #tpu.memory_space<vmem>>
    tpu.enqueue_dma source(%dma_start3A_189 : memref<16x2048xf32, #tpu.memory_space<vmem>>) target(%dma_start3A_185 : memref<16x2048xf32, #tpu.memory_space<hbm>>) target_semaphore(%arg12 : memref<!tpu.dma_semaphore, #tpu.memory_space<semaphore_mem>>)
    %dma_wait3A_190 = arith.constant 0 : i32
    %dma_wait3A_191 = arith.constant 0 : i32
    %dma_wait3A_192 = arith.constant 0 : i32
    %dma_wait3A_193 = tpu.memref_slice %arg8[%dma_wait3A_190, %dma_wait3A_191, %dma_wait3A_192] : memref<3x16x2048xf32, #tpu.memory_space<vmem>> -> memref<1x16x2048xf32, #tpu.memory_space<vmem>>
    %dma_wait3A_194 = tpu.memref_squeeze %dma_wait3A_193 : memref<1x16x2048xf32, #tpu.memory_space<vmem>> -> memref<16x2048xf32, #tpu.memory_space<vmem>>
    %dma_wait3A_195 = arith.constant 0 : i32
    %dma_wait3A_196 = tpu.memref_slice %arg4[%add3A_176, %dma_wait3A_195] : memref<8192x2048xf32, #tpu.memory_space<hbm>> -> memref<16x2048xf32, #tpu.memory_space<hbm>>
    %dma_wait3A_197 = arith.constant 0 : i32
    %dma_wait3A_198 = tpu.memref_slice %arg4[%add3A_176, %dma_wait3A_197] : memref<8192x2048xf32, #tpu.memory_space<hbm>> -> memref<16x2048xf32, #tpu.memory_space<hbm>>
    %dma_wait3A_199 = arith.constant 0 : i32
    %dma_wait3A_200 = arith.constant 0 : i32
    %dma_wait3A_201 = tpu.memref_slice %arg8[%dma_wait3A_190, %dma_wait3A_199, %dma_wait3A_200] : memref<3x16x2048xf32, #tpu.memory_space<vmem>> -> memref<1x16x2048xf32, #tpu.memory_space<vmem>>
    %dma_wait3A_202 = tpu.memref_squeeze %dma_wait3A_201 : memref<1x16x2048xf32, #tpu.memory_space<vmem>> -> memref<16x2048xf32, #tpu.memory_space<vmem>>
    tpu.wait_dma2 semaphore(%arg12 : memref<!tpu.dma_semaphore, #tpu.memory_space<semaphore_mem>>) src(%dma_wait3A_202 : memref<16x2048xf32, #tpu.memory_space<vmem>>) dst(%dma_wait3A_198 : memref<16x2048xf32, #tpu.memory_space<hbm>>)
    %dma_start3A_203 = arith.constant 3 : i32
    %dma_start3A_204 = arith.constant 0 : i32
    %dma_start3A_205 = arith.constant 0 : i32
    %dma_start3A_206 = arith.constant 0 : i32
    %dma_start3A_207 = tpu.memref_slice %arg8[%dma_start3A_204, %dma_start3A_205, %dma_start3A_206] : memref<3x16x2048xf32, #tpu.memory_space<vmem>> -> memref<1x16x2048xf32, #tpu.memory_space<vmem>>
    %dma_start3A_208 = tpu.memref_squeeze %dma_start3A_207 : memref<1x16x2048xf32, #tpu.memory_space<vmem>> -> memref<16x2048xf32, #tpu.memory_space<vmem>>
    %dma_start3A_209 = arith.constant 0 : i32
    %dma_start3A_210 = tpu.memref_slice %arg6[%dma_start3A_203, %dma_start3A_209] : memref<16x16xi32, #tpu.memory_space<vmem>> -> memref<1x16xi32, #tpu.memory_space<vmem>>
    %dma_start3A_211 = tpu.memref_squeeze %dma_start3A_210 : memref<1x16xi32, #tpu.memory_space<vmem>> -> memref<16xi32, #tpu.memory_space<vmem>>
    %dma_start3A_212 = arith.constant 0 : i32
    %dma_start3A_213 = arith.constant 0 : i32
    %dma_start3A_214 = tpu.memref_slice %arg3[%dma_start3A_212, %dma_start3A_213] : memref<8192x2048xf32, #tpu.memory_space<hbm>> -> memref<8192x2048xf32, #tpu.memory_space<hbm>>
    tpu.enqueue_indirect_dma source(%dma_start3A_214 : memref<8192x2048xf32, #tpu.memory_space<hbm>>) target(%dma_start3A_208 : memref<16x2048xf32, #tpu.memory_space<vmem>>) offsets(%dma_start3A_211 : memref<16xi32, #tpu.memory_space<vmem>>) semaphore(%arg9 : memref<!tpu.dma_semaphore, #tpu.memory_space<semaphore_mem>>)
    %dma_wait3A_215 = arith.constant 1 : i32
    %dma_wait3A_216 = arith.constant 1 : i32
    %dma_wait3A_217 = arith.constant 0 : i32
    %dma_wait3A_218 = arith.constant 0 : i32
    %dma_wait3A_219 = tpu.memref_slice %arg8[%dma_wait3A_216, %dma_wait3A_217, %dma_wait3A_218] : memref<3x16x2048xf32, #tpu.memory_space<vmem>> -> memref<1x16x2048xf32, #tpu.memory_space<vmem>>
    %dma_wait3A_220 = tpu.memref_squeeze %dma_wait3A_219 : memref<1x16x2048xf32, #tpu.memory_space<vmem>> -> memref<16x2048xf32, #tpu.memory_space<vmem>>
    %dma_wait3A_221 = arith.constant 0 : i32
    %dma_wait3A_222 = tpu.memref_slice %arg6[%dma_wait3A_215, %dma_wait3A_221] : memref<16x16xi32, #tpu.memory_space<vmem>> -> memref<1x16xi32, #tpu.memory_space<vmem>>
    %dma_wait3A_223 = tpu.memref_squeeze %dma_wait3A_222 : memref<1x16xi32, #tpu.memory_space<vmem>> -> memref<16xi32, #tpu.memory_space<vmem>>
    %dma_wait3A_224 = arith.constant 0 : i32
    %dma_wait3A_225 = arith.constant 0 : i32
    %dma_wait3A_226 = tpu.memref_slice %arg3[%dma_wait3A_224, %dma_wait3A_225] : memref<8192x2048xf32, #tpu.memory_space<hbm>> -> memref<8192x2048xf32, #tpu.memory_space<hbm>>
    tpu.wait_indirect_dma semaphore(%arg10 : memref<!tpu.dma_semaphore, #tpu.memory_space<semaphore_mem>>) src(%dma_wait3A_226 : memref<8192x2048xf32, #tpu.memory_space<hbm>>) dst(%dma_wait3A_220 : memref<16x2048xf32, #tpu.memory_space<vmem>>)
    %add3A_227 = arith.constant 16 : i32
    %add3A_228 = arith.addi %mul3A_2, %add3A_227 : i32
    %dma_start3A_229 = arith.constant 1 : i32
    %dma_start3A_230 = arith.constant 0 : i32
    %dma_start3A_231 = arith.constant 0 : i32
    %dma_start3A_232 = tpu.memref_slice %arg8[%dma_start3A_229, %dma_start3A_230, %dma_start3A_231] : memref<3x16x2048xf32, #tpu.memory_space<vmem>> -> memref<1x16x2048xf32, #tpu.memory_space<vmem>>
    %dma_start3A_233 = tpu.memref_squeeze %dma_start3A_232 : memref<1x16x2048xf32, #tpu.memory_space<vmem>> -> memref<16x2048xf32, #tpu.memory_space<vmem>>
    %dma_start3A_234 = arith.constant 0 : i32
    %dma_start3A_235 = tpu.memref_slice %arg4[%add3A_228, %dma_start3A_234] : memref<8192x2048xf32, #tpu.memory_space<hbm>> -> memref<16x2048xf32, #tpu.memory_space<hbm>>
    %dma_start3A_236 = arith.constant 0 : i32
    %dma_start3A_237 = tpu.memref_slice %arg4[%add3A_228, %dma_start3A_236] : memref<8192x2048xf32, #tpu.memory_space<hbm>> -> memref<16x2048xf32, #tpu.memory_space<hbm>>
    %dma_start3A_238 = arith.constant 0 : i32
    %dma_start3A_239 = arith.constant 0 : i32
    %dma_start3A_240 = tpu.memref_slice %arg8[%dma_start3A_229, %dma_start3A_238, %dma_start3A_239] : memref<3x16x2048xf32, #tpu.memory_space<vmem>> -> memref<1x16x2048xf32, #tpu.memory_space<vmem>>
    %dma_start3A_241 = tpu.memref_squeeze %dma_start3A_240 : memref<1x16x2048xf32, #tpu.memory_space<vmem>> -> memref<16x2048xf32, #tpu.memory_space<vmem>>
    tpu.enqueue_dma source(%dma_start3A_241 : memref<16x2048xf32, #tpu.memory_space<vmem>>) target(%dma_start3A_237 : memref<16x2048xf32, #tpu.memory_space<hbm>>) target_semaphore(%arg13 : memref<!tpu.dma_semaphore, #tpu.memory_space<semaphore_mem>>)
    %dma_wait3A_242 = arith.constant 1 : i32
    %dma_wait3A_243 = arith.constant 0 : i32
    %dma_wait3A_244 = arith.constant 0 : i32
    %dma_wait3A_245 = tpu.memref_slice %arg8[%dma_wait3A_242, %dma_wait3A_243, %dma_wait3A_244] : memref<3x16x2048xf32, #tpu.memory_space<vmem>> -> memref<1x16x2048xf32, #tpu.memory_space<vmem>>
    %dma_wait3A_246 = tpu.memref_squeeze %dma_wait3A_245 : memref<1x16x2048xf32, #tpu.memory_space<vmem>> -> memref<16x2048xf32, #tpu.memory_space<vmem>>
    %dma_wait3A_247 = arith.constant 0 : i32
    %dma_wait3A_248 = tpu.memref_slice %arg4[%add3A_228, %dma_wait3A_247] : memref<8192x2048xf32, #tpu.memory_space<hbm>> -> memref<16x2048xf32, #tpu.memory_space<hbm>>
    %dma_wait3A_249 = arith.constant 0 : i32
    %dma_wait3A_250 = tpu.memref_slice %arg4[%add3A_228, %dma_wait3A_249] : memref<8192x2048xf32, #tpu.memory_space<hbm>> -> memref<16x2048xf32, #tpu.memory_space<hbm>>
    %dma_wait3A_251 = arith.constant 0 : i32
    %dma_wait3A_252 = arith.constant 0 : i32
    %dma_wait3A_253 = tpu.memref_slice %arg8[%dma_wait3A_242, %dma_wait3A_251, %dma_wait3A_252] : memref<3x16x2048xf32, #tpu.memory_space<vmem>> -> memref<1x16x2048xf32, #tpu.memory_space<vmem>>
    %dma_wait3A_254 = tpu.memref_squeeze %dma_wait3A_253 : memref<1x16x2048xf32, #tpu.memory_space<vmem>> -> memref<16x2048xf32, #tpu.memory_space<vmem>>
    tpu.wait_dma2 semaphore(%arg13 : memref<!tpu.dma_semaphore, #tpu.memory_space<semaphore_mem>>) src(%dma_wait3A_254 : memref<16x2048xf32, #tpu.memory_space<vmem>>) dst(%dma_wait3A_250 : memref<16x2048xf32, #tpu.memory_space<hbm>>)
    %dma_start3A_255 = arith.constant 4 : i32
    %dma_start3A_256 = arith.constant 1 : i32
    %dma_start3A_257 = arith.constant 0 : i32
    %dma_start3A_258 = arith.constant 0 : i32
    %dma_start3A_259 = tpu.memref_slice %arg8[%dma_start3A_256, %dma_start3A_257, %dma_start3A_258] : memref<3x16x2048xf32, #tpu.memory_space<vmem>> -> memref<1x16x2048xf32, #tpu.memory_space<vmem>>
    %dma_start3A_260 = tpu.memref_squeeze %dma_start3A_259 : memref<1x16x2048xf32, #tpu.memory_space<vmem>> -> memref<16x2048xf32, #tpu.memory_space<vmem>>
    %dma_start3A_261 = arith.constant 0 : i32
    %dma_start3A_262 = tpu.memref_slice %arg6[%dma_start3A_255, %dma_start3A_261] : memref<16x16xi32, #tpu.memory_space<vmem>> -> memref<1x16xi32, #tpu.memory_space<vmem>>
    %dma_start3A_263 = tpu.memref_squeeze %dma_start3A_262 : memref<1x16xi32, #tpu.memory_space<vmem>> -> memref<16xi32, #tpu.memory_space<vmem>>
    %dma_start3A_264 = arith.constant 0 : i32
    %dma_start3A_265 = arith.constant 0 : i32
    %dma_start3A_266 = tpu.memref_slice %arg3[%dma_start3A_264, %dma_start3A_265] : memref<8192x2048xf32, #tpu.memory_space<hbm>> -> memref<8192x2048xf32, #tpu.memory_space<hbm>>
    tpu.enqueue_indirect_dma source(%dma_start3A_266 : memref<8192x2048xf32, #tpu.memory_space<hbm>>) target(%dma_start3A_260 : memref<16x2048xf32, #tpu.memory_space<vmem>>) offsets(%dma_start3A_263 : memref<16xi32, #tpu.memory_space<vmem>>) semaphore(%arg10 : memref<!tpu.dma_semaphore, #tpu.memory_space<semaphore_mem>>)
    %dma_wait3A_267 = arith.constant 2 : i32
    %dma_wait3A_268 = arith.constant 2 : i32
    %dma_wait3A_269 = arith.constant 0 : i32
    %dma_wait3A_270 = arith.constant 0 : i32
    %dma_wait3A_271 = tpu.memref_slice %arg8[%dma_wait3A_268, %dma_wait3A_269, %dma_wait3A_270] : memref<3x16x2048xf32, #tpu.memory_space<vmem>> -> memref<1x16x2048xf32, #tpu.memory_space<vmem>>
    %dma_wait3A_272 = tpu.memref_squeeze %dma_wait3A_271 : memref<1x16x2048xf32, #tpu.memory_space<vmem>> -> memref<16x2048xf32, #tpu.memory_space<vmem>>
    %dma_wait3A_273 = arith.constant 0 : i32
    %dma_wait3A_274 = tpu.memref_slice %arg6[%dma_wait3A_267, %dma_wait3A_273] : memref<16x16xi32, #tpu.memory_space<vmem>> -> memref<1x16xi32, #tpu.memory_space<vmem>>
    %dma_wait3A_275 = tpu.memref_squeeze %dma_wait3A_274 : memref<1x16xi32, #tpu.memory_space<vmem>> -> memref<16xi32, #tpu.memory_space<vmem>>
    %dma_wait3A_276 = arith.constant 0 : i32
    %dma_wait3A_277 = arith.constant 0 : i32
    %dma_wait3A_278 = tpu.memref_slice %arg3[%dma_wait3A_276, %dma_wait3A_277] : memref<8192x2048xf32, #tpu.memory_space<hbm>> -> memref<8192x2048xf32, #tpu.memory_space<hbm>>
    tpu.wait_indirect_dma semaphore(%arg11 : memref<!tpu.dma_semaphore, #tpu.memory_space<semaphore_mem>>) src(%dma_wait3A_278 : memref<8192x2048xf32, #tpu.memory_space<hbm>>) dst(%dma_wait3A_272 : memref<16x2048xf32, #tpu.memory_space<vmem>>)
    %add3A_279 = arith.constant 32 : i32
    %add3A_280 = arith.addi %mul3A_2, %add3A_279 : i32
    %dma_start3A_281 = arith.constant 2 : i32
    %dma_start3A_282 = arith.constant 0 : i32
    %dma_start3A_283 = arith.constant 0 : i32
    %dma_start3A_284 = tpu.memref_slice %arg8[%dma_start3A_281, %dma_start3A_282, %dma_start3A_283] : memref<3x16x2048xf32, #tpu.memory_space<vmem>> -> memref<1x16x2048xf32, #tpu.memory_space<vmem>>
    %dma_start3A_285 = tpu.memref_squeeze %dma_start3A_284 : memref<1x16x2048xf32, #tpu.memory_space<vmem>> -> memref<16x2048xf32, #tpu.memory_space<vmem>>
    %dma_start3A_286 = arith.constant 0 : i32
    %dma_start3A_287 = tpu.memref_slice %arg4[%add3A_280, %dma_start3A_286] : memref<8192x2048xf32, #tpu.memory_space<hbm>> -> memref<16x2048xf32, #tpu.memory_space<hbm>>
    %dma_start3A_288 = arith.constant 0 : i32
    %dma_start3A_289 = tpu.memref_slice %arg4[%add3A_280, %dma_start3A_288] : memref<8192x2048xf32, #tpu.memory_space<hbm>> -> memref<16x2048xf32, #tpu.memory_space<hbm>>
    %dma_start3A_290 = arith.constant 0 : i32
    %dma_start3A_291 = arith.constant 0 : i32
    %dma_start3A_292 = tpu.memref_slice %arg8[%dma_start3A_281, %dma_start3A_290, %dma_start3A_291] : memref<3x16x2048xf32, #tpu.memory_space<vmem>> -> memref<1x16x2048xf32, #tpu.memory_space<vmem>>
    %dma_start3A_293 = tpu.memref_squeeze %dma_start3A_292 : memref<1x16x2048xf32, #tpu.memory_space<vmem>> -> memref<16x2048xf32, #tpu.memory_space<vmem>>
    tpu.enqueue_dma source(%dma_start3A_293 : memref<16x2048xf32, #tpu.memory_space<vmem>>) target(%dma_start3A_289 : memref<16x2048xf32, #tpu.memory_space<hbm>>) target_semaphore(%arg14 : memref<!tpu.dma_semaphore, #tpu.memory_space<semaphore_mem>>)
    %dma_wait3A_294 = arith.constant 2 : i32
    %dma_wait3A_295 = arith.constant 0 : i32
    %dma_wait3A_296 = arith.constant 0 : i32
    %dma_wait3A_297 = tpu.memref_slice %arg8[%dma_wait3A_294, %dma_wait3A_295, %dma_wait3A_296] : memref<3x16x2048xf32, #tpu.memory_space<vmem>> -> memref<1x16x2048xf32, #tpu.memory_space<vmem>>
    %dma_wait3A_298 = tpu.memref_squeeze %dma_wait3A_297 : memref<1x16x2048xf32, #tpu.memory_space<vmem>> -> memref<16x2048xf32, #tpu.memory_space<vmem>>
    %dma_wait3A_299 = arith.constant 0 : i32
    %dma_wait3A_300 = tpu.memref_slice %arg4[%add3A_280, %dma_wait3A_299] : memref<8192x2048xf32, #tpu.memory_space<hbm>> -> memref<16x2048xf32, #tpu.memory_space<hbm>>
    %dma_wait3A_301 = arith.constant 0 : i32
    %dma_wait3A_302 = tpu.memref_slice %arg4[%add3A_280, %dma_wait3A_301] : memref<8192x2048xf32, #tpu.memory_space<hbm>> -> memref<16x2048xf32, #tpu.memory_space<hbm>>
    %dma_wait3A_303 = arith.constant 0 : i32
    %dma_wait3A_304 = arith.constant 0 : i32
    %dma_wait3A_305 = tpu.memref_slice %arg8[%dma_wait3A_294, %dma_wait3A_303, %dma_wait3A_304] : memref<3x16x2048xf32, #tpu.memory_space<vmem>> -> memref<1x16x2048xf32, #tpu.memory_space<vmem>>
    %dma_wait3A_306 = tpu.memref_squeeze %dma_wait3A_305 : memref<1x16x2048xf32, #tpu.memory_space<vmem>> -> memref<16x2048xf32, #tpu.memory_space<vmem>>
    tpu.wait_dma2 semaphore(%arg14 : memref<!tpu.dma_semaphore, #tpu.memory_space<semaphore_mem>>) src(%dma_wait3A_306 : memref<16x2048xf32, #tpu.memory_space<vmem>>) dst(%dma_wait3A_302 : memref<16x2048xf32, #tpu.memory_space<hbm>>)
    %dma_start3A_307 = arith.constant 5 : i32
    %dma_start3A_308 = arith.constant 2 : i32
    %dma_start3A_309 = arith.constant 0 : i32
    %dma_start3A_310 = arith.constant 0 : i32
    %dma_start3A_311 = tpu.memref_slice %arg8[%dma_start3A_308, %dma_start3A_309, %dma_start3A_310] : memref<3x16x2048xf32, #tpu.memory_space<vmem>> -> memref<1x16x2048xf32, #tpu.memory_space<vmem>>
    %dma_start3A_312 = tpu.memref_squeeze %dma_start3A_311 : memref<1x16x2048xf32, #tpu.memory_space<vmem>> -> memref<16x2048xf32, #tpu.memory_space<vmem>>
    %dma_start3A_313 = arith.constant 0 : i32
    %dma_start3A_314 = tpu.memref_slice %arg6[%dma_start3A_307, %dma_start3A_313] : memref<16x16xi32, #tpu.memory_space<vmem>> -> memref<1x16xi32, #tpu.memory_space<vmem>>
    %dma_start3A_315 = tpu.memref_squeeze %dma_start3A_314 : memref<1x16xi32, #tpu.memory_space<vmem>> -> memref<16xi32, #tpu.memory_space<vmem>>
    %dma_start3A_316 = arith.constant 0 : i32
    %dma_start3A_317 = arith.constant 0 : i32
    %dma_start3A_318 = tpu.memref_slice %arg3[%dma_start3A_316, %dma_start3A_317] : memref<8192x2048xf32, #tpu.memory_space<hbm>> -> memref<8192x2048xf32, #tpu.memory_space<hbm>>
    tpu.enqueue_indirect_dma source(%dma_start3A_318 : memref<8192x2048xf32, #tpu.memory_space<hbm>>) target(%dma_start3A_312 : memref<16x2048xf32, #tpu.memory_space<vmem>>) offsets(%dma_start3A_315 : memref<16xi32, #tpu.memory_space<vmem>>) semaphore(%arg11 : memref<!tpu.dma_semaphore, #tpu.memory_space<semaphore_mem>>)
    %dma_wait3A_319 = arith.constant 3 : i32
    %dma_wait3A_320 = arith.constant 0 : i32
    %dma_wait3A_321 = arith.constant 0 : i32
    %dma_wait3A_322 = arith.constant 0 : i32
    %dma_wait3A_323 = tpu.memref_slice %arg8[%dma_wait3A_320, %dma_wait3A_321, %dma_wait3A_322] : memref<3x16x2048xf32, #tpu.memory_space<vmem>> -> memref<1x16x2048xf32, #tpu.memory_space<vmem>>
    %dma_wait3A_324 = tpu.memref_squeeze %dma_wait3A_323 : memref<1x16x2048xf32, #tpu.memory_space<vmem>> -> memref<16x2048xf32, #tpu.memory_space<vmem>>
    %dma_wait3A_325 = arith.constant 0 : i32
    %dma_wait3A_326 = tpu.memref_slice %arg6[%dma_wait3A_319, %dma_wait3A_325] : memref<16x16xi32, #tpu.memory_space<vmem>> -> memref<1x16xi32, #tpu.memory_space<vmem>>
    %dma_wait3A_327 = tpu.memref_squeeze %dma_wait3A_326 : memref<1x16xi32, #tpu.memory_space<vmem>> -> memref<16xi32, #tpu.memory_space<vmem>>
    %dma_wait3A_328 = arith.constant 0 : i32
    %dma_wait3A_329 = arith.constant 0 : i32
    %dma_wait3A_330 = tpu.memref_slice %arg3[%dma_wait3A_328, %dma_wait3A_329] : memref<8192x2048xf32, #tpu.memory_space<hbm>> -> memref<8192x2048xf32, #tpu.memory_space<hbm>>
    tpu.wait_indirect_dma semaphore(%arg9 : memref<!tpu.dma_semaphore, #tpu.memory_space<semaphore_mem>>) src(%dma_wait3A_330 : memref<8192x2048xf32, #tpu.memory_space<hbm>>) dst(%dma_wait3A_324 : memref<16x2048xf32, #tpu.memory_space<vmem>>)
    %add3A_331 = arith.constant 48 : i32
    %add3A_332 = arith.addi %mul3A_2, %add3A_331 : i32
    %dma_start3A_333 = arith.constant 0 : i32
    %dma_start3A_334 = arith.constant 0 : i32
    %dma_start3A_335 = arith.constant 0 : i32
    %dma_start3A_336 = tpu.memref_slice %arg8[%dma_start3A_333, %dma_start3A_334, %dma_start3A_335] : memref<3x16x2048xf32, #tpu.memory_space<vmem>> -> memref<1x16x2048xf32, #tpu.memory_space<vmem>>
    %dma_start3A_337 = tpu.memref_squeeze %dma_start3A_336 : memref<1x16x2048xf32, #tpu.memory_space<vmem>> -> memref<16x2048xf32, #tpu.memory_space<vmem>>
    %dma_start3A_338 = arith.constant 0 : i32
    %dma_start3A_339 = tpu.memref_slice %arg4[%add3A_332, %dma_start3A_338] : memref<8192x2048xf32, #tpu.memory_space<hbm>> -> memref<16x2048xf32, #tpu.memory_space<hbm>>
    %dma_start3A_340 = arith.constant 0 : i32
    %dma_start3A_341 = tpu.memref_slice %arg4[%add3A_332, %dma_start3A_340] : memref<8192x2048xf32, #tpu.memory_space<hbm>> -> memref<16x2048xf32, #tpu.memory_space<hbm>>
    %dma_start3A_342 = arith.constant 0 : i32
    %dma_start3A_343 = arith.constant 0 : i32
    %dma_start3A_344 = tpu.memref_slice %arg8[%dma_start3A_333, %dma_start3A_342, %dma_start3A_343] : memref<3x16x2048xf32, #tpu.memory_space<vmem>> -> memref<1x16x2048xf32, #tpu.memory_space<vmem>>
    %dma_start3A_345 = tpu.memref_squeeze %dma_start3A_344 : memref<1x16x2048xf32, #tpu.memory_space<vmem>> -> memref<16x2048xf32, #tpu.memory_space<vmem>>
    tpu.enqueue_dma source(%dma_start3A_345 : memref<16x2048xf32, #tpu.memory_space<vmem>>) target(%dma_start3A_341 : memref<16x2048xf32, #tpu.memory_space<hbm>>) target_semaphore(%arg12 : memref<!tpu.dma_semaphore, #tpu.memory_space<semaphore_mem>>)
    %dma_wait3A_346 = arith.constant 0 : i32
    %dma_wait3A_347 = arith.constant 0 : i32
    %dma_wait3A_348 = arith.constant 0 : i32
    %dma_wait3A_349 = tpu.memref_slice %arg8[%dma_wait3A_346, %dma_wait3A_347, %dma_wait3A_348] : memref<3x16x2048xf32, #tpu.memory_space<vmem>> -> memref<1x16x2048xf32, #tpu.memory_space<vmem>>
    %dma_wait3A_350 = tpu.memref_squeeze %dma_wait3A_349 : memref<1x16x2048xf32, #tpu.memory_space<vmem>> -> memref<16x2048xf32, #tpu.memory_space<vmem>>
    %dma_wait3A_351 = arith.constant 0 : i32
    %dma_wait3A_352 = tpu.memref_slice %arg4[%add3A_332, %dma_wait3A_351] : memref<8192x2048xf32, #tpu.memory_space<hbm>> -> memref<16x2048xf32, #tpu.memory_space<hbm>>
    %dma_wait3A_353 = arith.constant 0 : i32
    %dma_wait3A_354 = tpu.memref_slice %arg4[%add3A_332, %dma_wait3A_353] : memref<8192x2048xf32, #tpu.memory_space<hbm>> -> memref<16x2048xf32, #tpu.memory_space<hbm>>
    %dma_wait3A_355 = arith.constant 0 : i32
    %dma_wait3A_356 = arith.constant 0 : i32
    %dma_wait3A_357 = tpu.memref_slice %arg8[%dma_wait3A_346, %dma_wait3A_355, %dma_wait3A_356] : memref<3x16x2048xf32, #tpu.memory_space<vmem>> -> memref<1x16x2048xf32, #tpu.memory_space<vmem>>
    %dma_wait3A_358 = tpu.memref_squeeze %dma_wait3A_357 : memref<1x16x2048xf32, #tpu.memory_space<vmem>> -> memref<16x2048xf32, #tpu.memory_space<vmem>>
    tpu.wait_dma2 semaphore(%arg12 : memref<!tpu.dma_semaphore, #tpu.memory_space<semaphore_mem>>) src(%dma_wait3A_358 : memref<16x2048xf32, #tpu.memory_space<vmem>>) dst(%dma_wait3A_354 : memref<16x2048xf32, #tpu.memory_space<hbm>>)
    %dma_start3A_359 = arith.constant 6 : i32
    %dma_start3A_360 = arith.constant 0 : i32
    %dma_start3A_361 = arith.constant 0 : i32
    %dma_start3A_362 = arith.constant 0 : i32
    %dma_start3A_363 = tpu.memref_slice %arg8[%dma_start3A_360, %dma_start3A_361, %dma_start3A_362] : memref<3x16x2048xf32, #tpu.memory_space<vmem>> -> memref<1x16x2048xf32, #tpu.memory_space<vmem>>
    %dma_start3A_364 = tpu.memref_squeeze %dma_start3A_363 : memref<1x16x2048xf32, #tpu.memory_space<vmem>> -> memref<16x2048xf32, #tpu.memory_space<vmem>>
    %dma_start3A_365 = arith.constant 0 : i32
    %dma_start3A_366 = tpu.memref_slice %arg6[%dma_start3A_359, %dma_start3A_365] : memref<16x16xi32, #tpu.memory_space<vmem>> -> memref<1x16xi32, #tpu.memory_space<vmem>>
    %dma_start3A_367 = tpu.memref_squeeze %dma_start3A_366 : memref<1x16xi32, #tpu.memory_space<vmem>> -> memref<16xi32, #tpu.memory_space<vmem>>
    %dma_start3A_368 = arith.constant 0 : i32
    %dma_start3A_369 = arith.constant 0 : i32
    %dma_start3A_370 = tpu.memref_slice %arg3[%dma_start3A_368, %dma_start3A_369] : memref<8192x2048xf32, #tpu.memory_space<hbm>> -> memref<8192x2048xf32, #tpu.memory_space<hbm>>
    tpu.enqueue_indirect_dma source(%dma_start3A_370 : memref<8192x2048xf32, #tpu.memory_space<hbm>>) target(%dma_start3A_364 : memref<16x2048xf32, #tpu.memory_space<vmem>>) offsets(%dma_start3A_367 : memref<16xi32, #tpu.memory_space<vmem>>) semaphore(%arg9 : memref<!tpu.dma_semaphore, #tpu.memory_space<semaphore_mem>>)
    %dma_wait3A_371 = arith.constant 4 : i32
    %dma_wait3A_372 = arith.constant 1 : i32
    %dma_wait3A_373 = arith.constant 0 : i32
    %dma_wait3A_374 = arith.constant 0 : i32
    %dma_wait3A_375 = tpu.memref_slice %arg8[%dma_wait3A_372, %dma_wait3A_373, %dma_wait3A_374] : memref<3x16x2048xf32, #tpu.memory_space<vmem>> -> memref<1x16x2048xf32, #tpu.memory_space<vmem>>
    %dma_wait3A_376 = tpu.memref_squeeze %dma_wait3A_375 : memref<1x16x2048xf32, #tpu.memory_space<vmem>> -> memref<16x2048xf32, #tpu.memory_space<vmem>>
    %dma_wait3A_377 = arith.constant 0 : i32
    %dma_wait3A_378 = tpu.memref_slice %arg6[%dma_wait3A_371, %dma_wait3A_377] : memref<16x16xi32, #tpu.memory_space<vmem>> -> memref<1x16xi32, #tpu.memory_space<vmem>>
    %dma_wait3A_379 = tpu.memref_squeeze %dma_wait3A_378 : memref<1x16xi32, #tpu.memory_space<vmem>> -> memref<16xi32, #tpu.memory_space<vmem>>
    %dma_wait3A_380 = arith.constant 0 : i32
    %dma_wait3A_381 = arith.constant 0 : i32
    %dma_wait3A_382 = tpu.memref_slice %arg3[%dma_wait3A_380, %dma_wait3A_381] : memref<8192x2048xf32, #tpu.memory_space<hbm>> -> memref<8192x2048xf32, #tpu.memory_space<hbm>>
    tpu.wait_indirect_dma semaphore(%arg10 : memref<!tpu.dma_semaphore, #tpu.memory_space<semaphore_mem>>) src(%dma_wait3A_382 : memref<8192x2048xf32, #tpu.memory_space<hbm>>) dst(%dma_wait3A_376 : memref<16x2048xf32, #tpu.memory_space<vmem>>)
    %add3A_383 = arith.constant 64 : i32
    %add3A_384 = arith.addi %mul3A_2, %add3A_383 : i32
    %dma_start3A_385 = arith.constant 1 : i32
    %dma_start3A_386 = arith.constant 0 : i32
    %dma_start3A_387 = arith.constant 0 : i32
    %dma_start3A_388 = tpu.memref_slice %arg8[%dma_start3A_385, %dma_start3A_386, %dma_start3A_387] : memref<3x16x2048xf32, #tpu.memory_space<vmem>> -> memref<1x16x2048xf32, #tpu.memory_space<vmem>>
    %dma_start3A_389 = tpu.memref_squeeze %dma_start3A_388 : memref<1x16x2048xf32, #tpu.memory_space<vmem>> -> memref<16x2048xf32, #tpu.memory_space<vmem>>
    %dma_start3A_390 = arith.constant 0 : i32
    %dma_start3A_391 = tpu.memref_slice %arg4[%add3A_384, %dma_start3A_390] : memref<8192x2048xf32, #tpu.memory_space<hbm>> -> memref<16x2048xf32, #tpu.memory_space<hbm>>
    %dma_start3A_392 = arith.constant 0 : i32
    %dma_start3A_393 = tpu.memref_slice %arg4[%add3A_384, %dma_start3A_392] : memref<8192x2048xf32, #tpu.memory_space<hbm>> -> memref<16x2048xf32, #tpu.memory_space<hbm>>
    %dma_start3A_394 = arith.constant 0 : i32
    %dma_start3A_395 = arith.constant 0 : i32
    %dma_start3A_396 = tpu.memref_slice %arg8[%dma_start3A_385, %dma_start3A_394, %dma_start3A_395] : memref<3x16x2048xf32, #tpu.memory_space<vmem>> -> memref<1x16x2048xf32, #tpu.memory_space<vmem>>
    %dma_start3A_397 = tpu.memref_squeeze %dma_start3A_396 : memref<1x16x2048xf32, #tpu.memory_space<vmem>> -> memref<16x2048xf32, #tpu.memory_space<vmem>>
    tpu.enqueue_dma source(%dma_start3A_397 : memref<16x2048xf32, #tpu.memory_space<vmem>>) target(%dma_start3A_393 : memref<16x2048xf32, #tpu.memory_space<hbm>>) target_semaphore(%arg13 : memref<!tpu.dma_semaphore, #tpu.memory_space<semaphore_mem>>)
    %dma_wait3A_398 = arith.constant 1 : i32
    %dma_wait3A_399 = arith.constant 0 : i32
    %dma_wait3A_400 = arith.constant 0 : i32
    %dma_wait3A_401 = tpu.memref_slice %arg8[%dma_wait3A_398, %dma_wait3A_399, %dma_wait3A_400] : memref<3x16x2048xf32, #tpu.memory_space<vmem>> -> memref<1x16x2048xf32, #tpu.memory_space<vmem>>
    %dma_wait3A_402 = tpu.memref_squeeze %dma_wait3A_401 : memref<1x16x2048xf32, #tpu.memory_space<vmem>> -> memref<16x2048xf32, #tpu.memory_space<vmem>>
    %dma_wait3A_403 = arith.constant 0 : i32
    %dma_wait3A_404 = tpu.memref_slice %arg4[%add3A_384, %dma_wait3A_403] : memref<8192x2048xf32, #tpu.memory_space<hbm>> -> memref<16x2048xf32, #tpu.memory_space<hbm>>
    %dma_wait3A_405 = arith.constant 0 : i32
    %dma_wait3A_406 = tpu.memref_slice %arg4[%add3A_384, %dma_wait3A_405] : memref<8192x2048xf32, #tpu.memory_space<hbm>> -> memref<16x2048xf32, #tpu.memory_space<hbm>>
    %dma_wait3A_407 = arith.constant 0 : i32
    %dma_wait3A_408 = arith.constant 0 : i32
    %dma_wait3A_409 = tpu.memref_slice %arg8[%dma_wait3A_398, %dma_wait3A_407, %dma_wait3A_408] : memref<3x16x2048xf32, #tpu.memory_space<vmem>> -> memref<1x16x2048xf32, #tpu.memory_space<vmem>>
    %dma_wait3A_410 = tpu.memref_squeeze %dma_wait3A_409 : memref<1x16x2048xf32, #tpu.memory_space<vmem>> -> memref<16x2048xf32, #tpu.memory_space<vmem>>
    tpu.wait_dma2 semaphore(%arg13 : memref<!tpu.dma_semaphore, #tpu.memory_space<semaphore_mem>>) src(%dma_wait3A_410 : memref<16x2048xf32, #tpu.memory_space<vmem>>) dst(%dma_wait3A_406 : memref<16x2048xf32, #tpu.memory_space<hbm>>)
    %dma_start3A_411 = arith.constant 7 : i32
    %dma_start3A_412 = arith.constant 1 : i32
    %dma_start3A_413 = arith.constant 0 : i32
    %dma_start3A_414 = arith.constant 0 : i32
    %dma_start3A_415 = tpu.memref_slice %arg8[%dma_start3A_412, %dma_start3A_413, %dma_start3A_414] : memref<3x16x2048xf32, #tpu.memory_space<vmem>> -> memref<1x16x2048xf32, #tpu.memory_space<vmem>>
    %dma_start3A_416 = tpu.memref_squeeze %dma_start3A_415 : memref<1x16x2048xf32, #tpu.memory_space<vmem>> -> memref<16x2048xf32, #tpu.memory_space<vmem>>
    %dma_start3A_417 = arith.constant 0 : i32
    %dma_start3A_418 = tpu.memref_slice %arg6[%dma_start3A_411, %dma_start3A_417] : memref<16x16xi32, #tpu.memory_space<vmem>> -> memref<1x16xi32, #tpu.memory_space<vmem>>
    %dma_start3A_419 = tpu.memref_squeeze %dma_start3A_418 : memref<1x16xi32, #tpu.memory_space<vmem>> -> memref<16xi32, #tpu.memory_space<vmem>>
    %dma_start3A_420 = arith.constant 0 : i32
    %dma_start3A_421 = arith.constant 0 : i32
    %dma_start3A_422 = tpu.memref_slice %arg3[%dma_start3A_420, %dma_start3A_421] : memref<8192x2048xf32, #tpu.memory_space<hbm>> -> memref<8192x2048xf32, #tpu.memory_space<hbm>>
    tpu.enqueue_indirect_dma source(%dma_start3A_422 : memref<8192x2048xf32, #tpu.memory_space<hbm>>) target(%dma_start3A_416 : memref<16x2048xf32, #tpu.memory_space<vmem>>) offsets(%dma_start3A_419 : memref<16xi32, #tpu.memory_space<vmem>>) semaphore(%arg10 : memref<!tpu.dma_semaphore, #tpu.memory_space<semaphore_mem>>)
    %dma_wait3A_423 = arith.constant 5 : i32
    %dma_wait3A_424 = arith.constant 2 : i32
    %dma_wait3A_425 = arith.constant 0 : i32
    %dma_wait3A_426 = arith.constant 0 : i32
    %dma_wait3A_427 = tpu.memref_slice %arg8[%dma_wait3A_424, %dma_wait3A_425, %dma_wait3A_426] : memref<3x16x2048xf32, #tpu.memory_space<vmem>> -> memref<1x16x2048xf32, #tpu.memory_space<vmem>>
    %dma_wait3A_428 = tpu.memref_squeeze %dma_wait3A_427 : memref<1x16x2048xf32, #tpu.memory_space<vmem>> -> memref<16x2048xf32, #tpu.memory_space<vmem>>
    %dma_wait3A_429 = arith.constant 0 : i32
    %dma_wait3A_430 = tpu.memref_slice %arg6[%dma_wait3A_423, %dma_wait3A_429] : memref<16x16xi32, #tpu.memory_space<vmem>> -> memref<1x16xi32, #tpu.memory_space<vmem>>
    %dma_wait3A_431 = tpu.memref_squeeze %dma_wait3A_430 : memref<1x16xi32, #tpu.memory_space<vmem>> -> memref<16xi32, #tpu.memory_space<vmem>>
    %dma_wait3A_432 = arith.constant 0 : i32
    %dma_wait3A_433 = arith.constant 0 : i32
    %dma_wait3A_434 = tpu.memref_slice %arg3[%dma_wait3A_432, %dma_wait3A_433] : memref<8192x2048xf32, #tpu.memory_space<hbm>> -> memref<8192x2048xf32, #tpu.memory_space<hbm>>
    tpu.wait_indirect_dma semaphore(%arg11 : memref<!tpu.dma_semaphore, #tpu.memory_space<semaphore_mem>>) src(%dma_wait3A_434 : memref<8192x2048xf32, #tpu.memory_space<hbm>>) dst(%dma_wait3A_428 : memref<16x2048xf32, #tpu.memory_space<vmem>>)
    %add3A_435 = arith.constant 80 : i32
    %add3A_436 = arith.addi %mul3A_2, %add3A_435 : i32
    %dma_start3A_437 = arith.constant 2 : i32
    %dma_start3A_438 = arith.constant 0 : i32
    %dma_start3A_439 = arith.constant 0 : i32
    %dma_start3A_440 = tpu.memref_slice %arg8[%dma_start3A_437, %dma_start3A_438, %dma_start3A_439] : memref<3x16x2048xf32, #tpu.memory_space<vmem>> -> memref<1x16x2048xf32, #tpu.memory_space<vmem>>
    %dma_start3A_441 = tpu.memref_squeeze %dma_start3A_440 : memref<1x16x2048xf32, #tpu.memory_space<vmem>> -> memref<16x2048xf32, #tpu.memory_space<vmem>>
    %dma_start3A_442 = arith.constant 0 : i32
    %dma_start3A_443 = tpu.memref_slice %arg4[%add3A_436, %dma_start3A_442] : memref<8192x2048xf32, #tpu.memory_space<hbm>> -> memref<16x2048xf32, #tpu.memory_space<hbm>>
    %dma_start3A_444 = arith.constant 0 : i32
    %dma_start3A_445 = tpu.memref_slice %arg4[%add3A_436, %dma_start3A_444] : memref<8192x2048xf32, #tpu.memory_space<hbm>> -> memref<16x2048xf32, #tpu.memory_space<hbm>>
    %dma_start3A_446 = arith.constant 0 : i32
    %dma_start3A_447 = arith.constant 0 : i32
    %dma_start3A_448 = tpu.memref_slice %arg8[%dma_start3A_437, %dma_start3A_446, %dma_start3A_447] : memref<3x16x2048xf32, #tpu.memory_space<vmem>> -> memref<1x16x2048xf32, #tpu.memory_space<vmem>>
    %dma_start3A_449 = tpu.memref_squeeze %dma_start3A_448 : memref<1x16x2048xf32, #tpu.memory_space<vmem>> -> memref<16x2048xf32, #tpu.memory_space<vmem>>
    tpu.enqueue_dma source(%dma_start3A_449 : memref<16x2048xf32, #tpu.memory_space<vmem>>) target(%dma_start3A_445 : memref<16x2048xf32, #tpu.memory_space<hbm>>) target_semaphore(%arg14 : memref<!tpu.dma_semaphore, #tpu.memory_space<semaphore_mem>>)
    %dma_wait3A_450 = arith.constant 2 : i32
    %dma_wait3A_451 = arith.constant 0 : i32
    %dma_wait3A_452 = arith.constant 0 : i32
    %dma_wait3A_453 = tpu.memref_slice %arg8[%dma_wait3A_450, %dma_wait3A_451, %dma_wait3A_452] : memref<3x16x2048xf32, #tpu.memory_space<vmem>> -> memref<1x16x2048xf32, #tpu.memory_space<vmem>>
    %dma_wait3A_454 = tpu.memref_squeeze %dma_wait3A_453 : memref<1x16x2048xf32, #tpu.memory_space<vmem>> -> memref<16x2048xf32, #tpu.memory_space<vmem>>
    %dma_wait3A_455 = arith.constant 0 : i32
    %dma_wait3A_456 = tpu.memref_slice %arg4[%add3A_436, %dma_wait3A_455] : memref<8192x2048xf32, #tpu.memory_space<hbm>> -> memref<16x2048xf32, #tpu.memory_space<hbm>>
    %dma_wait3A_457 = arith.constant 0 : i32
    %dma_wait3A_458 = tpu.memref_slice %arg4[%add3A_436, %dma_wait3A_457] : memref<8192x2048xf32, #tpu.memory_space<hbm>> -> memref<16x2048xf32, #tpu.memory_space<hbm>>
    %dma_wait3A_459 = arith.constant 0 : i32
    %dma_wait3A_460 = arith.constant 0 : i32
    %dma_wait3A_461 = tpu.memref_slice %arg8[%dma_wait3A_450, %dma_wait3A_459, %dma_wait3A_460] : memref<3x16x2048xf32, #tpu.memory_space<vmem>> -> memref<1x16x2048xf32, #tpu.memory_space<vmem>>
    %dma_wait3A_462 = tpu.memref_squeeze %dma_wait3A_461 : memref<1x16x2048xf32, #tpu.memory_space<vmem>> -> memref<16x2048xf32, #tpu.memory_space<vmem>>
    tpu.wait_dma2 semaphore(%arg14 : memref<!tpu.dma_semaphore, #tpu.memory_space<semaphore_mem>>) src(%dma_wait3A_462 : memref<16x2048xf32, #tpu.memory_space<vmem>>) dst(%dma_wait3A_458 : memref<16x2048xf32, #tpu.memory_space<hbm>>)
    %dma_start3A_463 = arith.constant 8 : i32
    %dma_start3A_464 = arith.constant 2 : i32
    %dma_start3A_465 = arith.constant 0 : i32
    %dma_start3A_466 = arith.constant 0 : i32
    %dma_start3A_467 = tpu.memref_slice %arg8[%dma_start3A_464, %dma_start3A_465, %dma_start3A_466] : memref<3x16x2048xf32, #tpu.memory_space<vmem>> -> memref<1x16x2048xf32, #tpu.memory_space<vmem>>
    %dma_start3A_468 = tpu.memref_squeeze %dma_start3A_467 : memref<1x16x2048xf32, #tpu.memory_space<vmem>> -> memref<16x2048xf32, #tpu.memory_space<vmem>>
    %dma_start3A_469 = arith.constant 0 : i32
    %dma_start3A_470 = tpu.memref_slice %arg6[%dma_start3A_463, %dma_start3A_469] : memref<16x16xi32, #tpu.memory_space<vmem>> -> memref<1x16xi32, #tpu.memory_space<vmem>>
    %dma_start3A_471 = tpu.memref_squeeze %dma_start3A_470 : memref<1x16xi32, #tpu.memory_space<vmem>> -> memref<16xi32, #tpu.memory_space<vmem>>
    %dma_start3A_472 = arith.constant 0 : i32
    %dma_start3A_473 = arith.constant 0 : i32
    %dma_start3A_474 = tpu.memref_slice %arg3[%dma_start3A_472, %dma_start3A_473] : memref<8192x2048xf32, #tpu.memory_space<hbm>> -> memref<8192x2048xf32, #tpu.memory_space<hbm>>
    tpu.enqueue_indirect_dma source(%dma_start3A_474 : memref<8192x2048xf32, #tpu.memory_space<hbm>>) target(%dma_start3A_468 : memref<16x2048xf32, #tpu.memory_space<vmem>>) offsets(%dma_start3A_471 : memref<16xi32, #tpu.memory_space<vmem>>) semaphore(%arg11 : memref<!tpu.dma_semaphore, #tpu.memory_space<semaphore_mem>>)
    %dma_wait3A_475 = arith.constant 6 : i32
    %dma_wait3A_476 = arith.constant 0 : i32
    %dma_wait3A_477 = arith.constant 0 : i32
    %dma_wait3A_478 = arith.constant 0 : i32
    %dma_wait3A_479 = tpu.memref_slice %arg8[%dma_wait3A_476, %dma_wait3A_477, %dma_wait3A_478] : memref<3x16x2048xf32, #tpu.memory_space<vmem>> -> memref<1x16x2048xf32, #tpu.memory_space<vmem>>
    %dma_wait3A_480 = tpu.memref_squeeze %dma_wait3A_479 : memref<1x16x2048xf32, #tpu.memory_space<vmem>> -> memref<16x2048xf32, #tpu.memory_space<vmem>>
    %dma_wait3A_481 = arith.constant 0 : i32
    %dma_wait3A_482 = tpu.memref_slice %arg6[%dma_wait3A_475, %dma_wait3A_481] : memref<16x16xi32, #tpu.memory_space<vmem>> -> memref<1x16xi32, #tpu.memory_space<vmem>>
    %dma_wait3A_483 = tpu.memref_squeeze %dma_wait3A_482 : memref<1x16xi32, #tpu.memory_space<vmem>> -> memref<16xi32, #tpu.memory_space<vmem>>
    %dma_wait3A_484 = arith.constant 0 : i32
    %dma_wait3A_485 = arith.constant 0 : i32
    %dma_wait3A_486 = tpu.memref_slice %arg3[%dma_wait3A_484, %dma_wait3A_485] : memref<8192x2048xf32, #tpu.memory_space<hbm>> -> memref<8192x2048xf32, #tpu.memory_space<hbm>>
    tpu.wait_indirect_dma semaphore(%arg9 : memref<!tpu.dma_semaphore, #tpu.memory_space<semaphore_mem>>) src(%dma_wait3A_486 : memref<8192x2048xf32, #tpu.memory_space<hbm>>) dst(%dma_wait3A_480 : memref<16x2048xf32, #tpu.memory_space<vmem>>)
    %add3A_487 = arith.constant 96 : i32
    %add3A_488 = arith.addi %mul3A_2, %add3A_487 : i32
    %dma_start3A_489 = arith.constant 0 : i32
    %dma_start3A_490 = arith.constant 0 : i32
    %dma_start3A_491 = arith.constant 0 : i32
    %dma_start3A_492 = tpu.memref_slice %arg8[%dma_start3A_489, %dma_start3A_490, %dma_start3A_491] : memref<3x16x2048xf32, #tpu.memory_space<vmem>> -> memref<1x16x2048xf32, #tpu.memory_space<vmem>>
    %dma_start3A_493 = tpu.memref_squeeze %dma_start3A_492 : memref<1x16x2048xf32, #tpu.memory_space<vmem>> -> memref<16x2048xf32, #tpu.memory_space<vmem>>
    %dma_start3A_494 = arith.constant 0 : i32
    %dma_start3A_495 = tpu.memref_slice %arg4[%add3A_488, %dma_start3A_494] : memref<8192x2048xf32, #tpu.memory_space<hbm>> -> memref<16x2048xf32, #tpu.memory_space<hbm>>
    %dma_start3A_496 = arith.constant 0 : i32
    %dma_start3A_497 = tpu.memref_slice %arg4[%add3A_488, %dma_start3A_496] : memref<8192x2048xf32, #tpu.memory_space<hbm>> -> memref<16x2048xf32, #tpu.memory_space<hbm>>
    %dma_start3A_498 = arith.constant 0 : i32
    %dma_start3A_499 = arith.constant 0 : i32
    %dma_start3A_500 = tpu.memref_slice %arg8[%dma_start3A_489, %dma_start3A_498, %dma_start3A_499] : memref<3x16x2048xf32, #tpu.memory_space<vmem>> -> memref<1x16x2048xf32, #tpu.memory_space<vmem>>
    %dma_start3A_501 = tpu.memref_squeeze %dma_start3A_500 : memref<1x16x2048xf32, #tpu.memory_space<vmem>> -> memref<16x2048xf32, #tpu.memory_space<vmem>>
    tpu.enqueue_dma source(%dma_start3A_501 : memref<16x2048xf32, #tpu.memory_space<vmem>>) target(%dma_start3A_497 : memref<16x2048xf32, #tpu.memory_space<hbm>>) target_semaphore(%arg12 : memref<!tpu.dma_semaphore, #tpu.memory_space<semaphore_mem>>)
    %dma_wait3A_502 = arith.constant 0 : i32
    %dma_wait3A_503 = arith.constant 0 : i32
    %dma_wait3A_504 = arith.constant 0 : i32
    %dma_wait3A_505 = tpu.memref_slice %arg8[%dma_wait3A_502, %dma_wait3A_503, %dma_wait3A_504] : memref<3x16x2048xf32, #tpu.memory_space<vmem>> -> memref<1x16x2048xf32, #tpu.memory_space<vmem>>
    %dma_wait3A_506 = tpu.memref_squeeze %dma_wait3A_505 : memref<1x16x2048xf32, #tpu.memory_space<vmem>> -> memref<16x2048xf32, #tpu.memory_space<vmem>>
    %dma_wait3A_507 = arith.constant 0 : i32
    %dma_wait3A_508 = tpu.memref_slice %arg4[%add3A_488, %dma_wait3A_507] : memref<8192x2048xf32, #tpu.memory_space<hbm>> -> memref<16x2048xf32, #tpu.memory_space<hbm>>
    %dma_wait3A_509 = arith.constant 0 : i32
    %dma_wait3A_510 = tpu.memref_slice %arg4[%add3A_488, %dma_wait3A_509] : memref<8192x2048xf32, #tpu.memory_space<hbm>> -> memref<16x2048xf32, #tpu.memory_space<hbm>>
    %dma_wait3A_511 = arith.constant 0 : i32
    %dma_wait3A_512 = arith.constant 0 : i32
    %dma_wait3A_513 = tpu.memref_slice %arg8[%dma_wait3A_502, %dma_wait3A_511, %dma_wait3A_512] : memref<3x16x2048xf32, #tpu.memory_space<vmem>> -> memref<1x16x2048xf32, #tpu.memory_space<vmem>>
    %dma_wait3A_514 = tpu.memref_squeeze %dma_wait3A_513 : memref<1x16x2048xf32, #tpu.memory_space<vmem>> -> memref<16x2048xf32, #tpu.memory_space<vmem>>
    tpu.wait_dma2 semaphore(%arg12 : memref<!tpu.dma_semaphore, #tpu.memory_space<semaphore_mem>>) src(%dma_wait3A_514 : memref<16x2048xf32, #tpu.memory_space<vmem>>) dst(%dma_wait3A_510 : memref<16x2048xf32, #tpu.memory_space<hbm>>)
    %dma_start3A_515 = arith.constant 9 : i32
    %dma_start3A_516 = arith.constant 0 : i32
    %dma_start3A_517 = arith.constant 0 : i32
    %dma_start3A_518 = arith.constant 0 : i32
    %dma_start3A_519 = tpu.memref_slice %arg8[%dma_start3A_516, %dma_start3A_517, %dma_start3A_518] : memref<3x16x2048xf32, #tpu.memory_space<vmem>> -> memref<1x16x2048xf32, #tpu.memory_space<vmem>>
    %dma_start3A_520 = tpu.memref_squeeze %dma_start3A_519 : memref<1x16x2048xf32, #tpu.memory_space<vmem>> -> memref<16x2048xf32, #tpu.memory_space<vmem>>
    %dma_start3A_521 = arith.constant 0 : i32
    %dma_start3A_522 = tpu.memref_slice %arg6[%dma_start3A_515, %dma_start3A_521] : memref<16x16xi32, #tpu.memory_space<vmem>> -> memref<1x16xi32, #tpu.memory_space<vmem>>
    %dma_start3A_523 = tpu.memref_squeeze %dma_start3A_522 : memref<1x16xi32, #tpu.memory_space<vmem>> -> memref<16xi32, #tpu.memory_space<vmem>>
    %dma_start3A_524 = arith.constant 0 : i32
    %dma_start3A_525 = arith.constant 0 : i32
    %dma_start3A_526 = tpu.memref_slice %arg3[%dma_start3A_524, %dma_start3A_525] : memref<8192x2048xf32, #tpu.memory_space<hbm>> -> memref<8192x2048xf32, #tpu.memory_space<hbm>>
    tpu.enqueue_indirect_dma source(%dma_start3A_526 : memref<8192x2048xf32, #tpu.memory_space<hbm>>) target(%dma_start3A_520 : memref<16x2048xf32, #tpu.memory_space<vmem>>) offsets(%dma_start3A_523 : memref<16xi32, #tpu.memory_space<vmem>>) semaphore(%arg9 : memref<!tpu.dma_semaphore, #tpu.memory_space<semaphore_mem>>)
    %dma_wait3A_527 = arith.constant 7 : i32
    %dma_wait3A_528 = arith.constant 1 : i32
    %dma_wait3A_529 = arith.constant 0 : i32
    %dma_wait3A_530 = arith.constant 0 : i32
    %dma_wait3A_531 = tpu.memref_slice %arg8[%dma_wait3A_528, %dma_wait3A_529, %dma_wait3A_530] : memref<3x16x2048xf32, #tpu.memory_space<vmem>> -> memref<1x16x2048xf32, #tpu.memory_space<vmem>>
    %dma_wait3A_532 = tpu.memref_squeeze %dma_wait3A_531 : memref<1x16x2048xf32, #tpu.memory_space<vmem>> -> memref<16x2048xf32, #tpu.memory_space<vmem>>
    %dma_wait3A_533 = arith.constant 0 : i32
    %dma_wait3A_534 = tpu.memref_slice %arg6[%dma_wait3A_527, %dma_wait3A_533] : memref<16x16xi32, #tpu.memory_space<vmem>> -> memref<1x16xi32, #tpu.memory_space<vmem>>
    %dma_wait3A_535 = tpu.memref_squeeze %dma_wait3A_534 : memref<1x16xi32, #tpu.memory_space<vmem>> -> memref<16xi32, #tpu.memory_space<vmem>>
    %dma_wait3A_536 = arith.constant 0 : i32
    %dma_wait3A_537 = arith.constant 0 : i32
    %dma_wait3A_538 = tpu.memref_slice %arg3[%dma_wait3A_536, %dma_wait3A_537] : memref<8192x2048xf32, #tpu.memory_space<hbm>> -> memref<8192x2048xf32, #tpu.memory_space<hbm>>
    tpu.wait_indirect_dma semaphore(%arg10 : memref<!tpu.dma_semaphore, #tpu.memory_space<semaphore_mem>>) src(%dma_wait3A_538 : memref<8192x2048xf32, #tpu.memory_space<hbm>>) dst(%dma_wait3A_532 : memref<16x2048xf32, #tpu.memory_space<vmem>>)
    %add3A_539 = arith.constant 112 : i32
    %add3A_540 = arith.addi %mul3A_2, %add3A_539 : i32
    %dma_start3A_541 = arith.constant 1 : i32
    %dma_start3A_542 = arith.constant 0 : i32
    %dma_start3A_543 = arith.constant 0 : i32
    %dma_start3A_544 = tpu.memref_slice %arg8[%dma_start3A_541, %dma_start3A_542, %dma_start3A_543] : memref<3x16x2048xf32, #tpu.memory_space<vmem>> -> memref<1x16x2048xf32, #tpu.memory_space<vmem>>
    %dma_start3A_545 = tpu.memref_squeeze %dma_start3A_544 : memref<1x16x2048xf32, #tpu.memory_space<vmem>> -> memref<16x2048xf32, #tpu.memory_space<vmem>>
    %dma_start3A_546 = arith.constant 0 : i32
    %dma_start3A_547 = tpu.memref_slice %arg4[%add3A_540, %dma_start3A_546] : memref<8192x2048xf32, #tpu.memory_space<hbm>> -> memref<16x2048xf32, #tpu.memory_space<hbm>>
    %dma_start3A_548 = arith.constant 0 : i32
    %dma_start3A_549 = tpu.memref_slice %arg4[%add3A_540, %dma_start3A_548] : memref<8192x2048xf32, #tpu.memory_space<hbm>> -> memref<16x2048xf32, #tpu.memory_space<hbm>>
    %dma_start3A_550 = arith.constant 0 : i32
    %dma_start3A_551 = arith.constant 0 : i32
    %dma_start3A_552 = tpu.memref_slice %arg8[%dma_start3A_541, %dma_start3A_550, %dma_start3A_551] : memref<3x16x2048xf32, #tpu.memory_space<vmem>> -> memref<1x16x2048xf32, #tpu.memory_space<vmem>>
    %dma_start3A_553 = tpu.memref_squeeze %dma_start3A_552 : memref<1x16x2048xf32, #tpu.memory_space<vmem>> -> memref<16x2048xf32, #tpu.memory_space<vmem>>
    tpu.enqueue_dma source(%dma_start3A_553 : memref<16x2048xf32, #tpu.memory_space<vmem>>) target(%dma_start3A_549 : memref<16x2048xf32, #tpu.memory_space<hbm>>) target_semaphore(%arg13 : memref<!tpu.dma_semaphore, #tpu.memory_space<semaphore_mem>>)
    %dma_wait3A_554 = arith.constant 1 : i32
    %dma_wait3A_555 = arith.constant 0 : i32
    %dma_wait3A_556 = arith.constant 0 : i32
    %dma_wait3A_557 = tpu.memref_slice %arg8[%dma_wait3A_554, %dma_wait3A_555, %dma_wait3A_556] : memref<3x16x2048xf32, #tpu.memory_space<vmem>> -> memref<1x16x2048xf32, #tpu.memory_space<vmem>>
    %dma_wait3A_558 = tpu.memref_squeeze %dma_wait3A_557 : memref<1x16x2048xf32, #tpu.memory_space<vmem>> -> memref<16x2048xf32, #tpu.memory_space<vmem>>
    %dma_wait3A_559 = arith.constant 0 : i32
    %dma_wait3A_560 = tpu.memref_slice %arg4[%add3A_540, %dma_wait3A_559] : memref<8192x2048xf32, #tpu.memory_space<hbm>> -> memref<16x2048xf32, #tpu.memory_space<hbm>>
    %dma_wait3A_561 = arith.constant 0 : i32
    %dma_wait3A_562 = tpu.memref_slice %arg4[%add3A_540, %dma_wait3A_561] : memref<8192x2048xf32, #tpu.memory_space<hbm>> -> memref<16x2048xf32, #tpu.memory_space<hbm>>
    %dma_wait3A_563 = arith.constant 0 : i32
    %dma_wait3A_564 = arith.constant 0 : i32
    %dma_wait3A_565 = tpu.memref_slice %arg8[%dma_wait3A_554, %dma_wait3A_563, %dma_wait3A_564] : memref<3x16x2048xf32, #tpu.memory_space<vmem>> -> memref<1x16x2048xf32, #tpu.memory_space<vmem>>
    %dma_wait3A_566 = tpu.memref_squeeze %dma_wait3A_565 : memref<1x16x2048xf32, #tpu.memory_space<vmem>> -> memref<16x2048xf32, #tpu.memory_space<vmem>>
    tpu.wait_dma2 semaphore(%arg13 : memref<!tpu.dma_semaphore, #tpu.memory_space<semaphore_mem>>) src(%dma_wait3A_566 : memref<16x2048xf32, #tpu.memory_space<vmem>>) dst(%dma_wait3A_562 : memref<16x2048xf32, #tpu.memory_space<hbm>>)
    %dma_start3A_567 = arith.constant 10 : i32
    %dma_start3A_568 = arith.constant 1 : i32
    %dma_start3A_569 = arith.constant 0 : i32
    %dma_start3A_570 = arith.constant 0 : i32
    %dma_start3A_571 = tpu.memref_slice %arg8[%dma_start3A_568, %dma_start3A_569, %dma_start3A_570] : memref<3x16x2048xf32, #tpu.memory_space<vmem>> -> memref<1x16x2048xf32, #tpu.memory_space<vmem>>
    %dma_start3A_572 = tpu.memref_squeeze %dma_start3A_571 : memref<1x16x2048xf32, #tpu.memory_space<vmem>> -> memref<16x2048xf32, #tpu.memory_space<vmem>>
    %dma_start3A_573 = arith.constant 0 : i32
    %dma_start3A_574 = tpu.memref_slice %arg6[%dma_start3A_567, %dma_start3A_573] : memref<16x16xi32, #tpu.memory_space<vmem>> -> memref<1x16xi32, #tpu.memory_space<vmem>>
    %dma_start3A_575 = tpu.memref_squeeze %dma_start3A_574 : memref<1x16xi32, #tpu.memory_space<vmem>> -> memref<16xi32, #tpu.memory_space<vmem>>
    %dma_start3A_576 = arith.constant 0 : i32
    %dma_start3A_577 = arith.constant 0 : i32
    %dma_start3A_578 = tpu.memref_slice %arg3[%dma_start3A_576, %dma_start3A_577] : memref<8192x2048xf32, #tpu.memory_space<hbm>> -> memref<8192x2048xf32, #tpu.memory_space<hbm>>
    tpu.enqueue_indirect_dma source(%dma_start3A_578 : memref<8192x2048xf32, #tpu.memory_space<hbm>>) target(%dma_start3A_572 : memref<16x2048xf32, #tpu.memory_space<vmem>>) offsets(%dma_start3A_575 : memref<16xi32, #tpu.memory_space<vmem>>) semaphore(%arg10 : memref<!tpu.dma_semaphore, #tpu.memory_space<semaphore_mem>>)
    %dma_wait3A_579 = arith.constant 8 : i32
    %dma_wait3A_580 = arith.constant 2 : i32
    %dma_wait3A_581 = arith.constant 0 : i32
    %dma_wait3A_582 = arith.constant 0 : i32
    %dma_wait3A_583 = tpu.memref_slice %arg8[%dma_wait3A_580, %dma_wait3A_581, %dma_wait3A_582] : memref<3x16x2048xf32, #tpu.memory_space<vmem>> -> memref<1x16x2048xf32, #tpu.memory_space<vmem>>
    %dma_wait3A_584 = tpu.memref_squeeze %dma_wait3A_583 : memref<1x16x2048xf32, #tpu.memory_space<vmem>> -> memref<16x2048xf32, #tpu.memory_space<vmem>>
    %dma_wait3A_585 = arith.constant 0 : i32
    %dma_wait3A_586 = tpu.memref_slice %arg6[%dma_wait3A_579, %dma_wait3A_585] : memref<16x16xi32, #tpu.memory_space<vmem>> -> memref<1x16xi32, #tpu.memory_space<vmem>>
    %dma_wait3A_587 = tpu.memref_squeeze %dma_wait3A_586 : memref<1x16xi32, #tpu.memory_space<vmem>> -> memref<16xi32, #tpu.memory_space<vmem>>
    %dma_wait3A_588 = arith.constant 0 : i32
    %dma_wait3A_589 = arith.constant 0 : i32
    %dma_wait3A_590 = tpu.memref_slice %arg3[%dma_wait3A_588, %dma_wait3A_589] : memref<8192x2048xf32, #tpu.memory_space<hbm>> -> memref<8192x2048xf32, #tpu.memory_space<hbm>>
    tpu.wait_indirect_dma semaphore(%arg11 : memref<!tpu.dma_semaphore, #tpu.memory_space<semaphore_mem>>) src(%dma_wait3A_590 : memref<8192x2048xf32, #tpu.memory_space<hbm>>) dst(%dma_wait3A_584 : memref<16x2048xf32, #tpu.memory_space<vmem>>)
    %add3A_591 = arith.constant 128 : i32
    %add3A_592 = arith.addi %mul3A_2, %add3A_591 : i32
    %dma_start3A_593 = arith.constant 2 : i32
    %dma_start3A_594 = arith.constant 0 : i32
    %dma_start3A_595 = arith.constant 0 : i32
    %dma_start3A_596 = tpu.memref_slice %arg8[%dma_start3A_593, %dma_start3A_594, %dma_start3A_595] : memref<3x16x2048xf32, #tpu.memory_space<vmem>> -> memref<1x16x2048xf32, #tpu.memory_space<vmem>>
    %dma_start3A_597 = tpu.memref_squeeze %dma_start3A_596 : memref<1x16x2048xf32, #tpu.memory_space<vmem>> -> memref<16x2048xf32, #tpu.memory_space<vmem>>
    %dma_start3A_598 = arith.constant 0 : i32
    %dma_start3A_599 = tpu.memref_slice %arg4[%add3A_592, %dma_start3A_598] : memref<8192x2048xf32, #tpu.memory_space<hbm>> -> memref<16x2048xf32, #tpu.memory_space<hbm>>
    %dma_start3A_600 = arith.constant 0 : i32
    %dma_start3A_601 = tpu.memref_slice %arg4[%add3A_592, %dma_start3A_600] : memref<8192x2048xf32, #tpu.memory_space<hbm>> -> memref<16x2048xf32, #tpu.memory_space<hbm>>
    %dma_start3A_602 = arith.constant 0 : i32
    %dma_start3A_603 = arith.constant 0 : i32
    %dma_start3A_604 = tpu.memref_slice %arg8[%dma_start3A_593, %dma_start3A_602, %dma_start3A_603] : memref<3x16x2048xf32, #tpu.memory_space<vmem>> -> memref<1x16x2048xf32, #tpu.memory_space<vmem>>
    %dma_start3A_605 = tpu.memref_squeeze %dma_start3A_604 : memref<1x16x2048xf32, #tpu.memory_space<vmem>> -> memref<16x2048xf32, #tpu.memory_space<vmem>>
    tpu.enqueue_dma source(%dma_start3A_605 : memref<16x2048xf32, #tpu.memory_space<vmem>>) target(%dma_start3A_601 : memref<16x2048xf32, #tpu.memory_space<hbm>>) target_semaphore(%arg14 : memref<!tpu.dma_semaphore, #tpu.memory_space<semaphore_mem>>)
    %dma_wait3A_606 = arith.constant 2 : i32
    %dma_wait3A_607 = arith.constant 0 : i32
    %dma_wait3A_608 = arith.constant 0 : i32
    %dma_wait3A_609 = tpu.memref_slice %arg8[%dma_wait3A_606, %dma_wait3A_607, %dma_wait3A_608] : memref<3x16x2048xf32, #tpu.memory_space<vmem>> -> memref<1x16x2048xf32, #tpu.memory_space<vmem>>
    %dma_wait3A_610 = tpu.memref_squeeze %dma_wait3A_609 : memref<1x16x2048xf32, #tpu.memory_space<vmem>> -> memref<16x2048xf32, #tpu.memory_space<vmem>>
    %dma_wait3A_611 = arith.constant 0 : i32
    %dma_wait3A_612 = tpu.memref_slice %arg4[%add3A_592, %dma_wait3A_611] : memref<8192x2048xf32, #tpu.memory_space<hbm>> -> memref<16x2048xf32, #tpu.memory_space<hbm>>
    %dma_wait3A_613 = arith.constant 0 : i32
    %dma_wait3A_614 = tpu.memref_slice %arg4[%add3A_592, %dma_wait3A_613] : memref<8192x2048xf32, #tpu.memory_space<hbm>> -> memref<16x2048xf32, #tpu.memory_space<hbm>>
    %dma_wait3A_615 = arith.constant 0 : i32
    %dma_wait3A_616 = arith.constant 0 : i32
    %dma_wait3A_617 = tpu.memref_slice %arg8[%dma_wait3A_606, %dma_wait3A_615, %dma_wait3A_616] : memref<3x16x2048xf32, #tpu.memory_space<vmem>> -> memref<1x16x2048xf32, #tpu.memory_space<vmem>>
    %dma_wait3A_618 = tpu.memref_squeeze %dma_wait3A_617 : memref<1x16x2048xf32, #tpu.memory_space<vmem>> -> memref<16x2048xf32, #tpu.memory_space<vmem>>
    tpu.wait_dma2 semaphore(%arg14 : memref<!tpu.dma_semaphore, #tpu.memory_space<semaphore_mem>>) src(%dma_wait3A_618 : memref<16x2048xf32, #tpu.memory_space<vmem>>) dst(%dma_wait3A_614 : memref<16x2048xf32, #tpu.memory_space<hbm>>)
    %dma_start3A_619 = arith.constant 11 : i32
    %dma_start3A_620 = arith.constant 2 : i32
    %dma_start3A_621 = arith.constant 0 : i32
    %dma_start3A_622 = arith.constant 0 : i32
    %dma_start3A_623 = tpu.memref_slice %arg8[%dma_start3A_620, %dma_start3A_621, %dma_start3A_622] : memref<3x16x2048xf32, #tpu.memory_space<vmem>> -> memref<1x16x2048xf32, #tpu.memory_space<vmem>>
    %dma_start3A_624 = tpu.memref_squeeze %dma_start3A_623 : memref<1x16x2048xf32, #tpu.memory_space<vmem>> -> memref<16x2048xf32, #tpu.memory_space<vmem>>
    %dma_start3A_625 = arith.constant 0 : i32
    %dma_start3A_626 = tpu.memref_slice %arg6[%dma_start3A_619, %dma_start3A_625] : memref<16x16xi32, #tpu.memory_space<vmem>> -> memref<1x16xi32, #tpu.memory_space<vmem>>
    %dma_start3A_627 = tpu.memref_squeeze %dma_start3A_626 : memref<1x16xi32, #tpu.memory_space<vmem>> -> memref<16xi32, #tpu.memory_space<vmem>>
    %dma_start3A_628 = arith.constant 0 : i32
    %dma_start3A_629 = arith.constant 0 : i32
    %dma_start3A_630 = tpu.memref_slice %arg3[%dma_start3A_628, %dma_start3A_629] : memref<8192x2048xf32, #tpu.memory_space<hbm>> -> memref<8192x2048xf32, #tpu.memory_space<hbm>>
    tpu.enqueue_indirect_dma source(%dma_start3A_630 : memref<8192x2048xf32, #tpu.memory_space<hbm>>) target(%dma_start3A_624 : memref<16x2048xf32, #tpu.memory_space<vmem>>) offsets(%dma_start3A_627 : memref<16xi32, #tpu.memory_space<vmem>>) semaphore(%arg11 : memref<!tpu.dma_semaphore, #tpu.memory_space<semaphore_mem>>)
    %dma_wait3A_631 = arith.constant 9 : i32
    %dma_wait3A_632 = arith.constant 0 : i32
    %dma_wait3A_633 = arith.constant 0 : i32
    %dma_wait3A_634 = arith.constant 0 : i32
    %dma_wait3A_635 = tpu.memref_slice %arg8[%dma_wait3A_632, %dma_wait3A_633, %dma_wait3A_634] : memref<3x16x2048xf32, #tpu.memory_space<vmem>> -> memref<1x16x2048xf32, #tpu.memory_space<vmem>>
    %dma_wait3A_636 = tpu.memref_squeeze %dma_wait3A_635 : memref<1x16x2048xf32, #tpu.memory_space<vmem>> -> memref<16x2048xf32, #tpu.memory_space<vmem>>
    %dma_wait3A_637 = arith.constant 0 : i32
    %dma_wait3A_638 = tpu.memref_slice %arg6[%dma_wait3A_631, %dma_wait3A_637] : memref<16x16xi32, #tpu.memory_space<vmem>> -> memref<1x16xi32, #tpu.memory_space<vmem>>
    %dma_wait3A_639 = tpu.memref_squeeze %dma_wait3A_638 : memref<1x16xi32, #tpu.memory_space<vmem>> -> memref<16xi32, #tpu.memory_space<vmem>>
    %dma_wait3A_640 = arith.constant 0 : i32
    %dma_wait3A_641 = arith.constant 0 : i32
    %dma_wait3A_642 = tpu.memref_slice %arg3[%dma_wait3A_640, %dma_wait3A_641] : memref<8192x2048xf32, #tpu.memory_space<hbm>> -> memref<8192x2048xf32, #tpu.memory_space<hbm>>
    tpu.wait_indirect_dma semaphore(%arg9 : memref<!tpu.dma_semaphore, #tpu.memory_space<semaphore_mem>>) src(%dma_wait3A_642 : memref<8192x2048xf32, #tpu.memory_space<hbm>>) dst(%dma_wait3A_636 : memref<16x2048xf32, #tpu.memory_space<vmem>>)
    %add3A_643 = arith.constant 144 : i32
    %add3A_644 = arith.addi %mul3A_2, %add3A_643 : i32
    %dma_start3A_645 = arith.constant 0 : i32
    %dma_start3A_646 = arith.constant 0 : i32
    %dma_start3A_647 = arith.constant 0 : i32
    %dma_start3A_648 = tpu.memref_slice %arg8[%dma_start3A_645, %dma_start3A_646, %dma_start3A_647] : memref<3x16x2048xf32, #tpu.memory_space<vmem>> -> memref<1x16x2048xf32, #tpu.memory_space<vmem>>
    %dma_start3A_649 = tpu.memref_squeeze %dma_start3A_648 : memref<1x16x2048xf32, #tpu.memory_space<vmem>> -> memref<16x2048xf32, #tpu.memory_space<vmem>>
    %dma_start3A_650 = arith.constant 0 : i32
    %dma_start3A_651 = tpu.memref_slice %arg4[%add3A_644, %dma_start3A_650] : memref<8192x2048xf32, #tpu.memory_space<hbm>> -> memref<16x2048xf32, #tpu.memory_space<hbm>>
    %dma_start3A_652 = arith.constant 0 : i32
    %dma_start3A_653 = tpu.memref_slice %arg4[%add3A_644, %dma_start3A_652] : memref<8192x2048xf32, #tpu.memory_space<hbm>> -> memref<16x2048xf32, #tpu.memory_space<hbm>>
    %dma_start3A_654 = arith.constant 0 : i32
    %dma_start3A_655 = arith.constant 0 : i32
    %dma_start3A_656 = tpu.memref_slice %arg8[%dma_start3A_645, %dma_start3A_654, %dma_start3A_655] : memref<3x16x2048xf32, #tpu.memory_space<vmem>> -> memref<1x16x2048xf32, #tpu.memory_space<vmem>>
    %dma_start3A_657 = tpu.memref_squeeze %dma_start3A_656 : memref<1x16x2048xf32, #tpu.memory_space<vmem>> -> memref<16x2048xf32, #tpu.memory_space<vmem>>
    tpu.enqueue_dma source(%dma_start3A_657 : memref<16x2048xf32, #tpu.memory_space<vmem>>) target(%dma_start3A_653 : memref<16x2048xf32, #tpu.memory_space<hbm>>) target_semaphore(%arg12 : memref<!tpu.dma_semaphore, #tpu.memory_space<semaphore_mem>>)
    %dma_wait3A_658 = arith.constant 0 : i32
    %dma_wait3A_659 = arith.constant 0 : i32
    %dma_wait3A_660 = arith.constant 0 : i32
    %dma_wait3A_661 = tpu.memref_slice %arg8[%dma_wait3A_658, %dma_wait3A_659, %dma_wait3A_660] : memref<3x16x2048xf32, #tpu.memory_space<vmem>> -> memref<1x16x2048xf32, #tpu.memory_space<vmem>>
    %dma_wait3A_662 = tpu.memref_squeeze %dma_wait3A_661 : memref<1x16x2048xf32, #tpu.memory_space<vmem>> -> memref<16x2048xf32, #tpu.memory_space<vmem>>
    %dma_wait3A_663 = arith.constant 0 : i32
    %dma_wait3A_664 = tpu.memref_slice %arg4[%add3A_644, %dma_wait3A_663] : memref<8192x2048xf32, #tpu.memory_space<hbm>> -> memref<16x2048xf32, #tpu.memory_space<hbm>>
    %dma_wait3A_665 = arith.constant 0 : i32
    %dma_wait3A_666 = tpu.memref_slice %arg4[%add3A_644, %dma_wait3A_665] : memref<8192x2048xf32, #tpu.memory_space<hbm>> -> memref<16x2048xf32, #tpu.memory_space<hbm>>
    %dma_wait3A_667 = arith.constant 0 : i32
    %dma_wait3A_668 = arith.constant 0 : i32
    %dma_wait3A_669 = tpu.memref_slice %arg8[%dma_wait3A_658, %dma_wait3A_667, %dma_wait3A_668] : memref<3x16x2048xf32, #tpu.memory_space<vmem>> -> memref<1x16x2048xf32, #tpu.memory_space<vmem>>
    %dma_wait3A_670 = tpu.memref_squeeze %dma_wait3A_669 : memref<1x16x2048xf32, #tpu.memory_space<vmem>> -> memref<16x2048xf32, #tpu.memory_space<vmem>>
    tpu.wait_dma2 semaphore(%arg12 : memref<!tpu.dma_semaphore, #tpu.memory_space<semaphore_mem>>) src(%dma_wait3A_670 : memref<16x2048xf32, #tpu.memory_space<vmem>>) dst(%dma_wait3A_666 : memref<16x2048xf32, #tpu.memory_space<hbm>>)
    %dma_start3A_671 = arith.constant 12 : i32
    %dma_start3A_672 = arith.constant 0 : i32
    %dma_start3A_673 = arith.constant 0 : i32
    %dma_start3A_674 = arith.constant 0 : i32
    %dma_start3A_675 = tpu.memref_slice %arg8[%dma_start3A_672, %dma_start3A_673, %dma_start3A_674] : memref<3x16x2048xf32, #tpu.memory_space<vmem>> -> memref<1x16x2048xf32, #tpu.memory_space<vmem>>
    %dma_start3A_676 = tpu.memref_squeeze %dma_start3A_675 : memref<1x16x2048xf32, #tpu.memory_space<vmem>> -> memref<16x2048xf32, #tpu.memory_space<vmem>>
    %dma_start3A_677 = arith.constant 0 : i32
    %dma_start3A_678 = tpu.memref_slice %arg6[%dma_start3A_671, %dma_start3A_677] : memref<16x16xi32, #tpu.memory_space<vmem>> -> memref<1x16xi32, #tpu.memory_space<vmem>>
    %dma_start3A_679 = tpu.memref_squeeze %dma_start3A_678 : memref<1x16xi32, #tpu.memory_space<vmem>> -> memref<16xi32, #tpu.memory_space<vmem>>
    %dma_start3A_680 = arith.constant 0 : i32
    %dma_start3A_681 = arith.constant 0 : i32
    %dma_start3A_682 = tpu.memref_slice %arg3[%dma_start3A_680, %dma_start3A_681] : memref<8192x2048xf32, #tpu.memory_space<hbm>> -> memref<8192x2048xf32, #tpu.memory_space<hbm>>
    tpu.enqueue_indirect_dma source(%dma_start3A_682 : memref<8192x2048xf32, #tpu.memory_space<hbm>>) target(%dma_start3A_676 : memref<16x2048xf32, #tpu.memory_space<vmem>>) offsets(%dma_start3A_679 : memref<16xi32, #tpu.memory_space<vmem>>) semaphore(%arg9 : memref<!tpu.dma_semaphore, #tpu.memory_space<semaphore_mem>>)
    %dma_wait3A_683 = arith.constant 10 : i32
    %dma_wait3A_684 = arith.constant 1 : i32
    %dma_wait3A_685 = arith.constant 0 : i32
    %dma_wait3A_686 = arith.constant 0 : i32
    %dma_wait3A_687 = tpu.memref_slice %arg8[%dma_wait3A_684, %dma_wait3A_685, %dma_wait3A_686] : memref<3x16x2048xf32, #tpu.memory_space<vmem>> -> memref<1x16x2048xf32, #tpu.memory_space<vmem>>
    %dma_wait3A_688 = tpu.memref_squeeze %dma_wait3A_687 : memref<1x16x2048xf32, #tpu.memory_space<vmem>> -> memref<16x2048xf32, #tpu.memory_space<vmem>>
    %dma_wait3A_689 = arith.constant 0 : i32
    %dma_wait3A_690 = tpu.memref_slice %arg6[%dma_wait3A_683, %dma_wait3A_689] : memref<16x16xi32, #tpu.memory_space<vmem>> -> memref<1x16xi32, #tpu.memory_space<vmem>>
    %dma_wait3A_691 = tpu.memref_squeeze %dma_wait3A_690 : memref<1x16xi32, #tpu.memory_space<vmem>> -> memref<16xi32, #tpu.memory_space<vmem>>
    %dma_wait3A_692 = arith.constant 0 : i32
    %dma_wait3A_693 = arith.constant 0 : i32
    %dma_wait3A_694 = tpu.memref_slice %arg3[%dma_wait3A_692, %dma_wait3A_693] : memref<8192x2048xf32, #tpu.memory_space<hbm>> -> memref<8192x2048xf32, #tpu.memory_space<hbm>>
    tpu.wait_indirect_dma semaphore(%arg10 : memref<!tpu.dma_semaphore, #tpu.memory_space<semaphore_mem>>) src(%dma_wait3A_694 : memref<8192x2048xf32, #tpu.memory_space<hbm>>) dst(%dma_wait3A_688 : memref<16x2048xf32, #tpu.memory_space<vmem>>)
    %add3A_695 = arith.constant 160 : i32
    %add3A_696 = arith.addi %mul3A_2, %add3A_695 : i32
    %dma_start3A_697 = arith.constant 1 : i32
    %dma_start3A_698 = arith.constant 0 : i32
    %dma_start3A_699 = arith.constant 0 : i32
    %dma_start3A_700 = tpu.memref_slice %arg8[%dma_start3A_697, %dma_start3A_698, %dma_start3A_699] : memref<3x16x2048xf32, #tpu.memory_space<vmem>> -> memref<1x16x2048xf32, #tpu.memory_space<vmem>>
    %dma_start3A_701 = tpu.memref_squeeze %dma_start3A_700 : memref<1x16x2048xf32, #tpu.memory_space<vmem>> -> memref<16x2048xf32, #tpu.memory_space<vmem>>
    %dma_start3A_702 = arith.constant 0 : i32
    %dma_start3A_703 = tpu.memref_slice %arg4[%add3A_696, %dma_start3A_702] : memref<8192x2048xf32, #tpu.memory_space<hbm>> -> memref<16x2048xf32, #tpu.memory_space<hbm>>
    %dma_start3A_704 = arith.constant 0 : i32
    %dma_start3A_705 = tpu.memref_slice %arg4[%add3A_696, %dma_start3A_704] : memref<8192x2048xf32, #tpu.memory_space<hbm>> -> memref<16x2048xf32, #tpu.memory_space<hbm>>
    %dma_start3A_706 = arith.constant 0 : i32
    %dma_start3A_707 = arith.constant 0 : i32
    %dma_start3A_708 = tpu.memref_slice %arg8[%dma_start3A_697, %dma_start3A_706, %dma_start3A_707] : memref<3x16x2048xf32, #tpu.memory_space<vmem>> -> memref<1x16x2048xf32, #tpu.memory_space<vmem>>
    %dma_start3A_709 = tpu.memref_squeeze %dma_start3A_708 : memref<1x16x2048xf32, #tpu.memory_space<vmem>> -> memref<16x2048xf32, #tpu.memory_space<vmem>>
    tpu.enqueue_dma source(%dma_start3A_709 : memref<16x2048xf32, #tpu.memory_space<vmem>>) target(%dma_start3A_705 : memref<16x2048xf32, #tpu.memory_space<hbm>>) target_semaphore(%arg13 : memref<!tpu.dma_semaphore, #tpu.memory_space<semaphore_mem>>)
    %dma_wait3A_710 = arith.constant 1 : i32
    %dma_wait3A_711 = arith.constant 0 : i32
    %dma_wait3A_712 = arith.constant 0 : i32
    %dma_wait3A_713 = tpu.memref_slice %arg8[%dma_wait3A_710, %dma_wait3A_711, %dma_wait3A_712] : memref<3x16x2048xf32, #tpu.memory_space<vmem>> -> memref<1x16x2048xf32, #tpu.memory_space<vmem>>
    %dma_wait3A_714 = tpu.memref_squeeze %dma_wait3A_713 : memref<1x16x2048xf32, #tpu.memory_space<vmem>> -> memref<16x2048xf32, #tpu.memory_space<vmem>>
    %dma_wait3A_715 = arith.constant 0 : i32
    %dma_wait3A_716 = tpu.memref_slice %arg4[%add3A_696, %dma_wait3A_715] : memref<8192x2048xf32, #tpu.memory_space<hbm>> -> memref<16x2048xf32, #tpu.memory_space<hbm>>
    %dma_wait3A_717 = arith.constant 0 : i32
    %dma_wait3A_718 = tpu.memref_slice %arg4[%add3A_696, %dma_wait3A_717] : memref<8192x2048xf32, #tpu.memory_space<hbm>> -> memref<16x2048xf32, #tpu.memory_space<hbm>>
    %dma_wait3A_719 = arith.constant 0 : i32
    %dma_wait3A_720 = arith.constant 0 : i32
    %dma_wait3A_721 = tpu.memref_slice %arg8[%dma_wait3A_710, %dma_wait3A_719, %dma_wait3A_720] : memref<3x16x2048xf32, #tpu.memory_space<vmem>> -> memref<1x16x2048xf32, #tpu.memory_space<vmem>>
    %dma_wait3A_722 = tpu.memref_squeeze %dma_wait3A_721 : memref<1x16x2048xf32, #tpu.memory_space<vmem>> -> memref<16x2048xf32, #tpu.memory_space<vmem>>
    tpu.wait_dma2 semaphore(%arg13 : memref<!tpu.dma_semaphore, #tpu.memory_space<semaphore_mem>>) src(%dma_wait3A_722 : memref<16x2048xf32, #tpu.memory_space<vmem>>) dst(%dma_wait3A_718 : memref<16x2048xf32, #tpu.memory_space<hbm>>)
    %dma_start3A_723 = arith.constant 13 : i32
    %dma_start3A_724 = arith.constant 1 : i32
    %dma_start3A_725 = arith.constant 0 : i32
    %dma_start3A_726 = arith.constant 0 : i32
    %dma_start3A_727 = tpu.memref_slice %arg8[%dma_start3A_724, %dma_start3A_725, %dma_start3A_726] : memref<3x16x2048xf32, #tpu.memory_space<vmem>> -> memref<1x16x2048xf32, #tpu.memory_space<vmem>>
    %dma_start3A_728 = tpu.memref_squeeze %dma_start3A_727 : memref<1x16x2048xf32, #tpu.memory_space<vmem>> -> memref<16x2048xf32, #tpu.memory_space<vmem>>
    %dma_start3A_729 = arith.constant 0 : i32
    %dma_start3A_730 = tpu.memref_slice %arg6[%dma_start3A_723, %dma_start3A_729] : memref<16x16xi32, #tpu.memory_space<vmem>> -> memref<1x16xi32, #tpu.memory_space<vmem>>
    %dma_start3A_731 = tpu.memref_squeeze %dma_start3A_730 : memref<1x16xi32, #tpu.memory_space<vmem>> -> memref<16xi32, #tpu.memory_space<vmem>>
    %dma_start3A_732 = arith.constant 0 : i32
    %dma_start3A_733 = arith.constant 0 : i32
    %dma_start3A_734 = tpu.memref_slice %arg3[%dma_start3A_732, %dma_start3A_733] : memref<8192x2048xf32, #tpu.memory_space<hbm>> -> memref<8192x2048xf32, #tpu.memory_space<hbm>>
    tpu.enqueue_indirect_dma source(%dma_start3A_734 : memref<8192x2048xf32, #tpu.memory_space<hbm>>) target(%dma_start3A_728 : memref<16x2048xf32, #tpu.memory_space<vmem>>) offsets(%dma_start3A_731 : memref<16xi32, #tpu.memory_space<vmem>>) semaphore(%arg10 : memref<!tpu.dma_semaphore, #tpu.memory_space<semaphore_mem>>)
    %dma_wait3A_735 = arith.constant 11 : i32
    %dma_wait3A_736 = arith.constant 2 : i32
    %dma_wait3A_737 = arith.constant 0 : i32
    %dma_wait3A_738 = arith.constant 0 : i32
    %dma_wait3A_739 = tpu.memref_slice %arg8[%dma_wait3A_736, %dma_wait3A_737, %dma_wait3A_738] : memref<3x16x2048xf32, #tpu.memory_space<vmem>> -> memref<1x16x2048xf32, #tpu.memory_space<vmem>>
    %dma_wait3A_740 = tpu.memref_squeeze %dma_wait3A_739 : memref<1x16x2048xf32, #tpu.memory_space<vmem>> -> memref<16x2048xf32, #tpu.memory_space<vmem>>
    %dma_wait3A_741 = arith.constant 0 : i32
    %dma_wait3A_742 = tpu.memref_slice %arg6[%dma_wait3A_735, %dma_wait3A_741] : memref<16x16xi32, #tpu.memory_space<vmem>> -> memref<1x16xi32, #tpu.memory_space<vmem>>
    %dma_wait3A_743 = tpu.memref_squeeze %dma_wait3A_742 : memref<1x16xi32, #tpu.memory_space<vmem>> -> memref<16xi32, #tpu.memory_space<vmem>>
    %dma_wait3A_744 = arith.constant 0 : i32
    %dma_wait3A_745 = arith.constant 0 : i32
    %dma_wait3A_746 = tpu.memref_slice %arg3[%dma_wait3A_744, %dma_wait3A_745] : memref<8192x2048xf32, #tpu.memory_space<hbm>> -> memref<8192x2048xf32, #tpu.memory_space<hbm>>
    tpu.wait_indirect_dma semaphore(%arg11 : memref<!tpu.dma_semaphore, #tpu.memory_space<semaphore_mem>>) src(%dma_wait3A_746 : memref<8192x2048xf32, #tpu.memory_space<hbm>>) dst(%dma_wait3A_740 : memref<16x2048xf32, #tpu.memory_space<vmem>>)
    %add3A_747 = arith.constant 176 : i32
    %add3A_748 = arith.addi %mul3A_2, %add3A_747 : i32
    %dma_start3A_749 = arith.constant 2 : i32
    %dma_start3A_750 = arith.constant 0 : i32
    %dma_start3A_751 = arith.constant 0 : i32
    %dma_start3A_752 = tpu.memref_slice %arg8[%dma_start3A_749, %dma_start3A_750, %dma_start3A_751] : memref<3x16x2048xf32, #tpu.memory_space<vmem>> -> memref<1x16x2048xf32, #tpu.memory_space<vmem>>
    %dma_start3A_753 = tpu.memref_squeeze %dma_start3A_752 : memref<1x16x2048xf32, #tpu.memory_space<vmem>> -> memref<16x2048xf32, #tpu.memory_space<vmem>>
    %dma_start3A_754 = arith.constant 0 : i32
    %dma_start3A_755 = tpu.memref_slice %arg4[%add3A_748, %dma_start3A_754] : memref<8192x2048xf32, #tpu.memory_space<hbm>> -> memref<16x2048xf32, #tpu.memory_space<hbm>>
    %dma_start3A_756 = arith.constant 0 : i32
    %dma_start3A_757 = tpu.memref_slice %arg4[%add3A_748, %dma_start3A_756] : memref<8192x2048xf32, #tpu.memory_space<hbm>> -> memref<16x2048xf32, #tpu.memory_space<hbm>>
    %dma_start3A_758 = arith.constant 0 : i32
    %dma_start3A_759 = arith.constant 0 : i32
    %dma_start3A_760 = tpu.memref_slice %arg8[%dma_start3A_749, %dma_start3A_758, %dma_start3A_759] : memref<3x16x2048xf32, #tpu.memory_space<vmem>> -> memref<1x16x2048xf32, #tpu.memory_space<vmem>>
    %dma_start3A_761 = tpu.memref_squeeze %dma_start3A_760 : memref<1x16x2048xf32, #tpu.memory_space<vmem>> -> memref<16x2048xf32, #tpu.memory_space<vmem>>
    tpu.enqueue_dma source(%dma_start3A_761 : memref<16x2048xf32, #tpu.memory_space<vmem>>) target(%dma_start3A_757 : memref<16x2048xf32, #tpu.memory_space<hbm>>) target_semaphore(%arg14 : memref<!tpu.dma_semaphore, #tpu.memory_space<semaphore_mem>>)
    %dma_wait3A_762 = arith.constant 2 : i32
    %dma_wait3A_763 = arith.constant 0 : i32
    %dma_wait3A_764 = arith.constant 0 : i32
    %dma_wait3A_765 = tpu.memref_slice %arg8[%dma_wait3A_762, %dma_wait3A_763, %dma_wait3A_764] : memref<3x16x2048xf32, #tpu.memory_space<vmem>> -> memref<1x16x2048xf32, #tpu.memory_space<vmem>>
    %dma_wait3A_766 = tpu.memref_squeeze %dma_wait3A_765 : memref<1x16x2048xf32, #tpu.memory_space<vmem>> -> memref<16x2048xf32, #tpu.memory_space<vmem>>
    %dma_wait3A_767 = arith.constant 0 : i32
    %dma_wait3A_768 = tpu.memref_slice %arg4[%add3A_748, %dma_wait3A_767] : memref<8192x2048xf32, #tpu.memory_space<hbm>> -> memref<16x2048xf32, #tpu.memory_space<hbm>>
    %dma_wait3A_769 = arith.constant 0 : i32
    %dma_wait3A_770 = tpu.memref_slice %arg4[%add3A_748, %dma_wait3A_769] : memref<8192x2048xf32, #tpu.memory_space<hbm>> -> memref<16x2048xf32, #tpu.memory_space<hbm>>
    %dma_wait3A_771 = arith.constant 0 : i32
    %dma_wait3A_772 = arith.constant 0 : i32
    %dma_wait3A_773 = tpu.memref_slice %arg8[%dma_wait3A_762, %dma_wait3A_771, %dma_wait3A_772] : memref<3x16x2048xf32, #tpu.memory_space<vmem>> -> memref<1x16x2048xf32, #tpu.memory_space<vmem>>
    %dma_wait3A_774 = tpu.memref_squeeze %dma_wait3A_773 : memref<1x16x2048xf32, #tpu.memory_space<vmem>> -> memref<16x2048xf32, #tpu.memory_space<vmem>>
    tpu.wait_dma2 semaphore(%arg14 : memref<!tpu.dma_semaphore, #tpu.memory_space<semaphore_mem>>) src(%dma_wait3A_774 : memref<16x2048xf32, #tpu.memory_space<vmem>>) dst(%dma_wait3A_770 : memref<16x2048xf32, #tpu.memory_space<hbm>>)
    %dma_start3A_775 = arith.constant 14 : i32
    %dma_start3A_776 = arith.constant 2 : i32
    %dma_start3A_777 = arith.constant 0 : i32
    %dma_start3A_778 = arith.constant 0 : i32
    %dma_start3A_779 = tpu.memref_slice %arg8[%dma_start3A_776, %dma_start3A_777, %dma_start3A_778] : memref<3x16x2048xf32, #tpu.memory_space<vmem>> -> memref<1x16x2048xf32, #tpu.memory_space<vmem>>
    %dma_start3A_780 = tpu.memref_squeeze %dma_start3A_779 : memref<1x16x2048xf32, #tpu.memory_space<vmem>> -> memref<16x2048xf32, #tpu.memory_space<vmem>>
    %dma_start3A_781 = arith.constant 0 : i32
    %dma_start3A_782 = tpu.memref_slice %arg6[%dma_start3A_775, %dma_start3A_781] : memref<16x16xi32, #tpu.memory_space<vmem>> -> memref<1x16xi32, #tpu.memory_space<vmem>>
    %dma_start3A_783 = tpu.memref_squeeze %dma_start3A_782 : memref<1x16xi32, #tpu.memory_space<vmem>> -> memref<16xi32, #tpu.memory_space<vmem>>
    %dma_start3A_784 = arith.constant 0 : i32
    %dma_start3A_785 = arith.constant 0 : i32
    %dma_start3A_786 = tpu.memref_slice %arg3[%dma_start3A_784, %dma_start3A_785] : memref<8192x2048xf32, #tpu.memory_space<hbm>> -> memref<8192x2048xf32, #tpu.memory_space<hbm>>
    tpu.enqueue_indirect_dma source(%dma_start3A_786 : memref<8192x2048xf32, #tpu.memory_space<hbm>>) target(%dma_start3A_780 : memref<16x2048xf32, #tpu.memory_space<vmem>>) offsets(%dma_start3A_783 : memref<16xi32, #tpu.memory_space<vmem>>) semaphore(%arg11 : memref<!tpu.dma_semaphore, #tpu.memory_space<semaphore_mem>>)
    %dma_wait3A_787 = arith.constant 12 : i32
    %dma_wait3A_788 = arith.constant 0 : i32
    %dma_wait3A_789 = arith.constant 0 : i32
    %dma_wait3A_790 = arith.constant 0 : i32
    %dma_wait3A_791 = tpu.memref_slice %arg8[%dma_wait3A_788, %dma_wait3A_789, %dma_wait3A_790] : memref<3x16x2048xf32, #tpu.memory_space<vmem>> -> memref<1x16x2048xf32, #tpu.memory_space<vmem>>
    %dma_wait3A_792 = tpu.memref_squeeze %dma_wait3A_791 : memref<1x16x2048xf32, #tpu.memory_space<vmem>> -> memref<16x2048xf32, #tpu.memory_space<vmem>>
    %dma_wait3A_793 = arith.constant 0 : i32
    %dma_wait3A_794 = tpu.memref_slice %arg6[%dma_wait3A_787, %dma_wait3A_793] : memref<16x16xi32, #tpu.memory_space<vmem>> -> memref<1x16xi32, #tpu.memory_space<vmem>>
    %dma_wait3A_795 = tpu.memref_squeeze %dma_wait3A_794 : memref<1x16xi32, #tpu.memory_space<vmem>> -> memref<16xi32, #tpu.memory_space<vmem>>
    %dma_wait3A_796 = arith.constant 0 : i32
    %dma_wait3A_797 = arith.constant 0 : i32
    %dma_wait3A_798 = tpu.memref_slice %arg3[%dma_wait3A_796, %dma_wait3A_797] : memref<8192x2048xf32, #tpu.memory_space<hbm>> -> memref<8192x2048xf32, #tpu.memory_space<hbm>>
    tpu.wait_indirect_dma semaphore(%arg9 : memref<!tpu.dma_semaphore, #tpu.memory_space<semaphore_mem>>) src(%dma_wait3A_798 : memref<8192x2048xf32, #tpu.memory_space<hbm>>) dst(%dma_wait3A_792 : memref<16x2048xf32, #tpu.memory_space<vmem>>)
    %add3A_799 = arith.constant 192 : i32
    %add3A_800 = arith.addi %mul3A_2, %add3A_799 : i32
    %dma_start3A_801 = arith.constant 0 : i32
    %dma_start3A_802 = arith.constant 0 : i32
    %dma_start3A_803 = arith.constant 0 : i32
    %dma_start3A_804 = tpu.memref_slice %arg8[%dma_start3A_801, %dma_start3A_802, %dma_start3A_803] : memref<3x16x2048xf32, #tpu.memory_space<vmem>> -> memref<1x16x2048xf32, #tpu.memory_space<vmem>>
    %dma_start3A_805 = tpu.memref_squeeze %dma_start3A_804 : memref<1x16x2048xf32, #tpu.memory_space<vmem>> -> memref<16x2048xf32, #tpu.memory_space<vmem>>
    %dma_start3A_806 = arith.constant 0 : i32
    %dma_start3A_807 = tpu.memref_slice %arg4[%add3A_800, %dma_start3A_806] : memref<8192x2048xf32, #tpu.memory_space<hbm>> -> memref<16x2048xf32, #tpu.memory_space<hbm>>
    %dma_start3A_808 = arith.constant 0 : i32
    %dma_start3A_809 = tpu.memref_slice %arg4[%add3A_800, %dma_start3A_808] : memref<8192x2048xf32, #tpu.memory_space<hbm>> -> memref<16x2048xf32, #tpu.memory_space<hbm>>
    %dma_start3A_810 = arith.constant 0 : i32
    %dma_start3A_811 = arith.constant 0 : i32
    %dma_start3A_812 = tpu.memref_slice %arg8[%dma_start3A_801, %dma_start3A_810, %dma_start3A_811] : memref<3x16x2048xf32, #tpu.memory_space<vmem>> -> memref<1x16x2048xf32, #tpu.memory_space<vmem>>
    %dma_start3A_813 = tpu.memref_squeeze %dma_start3A_812 : memref<1x16x2048xf32, #tpu.memory_space<vmem>> -> memref<16x2048xf32, #tpu.memory_space<vmem>>
    tpu.enqueue_dma source(%dma_start3A_813 : memref<16x2048xf32, #tpu.memory_space<vmem>>) target(%dma_start3A_809 : memref<16x2048xf32, #tpu.memory_space<hbm>>) target_semaphore(%arg12 : memref<!tpu.dma_semaphore, #tpu.memory_space<semaphore_mem>>)
    %dma_wait3A_814 = arith.constant 0 : i32
    %dma_wait3A_815 = arith.constant 0 : i32
    %dma_wait3A_816 = arith.constant 0 : i32
    %dma_wait3A_817 = tpu.memref_slice %arg8[%dma_wait3A_814, %dma_wait3A_815, %dma_wait3A_816] : memref<3x16x2048xf32, #tpu.memory_space<vmem>> -> memref<1x16x2048xf32, #tpu.memory_space<vmem>>
    %dma_wait3A_818 = tpu.memref_squeeze %dma_wait3A_817 : memref<1x16x2048xf32, #tpu.memory_space<vmem>> -> memref<16x2048xf32, #tpu.memory_space<vmem>>
    %dma_wait3A_819 = arith.constant 0 : i32
    %dma_wait3A_820 = tpu.memref_slice %arg4[%add3A_800, %dma_wait3A_819] : memref<8192x2048xf32, #tpu.memory_space<hbm>> -> memref<16x2048xf32, #tpu.memory_space<hbm>>
    %dma_wait3A_821 = arith.constant 0 : i32
    %dma_wait3A_822 = tpu.memref_slice %arg4[%add3A_800, %dma_wait3A_821] : memref<8192x2048xf32, #tpu.memory_space<hbm>> -> memref<16x2048xf32, #tpu.memory_space<hbm>>
    %dma_wait3A_823 = arith.constant 0 : i32
    %dma_wait3A_824 = arith.constant 0 : i32
    %dma_wait3A_825 = tpu.memref_slice %arg8[%dma_wait3A_814, %dma_wait3A_823, %dma_wait3A_824] : memref<3x16x2048xf32, #tpu.memory_space<vmem>> -> memref<1x16x2048xf32, #tpu.memory_space<vmem>>
    %dma_wait3A_826 = tpu.memref_squeeze %dma_wait3A_825 : memref<1x16x2048xf32, #tpu.memory_space<vmem>> -> memref<16x2048xf32, #tpu.memory_space<vmem>>
    tpu.wait_dma2 semaphore(%arg12 : memref<!tpu.dma_semaphore, #tpu.memory_space<semaphore_mem>>) src(%dma_wait3A_826 : memref<16x2048xf32, #tpu.memory_space<vmem>>) dst(%dma_wait3A_822 : memref<16x2048xf32, #tpu.memory_space<hbm>>)
    %dma_start3A_827 = arith.constant 15 : i32
    %dma_start3A_828 = arith.constant 0 : i32
    %dma_start3A_829 = arith.constant 0 : i32
    %dma_start3A_830 = arith.constant 0 : i32
    %dma_start3A_831 = tpu.memref_slice %arg8[%dma_start3A_828, %dma_start3A_829, %dma_start3A_830] : memref<3x16x2048xf32, #tpu.memory_space<vmem>> -> memref<1x16x2048xf32, #tpu.memory_space<vmem>>
    %dma_start3A_832 = tpu.memref_squeeze %dma_start3A_831 : memref<1x16x2048xf32, #tpu.memory_space<vmem>> -> memref<16x2048xf32, #tpu.memory_space<vmem>>
    %dma_start3A_833 = arith.constant 0 : i32
    %dma_start3A_834 = tpu.memref_slice %arg6[%dma_start3A_827, %dma_start3A_833] : memref<16x16xi32, #tpu.memory_space<vmem>> -> memref<1x16xi32, #tpu.memory_space<vmem>>
    %dma_start3A_835 = tpu.memref_squeeze %dma_start3A_834 : memref<1x16xi32, #tpu.memory_space<vmem>> -> memref<16xi32, #tpu.memory_space<vmem>>
    %dma_start3A_836 = arith.constant 0 : i32
    %dma_start3A_837 = arith.constant 0 : i32
    %dma_start3A_838 = tpu.memref_slice %arg3[%dma_start3A_836, %dma_start3A_837] : memref<8192x2048xf32, #tpu.memory_space<hbm>> -> memref<8192x2048xf32, #tpu.memory_space<hbm>>
    tpu.enqueue_indirect_dma source(%dma_start3A_838 : memref<8192x2048xf32, #tpu.memory_space<hbm>>) target(%dma_start3A_832 : memref<16x2048xf32, #tpu.memory_space<vmem>>) offsets(%dma_start3A_835 : memref<16xi32, #tpu.memory_space<vmem>>) semaphore(%arg9 : memref<!tpu.dma_semaphore, #tpu.memory_space<semaphore_mem>>)
    %dma_wait3A_839 = arith.constant 13 : i32
    %dma_wait3A_840 = arith.constant 1 : i32
    %dma_wait3A_841 = arith.constant 0 : i32
    %dma_wait3A_842 = arith.constant 0 : i32
    %dma_wait3A_843 = tpu.memref_slice %arg8[%dma_wait3A_840, %dma_wait3A_841, %dma_wait3A_842] : memref<3x16x2048xf32, #tpu.memory_space<vmem>> -> memref<1x16x2048xf32, #tpu.memory_space<vmem>>
    %dma_wait3A_844 = tpu.memref_squeeze %dma_wait3A_843 : memref<1x16x2048xf32, #tpu.memory_space<vmem>> -> memref<16x2048xf32, #tpu.memory_space<vmem>>
    %dma_wait3A_845 = arith.constant 0 : i32
    %dma_wait3A_846 = tpu.memref_slice %arg6[%dma_wait3A_839, %dma_wait3A_845] : memref<16x16xi32, #tpu.memory_space<vmem>> -> memref<1x16xi32, #tpu.memory_space<vmem>>
    %dma_wait3A_847 = tpu.memref_squeeze %dma_wait3A_846 : memref<1x16xi32, #tpu.memory_space<vmem>> -> memref<16xi32, #tpu.memory_space<vmem>>
    %dma_wait3A_848 = arith.constant 0 : i32
    %dma_wait3A_849 = arith.constant 0 : i32
    %dma_wait3A_850 = tpu.memref_slice %arg3[%dma_wait3A_848, %dma_wait3A_849] : memref<8192x2048xf32, #tpu.memory_space<hbm>> -> memref<8192x2048xf32, #tpu.memory_space<hbm>>
    tpu.wait_indirect_dma semaphore(%arg10 : memref<!tpu.dma_semaphore, #tpu.memory_space<semaphore_mem>>) src(%dma_wait3A_850 : memref<8192x2048xf32, #tpu.memory_space<hbm>>) dst(%dma_wait3A_844 : memref<16x2048xf32, #tpu.memory_space<vmem>>)
    %add3A_851 = arith.constant 208 : i32
    %add3A_852 = arith.addi %mul3A_2, %add3A_851 : i32
    %dma_start3A_853 = arith.constant 1 : i32
    %dma_start3A_854 = arith.constant 0 : i32
    %dma_start3A_855 = arith.constant 0 : i32
    %dma_start3A_856 = tpu.memref_slice %arg8[%dma_start3A_853, %dma_start3A_854, %dma_start3A_855] : memref<3x16x2048xf32, #tpu.memory_space<vmem>> -> memref<1x16x2048xf32, #tpu.memory_space<vmem>>
    %dma_start3A_857 = tpu.memref_squeeze %dma_start3A_856 : memref<1x16x2048xf32, #tpu.memory_space<vmem>> -> memref<16x2048xf32, #tpu.memory_space<vmem>>
    %dma_start3A_858 = arith.constant 0 : i32
    %dma_start3A_859 = tpu.memref_slice %arg4[%add3A_852, %dma_start3A_858] : memref<8192x2048xf32, #tpu.memory_space<hbm>> -> memref<16x2048xf32, #tpu.memory_space<hbm>>
    %dma_start3A_860 = arith.constant 0 : i32
    %dma_start3A_861 = tpu.memref_slice %arg4[%add3A_852, %dma_start3A_860] : memref<8192x2048xf32, #tpu.memory_space<hbm>> -> memref<16x2048xf32, #tpu.memory_space<hbm>>
    %dma_start3A_862 = arith.constant 0 : i32
    %dma_start3A_863 = arith.constant 0 : i32
    %dma_start3A_864 = tpu.memref_slice %arg8[%dma_start3A_853, %dma_start3A_862, %dma_start3A_863] : memref<3x16x2048xf32, #tpu.memory_space<vmem>> -> memref<1x16x2048xf32, #tpu.memory_space<vmem>>
    %dma_start3A_865 = tpu.memref_squeeze %dma_start3A_864 : memref<1x16x2048xf32, #tpu.memory_space<vmem>> -> memref<16x2048xf32, #tpu.memory_space<vmem>>
    tpu.enqueue_dma source(%dma_start3A_865 : memref<16x2048xf32, #tpu.memory_space<vmem>>) target(%dma_start3A_861 : memref<16x2048xf32, #tpu.memory_space<hbm>>) target_semaphore(%arg13 : memref<!tpu.dma_semaphore, #tpu.memory_space<semaphore_mem>>)
    %dma_wait3A_866 = arith.constant 14 : i32
    %dma_wait3A_867 = arith.constant 2 : i32
    %dma_wait3A_868 = arith.constant 0 : i32
    %dma_wait3A_869 = arith.constant 0 : i32
    %dma_wait3A_870 = tpu.memref_slice %arg8[%dma_wait3A_867, %dma_wait3A_868, %dma_wait3A_869] : memref<3x16x2048xf32, #tpu.memory_space<vmem>> -> memref<1x16x2048xf32, #tpu.memory_space<vmem>>
    %dma_wait3A_871 = tpu.memref_squeeze %dma_wait3A_870 : memref<1x16x2048xf32, #tpu.memory_space<vmem>> -> memref<16x2048xf32, #tpu.memory_space<vmem>>
    %dma_wait3A_872 = arith.constant 0 : i32
    %dma_wait3A_873 = tpu.memref_slice %arg6[%dma_wait3A_866, %dma_wait3A_872] : memref<16x16xi32, #tpu.memory_space<vmem>> -> memref<1x16xi32, #tpu.memory_space<vmem>>
    %dma_wait3A_874 = tpu.memref_squeeze %dma_wait3A_873 : memref<1x16xi32, #tpu.memory_space<vmem>> -> memref<16xi32, #tpu.memory_space<vmem>>
    %dma_wait3A_875 = arith.constant 0 : i32
    %dma_wait3A_876 = arith.constant 0 : i32
    %dma_wait3A_877 = tpu.memref_slice %arg3[%dma_wait3A_875, %dma_wait3A_876] : memref<8192x2048xf32, #tpu.memory_space<hbm>> -> memref<8192x2048xf32, #tpu.memory_space<hbm>>
    tpu.wait_indirect_dma semaphore(%arg11 : memref<!tpu.dma_semaphore, #tpu.memory_space<semaphore_mem>>) src(%dma_wait3A_877 : memref<8192x2048xf32, #tpu.memory_space<hbm>>) dst(%dma_wait3A_871 : memref<16x2048xf32, #tpu.memory_space<vmem>>)
    %add3A_878 = arith.constant 224 : i32
    %add3A_879 = arith.addi %mul3A_2, %add3A_878 : i32
    %dma_start3A_880 = arith.constant 2 : i32
    %dma_start3A_881 = arith.constant 0 : i32
    %dma_start3A_882 = arith.constant 0 : i32
    %dma_start3A_883 = tpu.memref_slice %arg8[%dma_start3A_880, %dma_start3A_881, %dma_start3A_882] : memref<3x16x2048xf32, #tpu.memory_space<vmem>> -> memref<1x16x2048xf32, #tpu.memory_space<vmem>>
    %dma_start3A_884 = tpu.memref_squeeze %dma_start3A_883 : memref<1x16x2048xf32, #tpu.memory_space<vmem>> -> memref<16x2048xf32, #tpu.memory_space<vmem>>
    %dma_start3A_885 = arith.constant 0 : i32
    %dma_start3A_886 = tpu.memref_slice %arg4[%add3A_879, %dma_start3A_885] : memref<8192x2048xf32, #tpu.memory_space<hbm>> -> memref<16x2048xf32, #tpu.memory_space<hbm>>
    %dma_start3A_887 = arith.constant 0 : i32
    %dma_start3A_888 = tpu.memref_slice %arg4[%add3A_879, %dma_start3A_887] : memref<8192x2048xf32, #tpu.memory_space<hbm>> -> memref<16x2048xf32, #tpu.memory_space<hbm>>
    %dma_start3A_889 = arith.constant 0 : i32
    %dma_start3A_890 = arith.constant 0 : i32
    %dma_start3A_891 = tpu.memref_slice %arg8[%dma_start3A_880, %dma_start3A_889, %dma_start3A_890] : memref<3x16x2048xf32, #tpu.memory_space<vmem>> -> memref<1x16x2048xf32, #tpu.memory_space<vmem>>
    %dma_start3A_892 = tpu.memref_squeeze %dma_start3A_891 : memref<1x16x2048xf32, #tpu.memory_space<vmem>> -> memref<16x2048xf32, #tpu.memory_space<vmem>>
    tpu.enqueue_dma source(%dma_start3A_892 : memref<16x2048xf32, #tpu.memory_space<vmem>>) target(%dma_start3A_888 : memref<16x2048xf32, #tpu.memory_space<hbm>>) target_semaphore(%arg14 : memref<!tpu.dma_semaphore, #tpu.memory_space<semaphore_mem>>)
    %dma_wait3A_893 = arith.constant 15 : i32
    %dma_wait3A_894 = arith.constant 0 : i32
    %dma_wait3A_895 = arith.constant 0 : i32
    %dma_wait3A_896 = arith.constant 0 : i32
    %dma_wait3A_897 = tpu.memref_slice %arg8[%dma_wait3A_894, %dma_wait3A_895, %dma_wait3A_896] : memref<3x16x2048xf32, #tpu.memory_space<vmem>> -> memref<1x16x2048xf32, #tpu.memory_space<vmem>>
    %dma_wait3A_898 = tpu.memref_squeeze %dma_wait3A_897 : memref<1x16x2048xf32, #tpu.memory_space<vmem>> -> memref<16x2048xf32, #tpu.memory_space<vmem>>
    %dma_wait3A_899 = arith.constant 0 : i32
    %dma_wait3A_900 = tpu.memref_slice %arg6[%dma_wait3A_893, %dma_wait3A_899] : memref<16x16xi32, #tpu.memory_space<vmem>> -> memref<1x16xi32, #tpu.memory_space<vmem>>
    %dma_wait3A_901 = tpu.memref_squeeze %dma_wait3A_900 : memref<1x16xi32, #tpu.memory_space<vmem>> -> memref<16xi32, #tpu.memory_space<vmem>>
    %dma_wait3A_902 = arith.constant 0 : i32
    %dma_wait3A_903 = arith.constant 0 : i32
    %dma_wait3A_904 = tpu.memref_slice %arg3[%dma_wait3A_902, %dma_wait3A_903] : memref<8192x2048xf32, #tpu.memory_space<hbm>> -> memref<8192x2048xf32, #tpu.memory_space<hbm>>
    tpu.wait_indirect_dma semaphore(%arg9 : memref<!tpu.dma_semaphore, #tpu.memory_space<semaphore_mem>>) src(%dma_wait3A_904 : memref<8192x2048xf32, #tpu.memory_space<hbm>>) dst(%dma_wait3A_898 : memref<16x2048xf32, #tpu.memory_space<vmem>>)
    %add3A_905 = arith.constant 240 : i32
    %add3A_906 = arith.addi %mul3A_2, %add3A_905 : i32
    %dma_start3A_907 = arith.constant 0 : i32
    %dma_start3A_908 = arith.constant 0 : i32
    %dma_start3A_909 = arith.constant 0 : i32
    %dma_start3A_910 = tpu.memref_slice %arg8[%dma_start3A_907, %dma_start3A_908, %dma_start3A_909] : memref<3x16x2048xf32, #tpu.memory_space<vmem>> -> memref<1x16x2048xf32, #tpu.memory_space<vmem>>
    %dma_start3A_911 = tpu.memref_squeeze %dma_start3A_910 : memref<1x16x2048xf32, #tpu.memory_space<vmem>> -> memref<16x2048xf32, #tpu.memory_space<vmem>>
    %dma_start3A_912 = arith.constant 0 : i32
    %dma_start3A_913 = tpu.memref_slice %arg4[%add3A_906, %dma_start3A_912] : memref<8192x2048xf32, #tpu.memory_space<hbm>> -> memref<16x2048xf32, #tpu.memory_space<hbm>>
    %dma_start3A_914 = arith.constant 0 : i32
    %dma_start3A_915 = tpu.memref_slice %arg4[%add3A_906, %dma_start3A_914] : memref<8192x2048xf32, #tpu.memory_space<hbm>> -> memref<16x2048xf32, #tpu.memory_space<hbm>>
    %dma_start3A_916 = arith.constant 0 : i32
    %dma_start3A_917 = arith.constant 0 : i32
    %dma_start3A_918 = tpu.memref_slice %arg8[%dma_start3A_907, %dma_start3A_916, %dma_start3A_917] : memref<3x16x2048xf32, #tpu.memory_space<vmem>> -> memref<1x16x2048xf32, #tpu.memory_space<vmem>>
    %dma_start3A_919 = tpu.memref_squeeze %dma_start3A_918 : memref<1x16x2048xf32, #tpu.memory_space<vmem>> -> memref<16x2048xf32, #tpu.memory_space<vmem>>
    tpu.enqueue_dma source(%dma_start3A_919 : memref<16x2048xf32, #tpu.memory_space<vmem>>) target(%dma_start3A_915 : memref<16x2048xf32, #tpu.memory_space<hbm>>) target_semaphore(%arg12 : memref<!tpu.dma_semaphore, #tpu.memory_space<semaphore_mem>>)
    %dma_wait3A_920 = arith.constant 0 : i32
    %dma_wait3A_921 = arith.constant 0 : i32
    %dma_wait3A_922 = arith.constant 0 : i32
    %dma_wait3A_923 = tpu.memref_slice %arg8[%dma_wait3A_920, %dma_wait3A_921, %dma_wait3A_922] : memref<3x16x2048xf32, #tpu.memory_space<vmem>> -> memref<1x16x2048xf32, #tpu.memory_space<vmem>>
    %dma_wait3A_924 = tpu.memref_squeeze %dma_wait3A_923 : memref<1x16x2048xf32, #tpu.memory_space<vmem>> -> memref<16x2048xf32, #tpu.memory_space<vmem>>
    %dma_wait3A_925 = arith.constant 0 : i32
    %dma_wait3A_926 = tpu.memref_slice %arg4[%add3A_906, %dma_wait3A_925] : memref<8192x2048xf32, #tpu.memory_space<hbm>> -> memref<16x2048xf32, #tpu.memory_space<hbm>>
    %dma_wait3A_927 = arith.constant 0 : i32
    %dma_wait3A_928 = tpu.memref_slice %arg4[%add3A_906, %dma_wait3A_927] : memref<8192x2048xf32, #tpu.memory_space<hbm>> -> memref<16x2048xf32, #tpu.memory_space<hbm>>
    %dma_wait3A_929 = arith.constant 0 : i32
    %dma_wait3A_930 = arith.constant 0 : i32
    %dma_wait3A_931 = tpu.memref_slice %arg8[%dma_wait3A_920, %dma_wait3A_929, %dma_wait3A_930] : memref<3x16x2048xf32, #tpu.memory_space<vmem>> -> memref<1x16x2048xf32, #tpu.memory_space<vmem>>
    %dma_wait3A_932 = tpu.memref_squeeze %dma_wait3A_931 : memref<1x16x2048xf32, #tpu.memory_space<vmem>> -> memref<16x2048xf32, #tpu.memory_space<vmem>>
    tpu.wait_dma2 semaphore(%arg12 : memref<!tpu.dma_semaphore, #tpu.memory_space<semaphore_mem>>) src(%dma_wait3A_932 : memref<16x2048xf32, #tpu.memory_space<vmem>>) dst(%dma_wait3A_928 : memref<16x2048xf32, #tpu.memory_space<hbm>>)
    %dma_wait3A_933 = arith.constant 1 : i32
    %dma_wait3A_934 = arith.constant 0 : i32
    %dma_wait3A_935 = arith.constant 0 : i32
    %dma_wait3A_936 = tpu.memref_slice %arg8[%dma_wait3A_933, %dma_wait3A_934, %dma_wait3A_935] : memref<3x16x2048xf32, #tpu.memory_space<vmem>> -> memref<1x16x2048xf32, #tpu.memory_space<vmem>>
    %dma_wait3A_937 = tpu.memref_squeeze %dma_wait3A_936 : memref<1x16x2048xf32, #tpu.memory_space<vmem>> -> memref<16x2048xf32, #tpu.memory_space<vmem>>
    %dma_wait3A_938 = arith.constant 0 : i32
    %dma_wait3A_939 = tpu.memref_slice %arg4[%add3A_852, %dma_wait3A_938] : memref<8192x2048xf32, #tpu.memory_space<hbm>> -> memref<16x2048xf32, #tpu.memory_space<hbm>>
    %dma_wait3A_940 = arith.constant 0 : i32
    %dma_wait3A_941 = tpu.memref_slice %arg4[%add3A_852, %dma_wait3A_940] : memref<8192x2048xf32, #tpu.memory_space<hbm>> -> memref<16x2048xf32, #tpu.memory_space<hbm>>
    %dma_wait3A_942 = arith.constant 0 : i32
    %dma_wait3A_943 = arith.constant 0 : i32
    %dma_wait3A_944 = tpu.memref_slice %arg8[%dma_wait3A_933, %dma_wait3A_942, %dma_wait3A_943] : memref<3x16x2048xf32, #tpu.memory_space<vmem>> -> memref<1x16x2048xf32, #tpu.memory_space<vmem>>
    %dma_wait3A_945 = tpu.memref_squeeze %dma_wait3A_944 : memref<1x16x2048xf32, #tpu.memory_space<vmem>> -> memref<16x2048xf32, #tpu.memory_space<vmem>>
    tpu.wait_dma2 semaphore(%arg13 : memref<!tpu.dma_semaphore, #tpu.memory_space<semaphore_mem>>) src(%dma_wait3A_945 : memref<16x2048xf32, #tpu.memory_space<vmem>>) dst(%dma_wait3A_941 : memref<16x2048xf32, #tpu.memory_space<hbm>>)
    %dma_wait3A_946 = arith.constant 2 : i32
    %dma_wait3A_947 = arith.constant 0 : i32
    %dma_wait3A_948 = arith.constant 0 : i32
    %dma_wait3A_949 = tpu.memref_slice %arg8[%dma_wait3A_946, %dma_wait3A_947, %dma_wait3A_948] : memref<3x16x2048xf32, #tpu.memory_space<vmem>> -> memref<1x16x2048xf32, #tpu.memory_space<vmem>>
    %dma_wait3A_950 = tpu.memref_squeeze %dma_wait3A_949 : memref<1x16x2048xf32, #tpu.memory_space<vmem>> -> memref<16x2048xf32, #tpu.memory_space<vmem>>
    %dma_wait3A_951 = arith.constant 0 : i32
    %dma_wait3A_952 = tpu.memref_slice %arg4[%add3A_879, %dma_wait3A_951] : memref<8192x2048xf32, #tpu.memory_space<hbm>> -> memref<16x2048xf32, #tpu.memory_space<hbm>>
    %dma_wait3A_953 = arith.constant 0 : i32
    %dma_wait3A_954 = tpu.memref_slice %arg4[%add3A_879, %dma_wait3A_953] : memref<8192x2048xf32, #tpu.memory_space<hbm>> -> memref<16x2048xf32, #tpu.memory_space<hbm>>
    %dma_wait3A_955 = arith.constant 0 : i32
    %dma_wait3A_956 = arith.constant 0 : i32
    %dma_wait3A_957 = tpu.memref_slice %arg8[%dma_wait3A_946, %dma_wait3A_955, %dma_wait3A_956] : memref<3x16x2048xf32, #tpu.memory_space<vmem>> -> memref<1x16x2048xf32, #tpu.memory_space<vmem>>
    %dma_wait3A_958 = tpu.memref_squeeze %dma_wait3A_957 : memref<1x16x2048xf32, #tpu.memory_space<vmem>> -> memref<16x2048xf32, #tpu.memory_space<vmem>>
    tpu.wait_dma2 semaphore(%arg14 : memref<!tpu.dma_semaphore, #tpu.memory_space<semaphore_mem>>) src(%dma_wait3A_958 : memref<16x2048xf32, #tpu.memory_space<vmem>>) dst(%dma_wait3A_954 : memref<16x2048xf32, #tpu.memory_space<hbm>>)
    %ne3A_959 = arith.constant 0 : i32
    %ne3A_960 = vector.broadcast %ne3A_959 : i32 to vector<16xi32>
    %ne3A_961 = arith.cmpi ne, %scan3A_127#1, %ne3A_960 : vector<16xi32>
    %all_reduce_population_count3A = tpu.all_reduce %ne3A_961 {dim = 0 : i64, kind = #tpu.reduction_kind<sum>} : vector<16xi1> -> vector<16xi32>
    %slice3A = vector.extract_strided_slice %all_reduce_population_count3A {offsets = [0], sizes = [1], strides = [1]} : vector<16xi32> to vector<1xi32>
    %squeeze3A = vector.extract %slice3A[0] : i32 from vector<1xi32>
    %ne3A_962 = arith.constant 0 : i32
    %ne3A_963 = arith.cmpi ne, %squeeze3A, %ne3A_962 : i32
    %convert_element_type3A = arith.extui %ne3A_963 : i1 to i32
    %cond3A = arith.constant 0 : i32
    %cond3A_964 = arith.cmpi ne, %convert_element_type3A, %cond3A : i32
    scf.if %cond3A_964 {
      %scan3A_965 = arith.constant 0 : i32
      %scan3A_966 = arith.constant 0 : i32
      %scan3A_967 = arith.constant 128 : i32
      %scan3A_968 = arith.addi %scan3A_966, %scan3A_967 : i32
      %scan3A_969 = arith.constant 1 : i32
      %scan3A_970 = scf.for %scan3A_979 = %scan3A_966 to %scan3A_968 step %scan3A_969 iter_args(%scan3A_980 = %scan3A_965) -> (i32)  : i32 {
        %broadcast_in_dim3A_981 = arith.constant 0.000000e+00 : f32
        %broadcast_in_dim3A_982 = vector.broadcast %broadcast_in_dim3A_981 : f32 to vector<16xf32>
        %mul3A_983 = arith.constant 16 : i32
        %mul3A_984 = arith.muli %scan3A_979, %mul3A_983 : i32
        %swap3A_985 = arith.constant 0 : i32
        %swap3A_986 = arith.constant 0 : i32
        %swap3A_987 = arith.index_cast %swap3A_985 : i32 to index
        %swap3A_988 = arith.index_cast %swap3A_986 : i32 to index
        %swap3A_989 = arith.index_cast %mul3A_984 : i32 to index
        %swap3A_990 = tpu.vector_load %arg8[%swap3A_987, %swap3A_988, %swap3A_989] {strides = array<i32>} : memref<3x16x2048xf32, #tpu.memory_space<vmem>>, vector<16xf32>,
        tpu.vector_store %arg8[%swap3A_987, %swap3A_988, %swap3A_989], %broadcast_in_dim3A_982 {strides = array<i32>} : memref<3x16x2048xf32, #tpu.memory_space<vmem>>, vector<16xf32>,
        %scan3A_991 = arith.constant 0 : i32
        scf.yield %scan3A_991 : i32
      }
      %scan3A_971 = arith.constant 128 : i32
      %scan3A_972 = arith.constant 0 : i32
      %scan3A_973 = arith.constant 0 : i32
      %scan3A_974 = arith.constant 16 : i32
      %scan3A_975 = arith.addi %scan3A_973, %scan3A_974 : i32
      %scan3A_976 = arith.constant 1 : i32
      %scan3A_977 = scf.for %scan3A_979 = %scan3A_973 to %scan3A_975 step %scan3A_976 iter_args(%scan3A_980 = %scan3A_972) -> (i32)  : i32 {
        %mul3A_981 = arith.constant 16 : i32
        %mul3A_982 = arith.muli %scan3A_979, %mul3A_981 : i32
        %add3A_983 = arith.addi %sub3A_21, %mul3A_982 : i32
        %get3A = arith.index_cast %add3A_983 : i32 to index
        %get3A_984 = tpu.vector_load %arg5[%get3A] {strides = array<i32>} : memref<4096xi32, #tpu.memory_space<vmem>>, vector<16xi32>,
        %eq3A = arith.constant 0 : i32
        %eq3A_985 = vector.broadcast %eq3A : i32 to vector<16xi32>
        %eq3A_986 = arith.cmpi eq, %get3A_984, %eq3A_985 : vector<16xi32>
        %all_reduce_population_count3A_987 = tpu.all_reduce %eq3A_986 {dim = 0 : i64, kind = #tpu.reduction_kind<sum>} : vector<16xi1> -> vector<16xi32>
        %slice3A_988 = vector.extract_strided_slice %all_reduce_population_count3A_987 {offsets = [0], sizes = [1], strides = [1]} : vector<16xi32> to vector<1xi32>
        %squeeze3A_989 = vector.extract %slice3A_988[0] : i32 from vector<1xi32>
        %ne3A_990 = arith.constant 0 : i32
        %ne3A_991 = arith.cmpi ne, %squeeze3A_989, %ne3A_990 : i32
        %convert_element_type3A_992 = arith.extui %ne3A_991 : i1 to i32
        %cond3A_993 = arith.constant 0 : i32
        %cond3A_994 = arith.cmpi ne, %convert_element_type3A_992, %cond3A_993 : i32
        scf.if %cond3A_994 {
          %swap3A_996 = arith.constant 0 : index
          %swap3A_997 = tpu.vector_load %arg7[%swap3A_996] {strides = array<i32>} : memref<16xi32, #tpu.memory_space<vmem>>, vector<16xi32>,
          tpu.vector_store %arg7[%swap3A_996], %get3A_984 {strides = array<i32>} : memref<16xi32, #tpu.memory_space<vmem>>, vector<16xi32>,
          %scan3A_998 = arith.constant 0 : i32
          %scan3A_999 = arith.constant 0 : i32
          %scan3A_1000 = arith.constant 16 : i32
          %scan3A_1001 = arith.addi %scan3A_999, %scan3A_1000 : i32
          %scan3A_1002 = arith.constant 1 : i32
          %scan3A_1003 = scf.for %scan3A_1005 = %scan3A_999 to %scan3A_1001 step %scan3A_1002 iter_args(%scan3A_1006 = %scan3A_998) -> (i32)  : i32 {
            %broadcast_in_dim3A_1007 = arith.constant 0 : i32
            %broadcast_in_dim3A_1008 = vector.broadcast %broadcast_in_dim3A_1007 : i32 to vector<16xi32>
            %add3A_1009 = vector.broadcast %scan3A_1005 : i32 to vector<16xi32>
            %add3A_1010 = arith.addi %broadcast_in_dim3A_1008, %add3A_1009 : vector<16xi32>
            %gather3A_1011 = tpu.vector_load_idx %arg7[%add3A_1010] : memref<16xi32, #tpu.memory_space<vmem>>[vector<16xi32>], vector<16xi32>,
            %slice3A_1012 = vector.extract_strided_slice %gather3A_1011 {offsets = [0], sizes = [1], strides = [1]} : vector<16xi32> to vector<1xi32>
            %squeeze3A_1013 = vector.extract %slice3A_1012[0] : i32 from vector<1xi32>
            %eq3A_1014 = arith.constant 0 : i32
            %eq3A_1015 = arith.cmpi eq, %squeeze3A_1013, %eq3A_1014 : i32
            %convert_element_type3A_1016 = arith.extui %eq3A_1015 : i1 to i32
            %cond3A_1017 = arith.constant 0 : i32
            %cond3A_1018 = arith.cmpi ne, %convert_element_type3A_1016, %cond3A_1017 : i32
            scf.if %cond3A_1018 {
              %mul3A_1020 = arith.constant 16 : i32
              %mul3A_1021 = arith.muli %scan3A_979, %mul3A_1020 : i32
              %add3A_1022 = arith.addi %mul3A_2, %mul3A_1021 : i32
              %add3A_1023 = arith.addi %add3A_1022, %scan3A_1005 : i32
              %run_scoped3A = arith.constant 0 : i32
              %run_scoped3A_1024 = arith.constant 0 : i32
              "tpu.region"() ({
                %run_scoped3A_1025 = tpu.sem_alloc : memref<!tpu.dma_semaphore, #tpu.memory_space<semaphore_mem>>
                %dma_start3A_1026 = arith.constant 0 : i32
                %dma_start3A_1027 = tpu.memref_slice %arg8[%run_scoped3A, %run_scoped3A_1024, %dma_start3A_1026] : memref<3x16x2048xf32, #tpu.memory_space<vmem>> -> memref<1x1x2048xf32, #tpu.memory_space<vmem>>
                %dma_start3A_1028 = tpu.memref_squeeze %dma_start3A_1027 : memref<1x1x2048xf32, #tpu.memory_space<vmem>> -> memref<2048xf32, #tpu.memory_space<vmem>>
                %dma_start3A_1029 = arith.constant 0 : i32
                %dma_start3A_1030 = tpu.memref_slice %arg4[%add3A_1023, %dma_start3A_1029] : memref<8192x2048xf32, #tpu.memory_space<hbm>> -> memref<1x2048xf32, #tpu.memory_space<hbm>>
                %dma_start3A_1031 = tpu.memref_squeeze %dma_start3A_1030 : memref<1x2048xf32, #tpu.memory_space<hbm>> -> memref<2048xf32, #tpu.memory_space<hbm>>
                %dma_start3A_1032 = arith.constant 0 : i32
                %dma_start3A_1033 = tpu.memref_slice %arg4[%add3A_1023, %dma_start3A_1032] : memref<8192x2048xf32, #tpu.memory_space<hbm>> -> memref<1x2048xf32, #tpu.memory_space<hbm>>
                %dma_start3A_1034 = tpu.memref_squeeze %dma_start3A_1033 : memref<1x2048xf32, #tpu.memory_space<hbm>> -> memref<2048xf32, #tpu.memory_space<hbm>>
                %dma_start3A_1035 = arith.constant 0 : i32
                %dma_start3A_1036 = tpu.memref_slice %arg8[%run_scoped3A, %run_scoped3A_1024, %dma_start3A_1035] : memref<3x16x2048xf32, #tpu.memory_space<vmem>> -> memref<1x1x2048xf32, #tpu.memory_space<vmem>>
                %dma_start3A_1037 = tpu.memref_squeeze %dma_start3A_1036 : memref<1x1x2048xf32, #tpu.memory_space<vmem>> -> memref<2048xf32, #tpu.memory_space<vmem>>
                tpu.enqueue_dma source(%dma_start3A_1037 : memref<2048xf32, #tpu.memory_space<vmem>>) target(%dma_start3A_1034 : memref<2048xf32, #tpu.memory_space<hbm>>) target_semaphore(%run_scoped3A_1025 : memref<!tpu.dma_semaphore, #tpu.memory_space<semaphore_mem>>)
                %dma_wait3A_1038 = arith.constant 0 : i32
                %dma_wait3A_1039 = tpu.memref_slice %arg8[%run_scoped3A, %run_scoped3A_1024, %dma_wait3A_1038] : memref<3x16x2048xf32, #tpu.memory_space<vmem>> -> memref<1x1x2048xf32, #tpu.memory_space<vmem>>
                %dma_wait3A_1040 = tpu.memref_squeeze %dma_wait3A_1039 : memref<1x1x2048xf32, #tpu.memory_space<vmem>> -> memref<2048xf32, #tpu.memory_space<vmem>>
                %dma_wait3A_1041 = arith.constant 0 : i32
                %dma_wait3A_1042 = tpu.memref_slice %arg4[%add3A_1023, %dma_wait3A_1041] : memref<8192x2048xf32, #tpu.memory_space<hbm>> -> memref<1x2048xf32, #tpu.memory_space<hbm>>
                %dma_wait3A_1043 = tpu.memref_squeeze %dma_wait3A_1042 : memref<1x2048xf32, #tpu.memory_space<hbm>> -> memref<2048xf32, #tpu.memory_space<hbm>>
                %dma_wait3A_1044 = arith.constant 0 : i32
                %dma_wait3A_1045 = tpu.memref_slice %arg4[%add3A_1023, %dma_wait3A_1044] : memref<8192x2048xf32, #tpu.memory_space<hbm>> -> memref<1x2048xf32, #tpu.memory_space<hbm>>
                %dma_wait3A_1046 = tpu.memref_squeeze %dma_wait3A_1045 : memref<1x2048xf32, #tpu.memory_space<hbm>> -> memref<2048xf32, #tpu.memory_space<hbm>>
                %dma_wait3A_1047 = arith.constant 0 : i32
                %dma_wait3A_1048 = tpu.memref_slice %arg8[%run_scoped3A, %run_scoped3A_1024, %dma_wait3A_1047] : memref<3x16x2048xf32, #tpu.memory_space<vmem>> -> memref<1x1x2048xf32, #tpu.memory_space<vmem>>
                %dma_wait3A_1049 = tpu.memref_squeeze %dma_wait3A_1048 : memref<1x1x2048xf32, #tpu.memory_space<vmem>> -> memref<2048xf32, #tpu.memory_space<vmem>>
                tpu.wait_dma2 semaphore(%run_scoped3A_1025 : memref<!tpu.dma_semaphore, #tpu.memory_space<semaphore_mem>>) src(%dma_wait3A_1049 : memref<2048xf32, #tpu.memory_space<vmem>>) dst(%dma_wait3A_1046 : memref<2048xf32, #tpu.memory_space<hbm>>)
                tpu.yield
              }) : () -> ()
            } else {
            }
            %scan3A_1019 = arith.constant 0 : i32
            scf.yield %scan3A_1019 : i32
          }
          %scan3A_1004 = arith.constant 16 : i32
        } else {
        }
        %scan3A_995 = arith.constant 0 : i32
        scf.yield %scan3A_995 : i32
      }
      %scan3A_978 = arith.constant 16 : i32
    } else {
    }
    return
  }
}

</mosaic_0001>

<sc_bundles>
// kernel: kernel.3.cloned.1.call-start
scs
__scs_entry_jumppad:
0x0: {  	(pc) =	sbr.rel $0x88, $3  }
0x1: {  	(tag) =	ssettag $0x0;
	lr =	simm.s32 $0x1  }
0x2: {  	[smem:$0x3F9F] =	sst lr;
	_ =	strace $0xD0000000  }
0x3: {  	_ = 	snop  }
0x4: {  	_ = 	snop  }
0x5: {  	_ = 	snop  }
0x6: {  	_ = 	snop  }
0x7: {  	_ = 	snop  }
__scs_overlays_trampoline_lowered:
0x8: {  	[smem:$0x3FAE] =	sst s0  }
0x9: {  	[smem:$0x3FAF] =	sst s1  }
0xa: {  	[smem:$0x3FB0] =	sst s2  }
0xb: {  	[smem:$0x3FB1] =	sst s3  }
0xc: {  	[smem:$0x3FB2] =	sst s4  }
0xd: {  	[smem:$0x3FB3] =	sst s5  }
0xe: {  	[smem:$0x3FB4] =	sst s6  }
0xf: {  	[smem:$0x3FB5] =	sst s7  }
0x10: {  	[smem:$0x3FB6] =	sst s8  }
0x11: {  	[smem:$0x3FB7] =	sst s9;
	s0 =	simm.s32 @!p0 $0x0  }
0x12: {  	s1 =	sld [smem:$0x3F9D];
	s0 =	simm.s32 @p0 $0x1  }
0x13: {  	[smem:$0x3FB8] =	sst s0;
	s0 =	simm.s32 @!p1 $0x0  }
0x14: {  	s2 =	sld [smem:$0x3F9C];
	s0 =	simm.s32 @p1 $0x1  }
0x15: {  	[smem:$0x3FB9] =	sst s0;
	s0 =	simm.s32 @!p2 $0x0  }
0x16: {  	s3 =	sld [smem:$0x3FDB];
	s0 =	simm.s32 @p2 $0x1  }
0x17: {  	s4 =	simm.s32 $0x1BF5;
	[smem:$0x3FBB] =	sst s0  }
0x18: {  	s0 =	sld [smem:$0x3F9E];
	_ =	swait.ge [sflag:s4], $0x0  }
0x19: {  	s7 =	sld [smem:$0x3F9F]  }
0x1a: {  	s8 =	sadd.s32 $0xFFFFE003, lr  }
0x1b: {  	s9 =	sadd.s32 $0xFFFFFEF7, lr;
	s5 =	simm.s32 $0xFFFFFFFF;
	p2 =	slt.u32 s8, $0xFFFFF086  }
0x1c: {  	p1 =	slt.u32 s9, $0xF7A;
	s5 =	simm.s32 @!p2 $0x0  }
0x1d: {  	s5 =	simm.s32 @p1 $0x1;
	p0 =	seq.s32 s7, s2  }
0x1e: {  	s7 =	smul.u32 @!p0 $0xF7A, s2;
	p2 =	seq.s32 @!p0 s5, $0x0  }
0x1f: {  	s9 =	smul.u32 $0xF7A, s1;
	s8 =	simm.s32 @!p0 $0x1BF5;
	p2 =	por !p2, p0  }
0x20: {  	[sflag:s8] =	ssyncset.s32 @!p0 $0xFFFFF086;
	s6 =	sadd.s32 @!p0 s3, s7;
	s7 =	simm.s32 @!p0 $0x108  }
0x21: {  	s3 =	sadd.s32 s3, s9;
	s6 =	sadd.s32 @!p0 $0x88, s6;
	s7 =	simm.s32 @p2 $0x1082  }
0x22: {  	[simem:s7], [sflag:s8] =	dma.local @!p0 [hbm:s6], $0xF7A  }
0x23: {  	s9 =	sor.u32 $0xD0000000, s2;
	s6 =	simm.s32 $0x108;
	_ =	swait.ge @!p0 [sflag:s8], $0x0  }
0x24: {  	s3 =	sadd.s32 $0x88, s3;
	s6 =	simm.s32 @!p1 $0x1082;
	[sflag:s4] =	ssyncset.s32 $0xFFFFF086  }
0x25: {  	[simem:s6], [sflag:s4] =	dma.local [hbm:s3], $0xF7A  }
0x26: {  	[smem:$0x3F9F] =	sst s1;
	(tag) =	ssettag s2;
	_ =	strace s9  }
0x27: {  	s1 =	sld [smem:$0x3FAF]  }
0x28: {  	s2 =	sld [smem:$0x3FB0]  }
0x29: {  	s4 =	sld [smem:$0x3FB2]  }
0x2a: {  	p0 =	seq.s32 s5, $0x0;
	s5 =	sld [smem:$0x3FB3]  }
0x2b: {  	s6 =	sld [smem:$0x3FB4]  }
0x2c: {  	s7 =	sld [smem:$0x3FB5]  }
0x2d: {  	s3 =	simm.s32 $0x108;
	s8 =	sld [smem:$0x3FB6]  }
0x2e: {  	s3 =	simm.s32 @!p0 $0x1082;
	s9 =	sld [smem:$0x3FB7]  }
0x2f: {  	lr =	sadd.s32 s0, s3;
	s0 =	sld [smem:$0x3FAE]  }
0x30: {  	s3 =	sld [smem:$0x3FB1]  }
0x31: {  	[smem:$0x3FBA] =	sst s10  }
0x32: {  	s10 =	sld [smem:$0x3FB8];
	_ =	sdelay $0x3  }
0x33: {  	p0 =	seq.s32 s10, $0x1;
	s10 =	sld [smem:$0x3FBA];
	_ =	sdelay $0x3  }
0x34: {  	[smem:$0x3FBA] =	sst s10  }
0x35: {  	s10 =	sld [smem:$0x3FB9];
	_ =	sdelay $0x3  }
0x36: {  	p1 =	seq.s32 s10, $0x1;
	s10 =	sld [smem:$0x3FBA];
	_ =	sdelay $0x3  }
0x37: {  	[smem:$0x3FBA] =	sst s10  }
0x38: {  	s10 =	sld [smem:$0x3FBB]  }
0x39: {  	_ = 	snop;
	(pc) =	sbr.ind lr, $3  }
0x3a: {  	_ = 	snop  }
0x3b: {  	_ = 	snop  }
0x3c: {  	p2 =	seq.s32 s10, $0x1;
	s10 =	sld [smem:$0x3FBA]  }
0x3d: {  	_ =	shalt  }
0x3e: {  	_ =	shalt  }
0x3f: {  	_ =	shalt  }
0x40: {  	_ =	shalt  }
0x41: {  	_ =	shalt  }
0x42: {  	_ =	shalt  }
0x43: {  	_ =	shalt  }
0x44: {  	_ =	shalt  }
0x45: {  	_ =	shalt  }
0x46: {  	_ =	shalt  }
0x47: {  	_ =	shalt  }
0x48: {  	_ =	shalt  }
0x49: {  	_ =	shalt  }
0x4a: {  	_ =	shalt  }
0x4b: {  	_ =	shalt  }
0x4c: {  	_ =	shalt  }
0x4d: {  	_ =	shalt  }
0x4e: {  	_ =	shalt  }
0x4f: {  	_ =	shalt  }
0x50: {  	_ =	shalt  }
0x51: {  	_ =	shalt  }
0x52: {  	_ =	shalt  }
0x53: {  	_ =	shalt  }
0x54: {  	_ =	shalt  }
0x55: {  	_ =	shalt  }
0x56: {  	_ =	shalt  }
0x57: {  	_ =	shalt  }
0x58: {  	_ =	shalt  }
0x59: {  	_ =	shalt  }
0x5a: {  	_ =	shalt  }
0x5b: {  	_ =	shalt  }
0x5c: {  	_ =	shalt  }
0x5d: {  	_ =	shalt  }
0x5e: {  	_ =	shalt  }
0x5f: {  	_ =	shalt  }
0x60: {  	_ =	shalt  }
0x61: {  	_ =	shalt  }
0x62: {  	_ =	shalt  }
0x63: {  	_ =	shalt  }
0x64: {  	_ =	shalt  }
0x65: {  	_ =	shalt  }
0x66: {  	_ =	shalt  }
0x67: {  	_ =	shalt  }
0x68: {  	_ =	shalt  }
0x69: {  	_ =	shalt  }
0x6a: {  	_ =	shalt  }
0x6b: {  	_ =	shalt  }
0x6c: {  	_ =	shalt  }
0x6d: {  	_ =	shalt  }
0x6e: {  	_ =	shalt  }
0x6f: {  	_ =	shalt  }
0x70: {  	_ =	shalt  }
0x71: {  	_ =	shalt  }
0x72: {  	_ =	shalt  }
0x73: {  	_ =	shalt  }
0x74: {  	_ =	shalt  }
0x75: {  	_ =	shalt  }
0x76: {  	_ =	shalt  }
0x77: {  	_ =	shalt  }
0x78: {  	_ =	shalt  }
0x79: {  	_ =	shalt  }
0x7a: {  	_ =	shalt  }
0x7b: {  	_ =	shalt  }
0x7c: {  	_ =	shalt  }
0x7d: {  	_ =	shalt  }
0x7e: {  	_ =	shalt  }
0x7f: {  	_ =	shalt  }
0x80: {  	_ =	shalt  }
0x81: {  	_ =	shalt  }
0x82: {  	_ =	shalt  }
0x83: {  	_ =	shalt  }
0x84: {  	_ =	shalt  }
0x85: {  	_ =	shalt  }
0x86: {  	_ =	shalt  }
0x87: {  	_ =	shalt  }
.Lfunc_end0:
.L_simem_size_0:
called_computation_lowered:
.L_overlay_start_0:
0x88: {  	s2 =	sld [smem:$0x3FD9]  }
0x89: {  	s3 =	sld [smem:$0x3FFE];
	_ =	sdelay $0x1  }
0x8a: {  	s1 =	srdreg.scid  }
0x8b: {  	s0 =	sand.u32 $0x1, s1  }
0x8c: {  	s18 =	sshll.u32 s0, $0xA;
	s2 =	sadd.s32 s3, s2  }
0x8d: {  	s2 =	sadd.s32 s2, s18  }
0x8e: {  	[smem:$0x3FC6] =	sst s2  }
0x8f: {  	_ = 	snop  }
0x90: {  	s2 =	sld [smem:$0x3FC9]  }
0x91: {  	s19 =	sld [smem:$0x3FC8]  }
0x92: {  	s4 =	sld [smem:$0x3FD0];
	(tm) =	ssettm $0x1  }
0x93: {  	s5 =	sld [smem:$0x3FFB];
	_ =	sdelay $0x3  }
0x94: {  	_ =	strace s5  }
0x95: {  	s5 =	sld [smem:$0x3FFC];
	_ =	sdelay $0x3  }
0x96: {  	_ =	strace s5  }
0x97: {  	s5 =	sld [smem:$0x3FFD];
	_ =	sdelay $0x3  }
0x98: {  	_ =	strace s5  }
0x99: {  	_ =	strace $0x8FFFFFFF  }
0x9a: {  	s20 =	sld [smem:$0x3FDB];
	_ =	sdelay $0x1  }
0x9b: {  	s6 =	simm.s32 $_scs_section_size  }
0x9c: {  	s7 =	simm.s32 $_size__tile_overlayer_lowered;
	s8 =	simm.s32 $_tile_overlayer_lowered  }
0x9d: {  	s23 =	simm.s32 $0x1BFF;
	s22 =	sshll.u32 s8, $0x1;
	s5 =	sadd.s32 s6, s20  }
0x9e: {  	s9 =	simm.s32 $0x0;
	s21 =	sshll.u32 s7, $0x1;
	s7 =	sadd.s32 s22, s5  }
0x9f: {  	[timem:s9], [sflag:s23] =	dma.local [hbm:s7], s21  }
0xa0: {  	_ =	swait.ge [sflag:s23], s21  }
0xa1: {  	s6 =	ssub.s32 $0x0, s21;
	[sflag:s23] =	ssyncset.done $0x0  }
0xa2: {  	[sflag:s23] =	ssyncadd.s32 s6;
	_ =	sdelay $0x1  }
0xa3: {  	s24 =	simm.s32 $0x1B8B  }
0xa4: {  	_ =	swait.ge [sflag:s24], $0x1  }
0xa5: {  	[sflag:s24] =	ssyncset.done $0x0  }
0xa6: {  	s25 =	simm.s32 $0x1B8E;
	[sflag:s24] =	ssyncadd.s32 $0xFFFFFFFF  }
0xa7: {  	s26 =	simm.s32 $execute0_lowered;
	[smem:$0x3FD2] =	sst s25  }
0xa8: {  	s6 =	sshll.u32 s26, $0x1;
	_ =	strace $0x80000046;
	[dreg:$0x1] =	wrdreg $0xFFFFFFFF  }
0xa9: {  	s28 =	simm.s32 $_size_execute0_lowered;
	s5 =	sadd.s32 s5, s6;
	[dreg:$0x0] =	wrdreg $0x0  }
0xaa: {  	s6 =	sshll.u32 s28, $0x1;
	[dreg:$0x2] =	wrdreg s5  }
0xab: {  	[dreg:$0x3] =	wrdreg s6  }
0xac: {  	[dreg:$0x4] =	wrdreg $0xC0  }
0xad: {  	_ =	task [dreg:s9], $0x5FFFF  }
0xae: {  	[dreg:$0x1] =	wrdreg $0xFFFFFFFF  }
0xaf: {  	[dreg:$0x0] =	wrdreg $0x60  }
0xb0: {  	[dreg:$0x2] =	wrdreg s2  }
0xb1: {  	[dreg:$0x3] =	wrdreg s19  }
0xb2: {  	[dreg:$0x4] =	wrdreg s4  }
0xb3: {  	[dreg:$0x5] =	wrdreg $0x9  }
0xb4: {  	_ =	task.clear_ibuf [dreg:s9], $0x6FFFF;
	_ =	strace $0x90000046  }
0xb5: {  	s29 =	simm.s32 $0x9;
	_ =	strace $0x80000048  }
0xb6: {  	_ =	swait.ge [sflag:s29], $0x1  }
0xb7: {  	[sflag:s29] =	ssyncadd.s32 $0xFFFFFFFF  }
0xb8: {  	_ =	strace $0x90000048  }
0xb9: {  	_ =	sfence  }
0xba: {  	s30 =	sld [smem:$0x0];
	_ =	sdelay $0x2  }
0xbb: {  	s31 =	sshll.u32 s1, $0xD;
	s1 =	sshrl.u32 s1, $0x2  }
0xbc: {  	s3 =	sand.u32 $0x4000, s31;
	s1 =	sadd.s32 s1, s30  }
0xbd: {  	s0 =	sor.u32 s3, s0;
	s1 =	sshll.u32 s1, $0x11  }
0xbe: {  	s0 =	sor.u32 s1, s0  }
0xbf: {  	s0 =	sadd.s32 $0x8F2B, s0  }
0xc0: {  	[sflag:s0] =	ssyncadd.remote.s32 $0x1  }
0xc1: {  	_ =	sfence.sel $0xFFFF  }
0xc2: {  	[dreg:$0x0] =	wrdreg $0xFFFFFFFF;
	(pc) =	sbr.abs _section_cstart, $3  }
0xc3: {  	[dreg:$0x1] =	wrdreg $0xFFFFFFFF  }
0xc4: {  	_ =	task.clear_ibuf [dreg:s9], $0x2FFFF;
	_ =	strace $0x9FFFFFFF  }
0xc5: {  	(tm) =	ssettm $0x7FFFFFFF  }
tec
execute0_lowered:
.L_overlay_start_1:
0x0: {  	(tag) =	ssettag $0x1  }
0x1: {  	s0 =	rddreg [dreg:$0x0]  }
0x2: {  	s1 =	rddreg [dreg:$0x1]  }
0x3: {  	s2 =	rddreg [dreg:$0x2];
	s3 =	srdreg.scid;
	s4 =	simm.s32 $0x0  }
0x4: {  	s15 =	stileid.u32;
	s3 =	sand.u32 $0x1, s3;
	[smem:$0x7FF] =	sst s4  }
0x5: {  	s6 =	sshll.u32 s15, $0x1;
	s7 =	sshll.u32 s15, $0x9;
	s9 =	sadd.s32 $0x300, s1  }
0x6: {  	s10 =	sadd.s32 $0x400, s1;
	s11 =	sadd.s32 $0x500, s1;
	s19 =	sshll.u32 s15, $0x11  }
0x7: {  	s28 =	ssub.s32 $0x2, s3;
	_ =	strace $0x80000047;
	s8 =	sshll.u32 s3, $0x8  }
0x8: {  	s6 =	sand.u32 $0x10, s6;
	s18 =	sshll.u32 s3, $0x4;
	s3 =	sshll.u32 s3, $0x10  }
0x9: {  	s5 =	sshrl.u32 s28, $0x1;
	s0 =	sadd.s32 s0, s6;
	s3 =	sor.u32 s3, s19  }
0xa: {  	s4 =	ssub.s32 s28, s5;
	s5 =	sor.u32 s8, s7;
	[dreg:$0x4] =	wrdreg s0  }
0xb: {  	[dreg:$0xd] =	wrdreg s3;
	s30 =	sshll.u32 s5, $0x8;
	s23 =	smax.u32 s4, $0x1  }
0xc: {  	s12 =	sadd.s32 $0x600, s1;
	s16 =	sadd.s32 s2, s30;
	[dreg:$0x10] =	wrdreg s23  }
0xd: {  	s14 =	sadd.s32 $0x700, s1;
	s6 =	sadd.s32 $0x1000, s16;
	[dreg:$0x5] =	wrdreg s16  }
0xe: {  	v0 =	vimm.s32 $0xEDCBA987;
	s7 =	sadd.s32 $0x100, s1;
	s31 =	sadd.s32 $0x2000, s16;
	[dreg:$0x6] =	wrdreg s6  }
0xf: {  	v1 =	vimm.s32 $0x65432100;
	v2 =	vimm.s32 $0xDCBA9876;
	s8 =	sadd.s32 $0x200, s1;
	s1 =	sadd.s32 $0x3000, s16;
	[dreg:$0x7] =	wrdreg s31  }
0x10: {  	v3 =	vimm.s32 $0x54321000;
	v4 =	vimm.s32 $0xE40000;
	v0 =	vunpack.c.l.s4.s8 v0;
	s13 =	sadd.s32 $0x4000, s16;
	[dreg:$0x8] =	wrdreg s1  }
0x11: {  	v5 =	vimm.s32 $0x32100000;
	v1 =	vunpack.c.l.s4.s8 v1;
	v2 =	vunpack.c.l.s4.s8 v2;
	s20 =	sadd.s32 $0x6000, s16;
	[dreg:$0x9] =	wrdreg s13  }
0x12: {  	vm0 =	vmmov $0x3;
	v3 =	vunpack.c.l.s4.s8 v3;
	v0 =	vunpack.c.0.s8.s32 v0;
	s21 =	sadd.s32 $0x7000, s16;
	[dreg:$0xc] =	wrdreg s20  }
0x13: {  	vm2 =	vcmask $0x3F30;
	v1 =	vunpack.c.0.s8.s32 v1;
	v2 =	vunpack.c.0.s8.s32 v2;
	s22 =	sadd.s32 $0x8000, s16;
	[dreg:$0xe] =	wrdreg s21  }
0x14: {  	vm1 =	vmmov $0xf;
	v3 =	vunpack.c.0.s8.s32 v3;
	v0 =	vand.u32 $0xF, v0;
	s24 =	sadd.s32 $0x9000, s16;
	[dreg:$0xf] =	wrdreg s22  }
0x15: {  	v2 =	vand.u32 $0xF, v2;
	v0 =	vcombine.low v1, v0;
	v1 =	vunpack.c.l.s2.s4 v4;
	s25 =	sadd.s32 $0xA000, s16;
	[dreg:$0x11] =	wrdreg s24  }
0x16: {  	v4 =	vimm.s32 $0xBA987654;
	v2 =	vcombine.low v3, v2;
	v3 =	vunpack.c.l.s4.s8 v5;
	s26 =	sadd.s32 $0xB000, s16;
	[dreg:$0x12] =	wrdreg s25  }
0x17: {  	s29 =	sand.u32 $0xF00, s5;
	v5 =	vimm.s32 $0x7060504;
	s28 =	sadd.s32 $0xC000, s16;
	v4 =	vunpack.c.l.s4.s8 v4;
	[dreg:$0x13] =	wrdreg s26;
	v6 =	vunpack.c.l.s4.s8 v1  }
0x18: {  	vm3 =	vmmov $0xffff;
	v10 =	vimm.f32 $0.0e+00;
	p0 =	seq.s32 s29, $0x0;
	s29 =	sadd.s32 $0xD000, s16;
	v5 =	vunpack.c.0.s8.s32 v5;
	[dreg:$0x14] =	wrdreg s28  }
.Ltmp0:
0x19: {  	s30 =	sadd.s32 $0xE000, s16;
	[dreg:$0x15] =	wrdreg s29;
	v1 =	vlaneseq.u32;
	v4 =	vunpack.c.0.s8.s32 v4;
	v6 =	vunpack.c.0.s8.s32 v6;
	(pc) =	sbr.rel .LBB2_1-.Ltmp0, $4  }
0x1a: {  	s17 =	sand.u32 $0x7, s15;
	s13 =	sadd.s32 $0x5000, s16;
	[dreg:$0x16] =	wrdreg s30;
	v3 =	vunpack.c.0.s8.s32 v3;
	v8 =	vshrl.u32 v1, $0x3;
	v7 =	vand.u32 $0x7, v1  }
0x1b: {  	s6 =	sshll.u32 s17, $0x5;
	s31 =	sadd.s32 $0xF000, s16;
	[dreg:$0xa] =	wrdreg s13;
	v9 =	vor.u32 $0x8, v1;
	v4 =	vand.u32 $0xF, v4;
	v6 =	vand.u32 $0x3, v6  }
0x1c: {  	s4 =	simm.s32 $0x1800;
	s6 =	sor.u32 s18, s6;
	[dreg:$0x17] =	wrdreg s31;
	v8 =	vmul.u32 $0x8, v8;
	v3 =	vcombine.low v3, v4;
	v4 =	vsel vm2, v5, v6  }
0x1d: {  	s1 =	simm.s32 $0x0;
	s13 =	simm.s32 $0x1;
	[dreg:$0xb] =	wrdreg s6;
	vm2 =	vmmov $0xff;
	v5 =	vimm.s32 $0xF;
	v6 =	vimm.s32 $0x0  }
.LBB2_16:
0x1e: {  	s1 =	sadd.s32 $0x1, s1;
	s0 =	rddreg [dreg:$0x10]  }
0x1f: {  	p1 =	sne.s32 s1, s0  }
.Ltmp1:
0x20: {  	_ = 	snop;
	(pc) =	sbr.rel @!p1 .LBB2_17-.Ltmp1, $1  }
0x21: {  	_ =	sdelay $0x3  }
.LBB2_1:
0x22: {  	s0 =	simm.s32 $0x0;
	s3 =	rddreg [dreg:$0x4];
	s6 =	simm.s32 $0x80  }
.Ltmp2:
0x23: {  	s15 =	simm.s32 $0x100;
	s31 =	simm.s32 $0x7;
	(pc) =	sbr.rel @p0 .LBB2_5-.Ltmp2, $4  }
0x24: {  	[tilespmem:s0], [sflag:$0x7] =	stream.strided.gather [hbm4b:s3+s6], $0x1000, s15, s6, $0x38;
	[tilespmem:$0x19880] =	vst v63  }
0x25: {  	_ =	swait.ge [sflag:s31], $0x1000  }
0x26: {  	[sflag:s31] =	ssyncset.done $0x0  }
0x27: {  	v11 =	vimm.s32 $0x0;
	[sflag:s31] =	ssyncadd.s32 $0xFFFFF000  }
0x28: {  	s0 =	rddreg [dreg:$0xb]  }
0x29: {  	p1 =	sne.s32 s0, $0x1  }
.Ltmp3:
0x2a: {  	_ = 	snop;
	(pc) =	sbr.rel @!p1 .LBB2_4-.Ltmp3, $3  }
0x2b: {  	_ =	sdelay $0x1  }
0x2c: {  	s31 =	simm.s32 $0x0  }
0x2d: {  	v11 =	vimm.s32 $0x0;
	s23 =	simm.s32 $0x0;
	s21 =	sadd.s32 $0xFFFFFFFF, s0;
	v12 =	vld [tilespmem:s31+$0x0]  }
.LBB2_3:
0x2e: {  	p1 =	sne.s32 s21, $0x1  }
.Ltmp4:
0x2f: {  	_ = 	snop;
	(pc) =	sbr.rel @p1 .LBB2_3-.Ltmp4, $3  }
0x30: {  	_ =	sdelay $0x1  }
0x31: {  	s21 =	sadd.s32 $0xFFFFFFFF, s21;
	s23 =	sadd.s32 $0x10, s23;
	v11 =	vadd.s32 v11, v12  }
0x32: {  	v12 =	vld [tilespmem:s23+$0x0]  }
.LBB2_4:
0x33: {  	_ =	sdelay $0x3  }
0x34: {  	v11 =	vadd.s32 v11, v12  }
.LBB2_5:
0x35: {  	_ =	sdelay $0x2  }
0x36: {  	[tilespmem:$0x1800] =	vst v11  }
0x37: {  	v12 =	vld.idx.msk [tilespmem:v0+s4+$0x0], $0xffff;
	_ =	sdelay $0x3  }
0x38: {  	vm5 =	veq.s32 v1, $0x0  }
0x39: {  	v12 =	vsel vm5, $0x0, v12  }
0x3a: {  	v11 =	vadd.s32 v11, v12  }
0x3b: {  	[tilespmem:$0x1800] =	vst v11  }
0x3c: {  	v12 =	vld.idx.msk [tilespmem:v2+s4+$0x0], $0xffff;
	_ =	sdelay $0x4  }
0x3d: {  	v12 =	vsel vm0, $0x0, v12  }
0x3e: {  	v11 =	vadd.s32 v11, v12  }
0x3f: {  	[tilespmem:$0x1800] =	vst v11  }
0x40: {  	v12 =	vld.idx.msk [tilespmem:v3+s4+$0x0], $0xffff;
	_ =	sdelay $0x4  }
0x41: {  	v12 =	vsel vm1, $0x0, v12  }
0x42: {  	v11 =	vadd.s32 v11, v12  }
0x43: {  	[tilespmem:$0x1800] =	vst v11  }
0x44: {  	v12 =	vld.idx.msk [tilespmem:v4+s4+$0x0], $0xffff;
	_ =	sdelay $0x4  }
0x45: {  	s21 =	simm.s32 $0x0;
	s23 =	sadd.s32 $0x0, s5;
	v12 =	vsel vm2, $0x0, v12  }
0x46: {  	s23 =	sand.u32 $0xF80, s23;
	s21 =	sand.u32 $0x70, s21;
	v11 =	vadd.s32 v11, v12  }
0x47: {  	s21 =	sor.u32 s21, s23;
	[tilespmem:$0x1800] =	vst v11  }
0x48: {  	v11 =	vld [tilespmem:s21+$0x0];
	_ =	sdelay $0x4  }
0x49: {  	v13 =	vld.idx.msk [tilespmem:v5+s4+$0x0], $0xffff;
	[tilespmem:$0x1800] =	vst v11  }
0x4a: {  	v12 =	vld.idx.msk [tilespmem:v0+s4+$0x0], $0xffff;
	_ =	sdelay $0x4  }
0x4b: {  	v12 =	vsel vm5, $0x0, v12  }
0x4c: {  	v12 =	vadd.s32 v11, v12  }
0x4d: {  	[tilespmem:$0x1800] =	vst v12  }
0x4e: {  	v14 =	vld.idx.msk [tilespmem:v2+s4+$0x0], $0xffff;
	_ =	sdelay $0x4  }
0x4f: {  	v14 =	vsel vm0, $0x0, v14  }
0x50: {  	v12 =	vadd.s32 v12, v14  }
0x51: {  	[tilespmem:$0x1800] =	vst v12  }
0x52: {  	v14 =	vld.idx.msk [tilespmem:v3+s4+$0x0], $0xffff;
	_ =	sdelay $0x4  }
0x53: {  	v14 =	vsel vm1, $0x0, v14  }
0x54: {  	v12 =	vadd.s32 v12, v14  }
0x55: {  	[tilespmem:$0x1800] =	vst v12  }
0x56: {  	v14 =	vld.idx.msk [tilespmem:v4+s4+$0x0], $0xffff;
	_ =	sdelay $0x4  }
0x57: {  	v14 =	vsel vm2, $0x0, v14  }
0x58: {  	v12 =	vadd.s32 v12, v14  }
0x59: {  	v14 =	vadd.s32 v12, v13  }
0x5a: {  	v14 =	vadd.s32 $0xFFFFFFFF, v14  }
0x5b: {  	vm4 =	vgt.s32 v14, $0x0  }
0x5c: {  	s31 =	simm.s32 $0x10;
	s24 =	sadd.s32 $0x10, s5;
	s21 =	simm.s32 $0x1000;
	v14 =	vnsel vm4, $0x0, v14  }
0x5d: {  	s24 =	sand.u32 $0xF80, s24;
	s23 =	sand.u32 $0x70, s31;
	[tilespmem:s21+$0x0] =	vst v14  }
0x5e: {  	s23 =	sor.u32 s23, s24;
	[tilespmem:$0x1800] =	vst v12  }
0x5f: {  	v15 =	vld [tilespmem:s23+$0x0];
	_ =	sdelay $0x2  }
0x60: {  	v14 =	vld.idx.msk [tilespmem:v5+s4+$0x0], $0xffff  }
0x61: {  	vm6 =	veq.s32 v11, $0x0  }
0x62: {  	[dreg:$0x18] =	wrdreg s1;
	v11 =	vimm.s32 $0x0;
	v12 =	vsel vm6, $0x1, v6;
	s23 =	simm.s32 $0x20;
	[tilespmem:$0x1800] =	vst v15;
	vm4 =	veq.s32 v15, $0x0  }
.LBB2_6:
0x63: {  	p1 =	sne.s32 s23, $0xF0  }
0x64: {  	v16 =	vld.idx.msk [tilespmem:v0+s4+$0x0], $0xffff;
	v11 =	vadd.s32 v12, v11;
	s21 =	sadd.s32 $0x80, s21;
	s24 =	smov.u32 s23;
	s23 =	sadd.s32 $0x10, s23  }
0x65: {  	v13 =	vadd.s32 v13, v14;
	_ =	sdelay $0x4  }
0x66: {  	v12 =	vsel vm5, $0x0, v16  }
0x67: {  	v12 =	vadd.s32 v15, v12  }
0x68: {  	[tilespmem:$0x1800] =	vst v12  }
0x69: {  	v14 =	vld.idx.msk [tilespmem:v2+s4+$0x0], $0xffff;
	_ =	sdelay $0x5  }
0x6a: {  	v14 =	vsel vm0, $0x0, v14  }
0x6b: {  	v12 =	vadd.s32 v12, v14  }
0x6c: {  	[tilespmem:$0x1800] =	vst v12  }
0x6d: {  	v14 =	vld.idx.msk [tilespmem:v3+s4+$0x0], $0xffff;
	_ =	sdelay $0x5  }
0x6e: {  	v14 =	vsel vm1, $0x0, v14  }
0x6f: {  	v12 =	vadd.s32 v12, v14  }
0x70: {  	[tilespmem:$0x1800] =	vst v12  }
0x71: {  	v14 =	vld.idx.msk [tilespmem:v4+s4+$0x0], $0xffff;
	_ =	sdelay $0x5  }
0x72: {  	v14 =	vsel vm2, $0x0, v14  }
0x73: {  	v12 =	vadd.s32 v12, v14  }
0x74: {  	v14 =	vadd.s32 v12, v13  }
0x75: {  	v14 =	vadd.s32 $0xFFFFFFFF, v14  }
0x76: {  	vm6 =	vgt.s32 v14, $0x0  }
0x77: {  	s25 =	sadd.s32 s24, s5;
	v14 =	vnsel vm6, $0x0, v14  }
0x78: {  	s24 =	sand.u32 $0x70, s24;
	s25 =	sand.u32 $0xF80, s25;
	[tilespmem:s21+$0x0] =	vst v14  }
0x79: {  	s24 =	sor.u32 s24, s25;
	[tilespmem:$0x1800] =	vst v12  }
0x7a: {  	v15 =	vld [tilespmem:s24+$0x0]  }
.Ltmp5:
0x7b: {  	v14 =	vld.idx.msk [tilespmem:v5+s4+$0x0], $0xffff;
	(pc) =	sbr.rel @p1 .LBB2_6-.Ltmp5, $2  }
0x7c: {  	_ =	sdelay $0x2  }
0x7d: {  	v12 =	vsel vm4, $0x1, v6;
	[tilespmem:$0x1800] =	vst v15;
	vm4 =	veq.s32 v15, $0x0  }
0x7e: {  	_ =	sdelay $0x3  }
0x7f: {  	v16 =	vld.idx.msk [tilespmem:v0+s4+$0x0], $0xffff;
	_ =	sdelay $0x4  }
0x80: {  	v16 =	vsel vm5, $0x0, v16  }
0x81: {  	v15 =	vadd.s32 v15, v16  }
0x82: {  	[tilespmem:$0x1800] =	vst v15  }
0x83: {  	v30 =	vld.idx.msk [tilespmem:v2+s4+$0x0], $0xffff;
	_ =	sdelay $0x4  }
0x84: {  	v16 =	vsel vm0, $0x0, v30  }
0x85: {  	v15 =	vadd.s32 v15, v16  }
0x86: {  	[tilespmem:$0x1800] =	vst v15  }
0x87: {  	v31 =	vld.idx.msk [tilespmem:v3+s4+$0x0], $0xffff;
	_ =	sdelay $0x4  }
0x88: {  	v16 =	vsel vm1, $0x0, v31  }
0x89: {  	v15 =	vadd.s32 v15, v16  }
0x8a: {  	[tilespmem:$0x1800] =	vst v15  }
0x8b: {  	v32 =	vld.idx.msk [tilespmem:v4+s4+$0x0], $0xffff;
	_ =	sdelay $0x4  }
0x8c: {  	v16 =	vsel vm2, $0x0, v32  }
0x8d: {  	v13 =	vadd.s32 v13, v14;
	v33 =	vadd.s32 v15, v16  }
0x8e: {  	v13 =	vadd.s32 v33, v13  }
0x8f: {  	v13 =	vadd.s32 $0xFFFFFFFF, v13  }
0x90: {  	vm5 =	vgt.s32 v13, $0x0  }
0x91: {  	s21 =	sadd.s32 $0x80, s21;
	v13 =	vnsel vm5, $0x0, v13  }
0x92: {  	[tilespmem:s21+$0x0] =	vst v13  }
0x93: {  	v13 =	vld [tilespmem:$0x1000];
	_ =	sdelay $0x4  }
0x94: {  	v34 =	vshll.u32 v13, $0x4  }
0x95: {  	v13 =	vand.u32 $0x7, v13;
	v15 =	vand.u32 $0xFFFFFF80, v34  }
0x96: {  	v13 =	vor.u32 v13, v15  }
0x97: {  	v15 =	vperm.xlane v13, v7;
	_ =	sdelay $0x1  }
0x98: {  	v15 =	vadd.s32 v8, v15;
	_ =	sdelay $0x3  }
0x99: {  	s16 =	simm.s32 $0x1880;
	s1 =	rddreg [dreg:$0x1];
	s21 =	simm.s32 $0x0;
	[tilespmem:$0x1800] =	vst v33  }
0x9a: {  	[tilespmem:s16], [sflag:$0x1] =	stream.indirect_vreg.gather [hbm4b:s1+s21], $0x80, v15, vm3, $0xb8;
	[tilespmem:$0x19880] =	vst v63  }
0x9b: {  	s0 =	simm.s32 $0x2080  }
0x9c: {  	[tilespmem:s0], [sflag:$0x1] =	stream.indirect_vreg.gather [hbm4b:s7+s21], $0x80, v15, vm3, $0xb8;
	[tilespmem:$0x19880] =	vst v63  }
0x9d: {  	s25 =	simm.s32 $0x2880  }
0x9e: {  	[tilespmem:s25], [sflag:$0x1] =	stream.indirect_vreg.gather [hbm4b:s8+s21], $0x80, v15, vm3, $0xb8;
	[tilespmem:$0x19880] =	vst v63  }
0x9f: {  	s26 =	simm.s32 $0x3080  }
0xa0: {  	[tilespmem:s26], [sflag:$0x1] =	stream.indirect_vreg.gather [hbm4b:s9+s21], $0x80, v15, vm3, $0xb8;
	[tilespmem:$0x19880] =	vst v63  }
0xa1: {  	s28 =	simm.s32 $0x3880  }
0xa2: {  	[tilespmem:s28], [sflag:$0x1] =	stream.indirect_vreg.gather [hbm4b:s10+s21], $0x80, v15, vm3, $0xb8;
	[tilespmem:$0x19880] =	vst v63  }
0xa3: {  	s29 =	simm.s32 $0x4080;
	v13 =	vperm.xlane v13, v9  }
0xa4: {  	[tilespmem:s29], [sflag:$0x1] =	stream.indirect_vreg.gather [hbm4b:s11+s21], $0x80, v15, vm3, $0xb8;
	[tilespmem:$0x19880] =	vst v63  }
0xa5: {  	s30 =	simm.s32 $0x4880;
	v13 =	vadd.s32 v8, v13  }
0xa6: {  	[tilespmem:s30], [sflag:$0x1] =	stream.indirect_vreg.gather [hbm4b:s12+s21], $0x80, v15, vm3, $0xb8;
	[tilespmem:$0x19880] =	vst v63  }
0xa7: {  	s31 =	simm.s32 $0x5080  }
0xa8: {  	[tilespmem:s31], [sflag:$0x1] =	stream.indirect_vreg.gather [hbm4b:s14+s21], $0x80, v15, vm3, $0xb8;
	[tilespmem:$0x19880] =	vst v63  }
0xa9: {  	s3 =	simm.s32 $0x5880  }
0xaa: {  	[tilespmem:s3], [sflag:$0x1] =	stream.indirect_vreg.gather [hbm4b:s1+s21], $0x80, v13, vm3, $0xb8;
	[tilespmem:$0x19880] =	vst v63  }
0xab: {  	s17 =	simm.s32 $0x6080  }
0xac: {  	[tilespmem:s17], [sflag:$0x1] =	stream.indirect_vreg.gather [hbm4b:s7+s21], $0x80, v13, vm3, $0xb8;
	[tilespmem:$0x19880] =	vst v63  }
0xad: {  	s19 =	simm.s32 $0x6880  }
0xae: {  	[tilespmem:s19], [sflag:$0x1] =	stream.indirect_vreg.gather [hbm4b:s8+s21], $0x80, v13, vm3, $0xb8;
	[tilespmem:$0x19880] =	vst v63  }
0xaf: {  	s23 =	simm.s32 $0x7080  }
0xb0: {  	[tilespmem:s23], [sflag:$0x1] =	stream.indirect_vreg.gather [hbm4b:s9+s21], $0x80, v13, vm3, $0xb8;
	[tilespmem:$0x19880] =	vst v63  }
0xb1: {  	s24 =	simm.s32 $0x7880  }
0xb2: {  	[tilespmem:s24], [sflag:$0x1] =	stream.indirect_vreg.gather [hbm4b:s10+s21], $0x80, v13, vm3, $0xb8;
	[tilespmem:$0x19880] =	vst v63  }
0xb3: {  	s25 =	simm.s32 $0x8080  }
0xb4: {  	[tilespmem:s25], [sflag:$0x1] =	stream.indirect_vreg.gather [hbm4b:s11+s21], $0x80, v13, vm3, $0xb8;
	[tilespmem:$0x19880] =	vst v63  }
0xb5: {  	s26 =	simm.s32 $0x8880  }
0xb6: {  	[tilespmem:s26], [sflag:$0x1] =	stream.indirect_vreg.gather [hbm4b:s12+s21], $0x80, v13, vm3, $0xb8;
	[tilespmem:$0x19880] =	vst v63  }
0xb7: {  	s3 =	simm.s32 $0x9080  }
0xb8: {  	[tilespmem:s3], [sflag:$0x1] =	stream.indirect_vreg.gather [hbm4b:s14+s21], $0x80, v13, vm3, $0xb8;
	[tilespmem:$0x19880] =	vst v63  }
0xb9: {  	v13 =	vld [tilespmem:$0x1080];
	_ =	sdelay $0x4  }
0xba: {  	v35 =	vshll.u32 v13, $0x4  }
0xbb: {  	v13 =	vand.u32 $0x7, v13;
	v14 =	vand.u32 $0xFFFFFF80, v35  }
0xbc: {  	v13 =	vor.u32 v13, v14  }
0xbd: {  	v14 =	vperm.xlane v13, v7;
	_ =	sdelay $0x1  }
0xbe: {  	v14 =	vadd.s32 v8, v14;
	_ =	sdelay $0x3  }
0xbf: {  	s19 =	simm.s32 $0x9880  }
0xc0: {  	[tilespmem:s19], [sflag:$0x2] =	stream.indirect_vreg.gather [hbm4b:s1+s21], $0x80, v14, vm3, $0xb8;
	[tilespmem:$0x19880] =	vst v63  }
0xc1: {  	s17 =	simm.s32 $0xA080  }
0xc2: {  	[tilespmem:s17], [sflag:$0x2] =	stream.indirect_vreg.gather [hbm4b:s7+s21], $0x80, v14, vm3, $0xb8;
	[tilespmem:$0x19880] =	vst v63  }
0xc3: {  	s3 =	simm.s32 $0xA880  }
0xc4: {  	[tilespmem:s3], [sflag:$0x2] =	stream.indirect_vreg.gather [hbm4b:s8+s21], $0x80, v14, vm3, $0xb8;
	[tilespmem:$0x19880] =	vst v63  }
0xc5: {  	s17 =	simm.s32 $0xB080  }
0xc6: {  	[tilespmem:s17], [sflag:$0x2] =	stream.indirect_vreg.gather [hbm4b:s9+s21], $0x80, v14, vm3, $0xb8;
	[tilespmem:$0x19880] =	vst v63  }
0xc7: {  	s3 =	simm.s32 $0xB880  }
0xc8: {  	[tilespmem:s3], [sflag:$0x2] =	stream.indirect_vreg.gather [hbm4b:s10+s21], $0x80, v14, vm3, $0xb8;
	[tilespmem:$0x19880] =	vst v63  }
0xc9: {  	v13 =	vperm.xlane v13, v9;
	s17 =	simm.s32 $0xC080  }
0xca: {  	[tilespmem:s17], [sflag:$0x2] =	stream.indirect_vreg.gather [hbm4b:s11+s21], $0x80, v14, vm3, $0xb8;
	[tilespmem:$0x19880] =	vst v63  }
0xcb: {  	v13 =	vadd.s32 v8, v13;
	s3 =	simm.s32 $0xC880  }
0xcc: {  	[tilespmem:s3], [sflag:$0x2] =	stream.indirect_vreg.gather [hbm4b:s12+s21], $0x80, v14, vm3, $0xb8;
	[tilespmem:$0x19880] =	vst v63  }
0xcd: {  	s17 =	simm.s32 $0xD080  }
0xce: {  	[tilespmem:s17], [sflag:$0x2] =	stream.indirect_vreg.gather [hbm4b:s14+s21], $0x80, v14, vm3, $0xb8;
	[tilespmem:$0x19880] =	vst v63  }
0xcf: {  	s3 =	simm.s32 $0xD880  }
0xd0: {  	[tilespmem:s3], [sflag:$0x2] =	stream.indirect_vreg.gather [hbm4b:s1+s21], $0x80, v13, vm3, $0xb8;
	[tilespmem:$0x19880] =	vst v63  }
0xd1: {  	s17 =	simm.s32 $0xE080  }
0xd2: {  	[tilespmem:s17], [sflag:$0x2] =	stream.indirect_vreg.gather [hbm4b:s7+s21], $0x80, v13, vm3, $0xb8;
	[tilespmem:$0x19880] =	vst v63  }
0xd3: {  	s3 =	simm.s32 $0xE880  }
0xd4: {  	[tilespmem:s3], [sflag:$0x2] =	stream.indirect_vreg.gather [hbm4b:s8+s21], $0x80, v13, vm3, $0xb8;
	[tilespmem:$0x19880] =	vst v63  }
0xd5: {  	s17 =	simm.s32 $0xF080  }
0xd6: {  	[tilespmem:s17], [sflag:$0x2] =	stream.indirect_vreg.gather [hbm4b:s9+s21], $0x80, v13, vm3, $0xb8;
	[tilespmem:$0x19880] =	vst v63  }
0xd7: {  	s3 =	simm.s32 $0xF880  }
0xd8: {  	[tilespmem:s3], [sflag:$0x2] =	stream.indirect_vreg.gather [hbm4b:s10+s21], $0x80, v13, vm3, $0xb8;
	[tilespmem:$0x19880] =	vst v63  }
0xd9: {  	s17 =	simm.s32 $0x10080  }
0xda: {  	[tilespmem:s17], [sflag:$0x2] =	stream.indirect_vreg.gather [hbm4b:s11+s21], $0x80, v13, vm3, $0xb8;
	[tilespmem:$0x19880] =	vst v63  }
0xdb: {  	s3 =	simm.s32 $0x10880  }
0xdc: {  	[tilespmem:s3], [sflag:$0x2] =	stream.indirect_vreg.gather [hbm4b:s12+s21], $0x80, v13, vm3, $0xb8;
	[tilespmem:$0x19880] =	vst v63  }
0xdd: {  	s17 =	simm.s32 $0x11080  }
0xde: {  	[tilespmem:s17], [sflag:$0x2] =	stream.indirect_vreg.gather [hbm4b:s14+s21], $0x80, v13, vm3, $0xb8;
	[tilespmem:$0x19880] =	vst v63  }
0xdf: {  	v13 =	vld [tilespmem:$0x1100];
	_ =	sdelay $0x4  }
0xe0: {  	v36 =	vshll.u32 v13, $0x4  }
0xe1: {  	v13 =	vand.u32 $0x7, v13;
	v14 =	vand.u32 $0xFFFFFF80, v36  }
0xe2: {  	v13 =	vor.u32 v13, v14  }
0xe3: {  	v14 =	vperm.xlane v13, v7;
	_ =	sdelay $0x1  }
0xe4: {  	v14 =	vadd.s32 v8, v14;
	_ =	sdelay $0x3  }
0xe5: {  	s17 =	simm.s32 $0x11880  }
0xe6: {  	[tilespmem:s17], [sflag:$0x3] =	stream.indirect_vreg.gather [hbm4b:s1+s21], $0x80, v14, vm3, $0xb8;
	[tilespmem:$0x19880] =	vst v63  }
0xe7: {  	s3 =	simm.s32 $0x12080  }
0xe8: {  	[tilespmem:s3], [sflag:$0x3] =	stream.indirect_vreg.gather [hbm4b:s7+s21], $0x80, v14, vm3, $0xb8;
	[tilespmem:$0x19880] =	vst v63  }
0xe9: {  	s3 =	simm.s32 $0x12880  }
0xea: {  	[tilespmem:s3], [sflag:$0x3] =	stream.indirect_vreg.gather [hbm4b:s8+s21], $0x80, v14, vm3, $0xb8;
	[tilespmem:$0x19880] =	vst v63  }
0xeb: {  	s3 =	simm.s32 $0x13080  }
0xec: {  	[tilespmem:s3], [sflag:$0x3] =	stream.indirect_vreg.gather [hbm4b:s9+s21], $0x80, v14, vm3, $0xb8;
	[tilespmem:$0x19880] =	vst v63  }
0xed: {  	s3 =	simm.s32 $0x13880  }
0xee: {  	[tilespmem:s3], [sflag:$0x3] =	stream.indirect_vreg.gather [hbm4b:s10+s21], $0x80, v14, vm3, $0xb8;
	[tilespmem:$0x19880] =	vst v63  }
0xef: {  	v13 =	vperm.xlane v13, v9;
	s3 =	simm.s32 $0x14080  }
0xf0: {  	[tilespmem:s3], [sflag:$0x3] =	stream.indirect_vreg.gather [hbm4b:s11+s21], $0x80, v14, vm3, $0xb8;
	[tilespmem:$0x19880] =	vst v63  }
0xf1: {  	v13 =	vadd.s32 v8, v13;
	s3 =	simm.s32 $0x14880  }
0xf2: {  	[tilespmem:s3], [sflag:$0x3] =	stream.indirect_vreg.gather [hbm4b:s12+s21], $0x80, v14, vm3, $0xb8;
	[tilespmem:$0x19880] =	vst v63  }
0xf3: {  	s3 =	simm.s32 $0x15080  }
0xf4: {  	[tilespmem:s3], [sflag:$0x3] =	stream.indirect_vreg.gather [hbm4b:s14+s21], $0x80, v14, vm3, $0xb8;
	[tilespmem:$0x19880] =	vst v63  }
0xf5: {  	s3 =	simm.s32 $0x15880  }
0xf6: {  	[tilespmem:s3], [sflag:$0x3] =	stream.indirect_vreg.gather [hbm4b:s1+s21], $0x80, v13, vm3, $0xb8;
	[tilespmem:$0x19880] =	vst v63  }
0xf7: {  	s3 =	simm.s32 $0x16080  }
0xf8: {  	[tilespmem:s3], [sflag:$0x3] =	stream.indirect_vreg.gather [hbm4b:s7+s21], $0x80, v13, vm3, $0xb8;
	[tilespmem:$0x19880] =	vst v63  }
0xf9: {  	s3 =	simm.s32 $0x16880  }
0xfa: {  	[tilespmem:s3], [sflag:$0x3] =	stream.indirect_vreg.gather [hbm4b:s8+s21], $0x80, v13, vm3, $0xb8;
	[tilespmem:$0x19880] =	vst v63  }
0xfb: {  	s3 =	simm.s32 $0x17080  }
0xfc: {  	[tilespmem:s3], [sflag:$0x3] =	stream.indirect_vreg.gather [hbm4b:s9+s21], $0x80, v13, vm3, $0xb8;
	[tilespmem:$0x19880] =	vst v63  }
0xfd: {  	s3 =	simm.s32 $0x17880  }
0xfe: {  	[tilespmem:s3], [sflag:$0x3] =	stream.indirect_vreg.gather [hbm4b:s10+s21], $0x80, v13, vm3, $0xb8;
	[tilespmem:$0x19880] =	vst v63  }
0xff: {  	s3 =	simm.s32 $0x18080  }
0x100: {  	[tilespmem:s3], [sflag:$0x3] =	stream.indirect_vreg.gather [hbm4b:s11+s21], $0x80, v13, vm3, $0xb8;
	[tilespmem:$0x19880] =	vst v63  }
0x101: {  	s3 =	simm.s32 $0x18880  }
0x102: {  	[tilespmem:s3], [sflag:$0x3] =	stream.indirect_vreg.gather [hbm4b:s12+s21], $0x80, v13, vm3, $0xb8;
	[tilespmem:$0x19880] =	vst v63  }
0x103: {  	s3 =	simm.s32 $0x19080  }
0x104: {  	[tilespmem:s3], [sflag:$0x3] =	stream.indirect_vreg.gather [hbm4b:s14+s21], $0x80, v13, vm3, $0xb8;
	[tilespmem:$0x19880] =	vst v63  }
0x105: {  	_ =	swait.ge [sflag:s13], $0x8000  }
0x106: {  	[sflag:s13] =	ssyncset.done $0x0  }
0x107: {  	s3 =	rddreg [dreg:$0x5];
	[sflag:s13] =	ssyncadd.s32 $0xFFFF8000  }
0x108: {  	[hbm4b:s3+s21] =	stream.linear.scatter [tilespmem:s16], [sflag:$0x4], $0x8000, $0x38;
	[tilespmem:$0x19880] =	vst v63  }
0x109: {  	s3 =	simm.s32 $0x4  }
0x10a: {  	_ =	swait.ge [sflag:s3], $0x8000  }
0x10b: {  	[sflag:s3] =	ssyncset.done $0x0  }
0x10c: {  	[sflag:s3] =	ssyncadd.s32 $0xFFFF8000  }
0x10d: {  	v37 =	vld [tilespmem:$0x1180];
	_ =	sdelay $0x4  }
0x10e: {  	v38 =	vshll.u32 v37, $0x4  }
0x10f: {  	v13 =	vand.u32 $0x7, v37;
	v14 =	vand.u32 $0xFFFFFF80, v38  }
0x110: {  	v13 =	vor.u32 v13, v14  }
0x111: {  	v14 =	vperm.xlane v13, v7;
	_ =	sdelay $0x1  }
0x112: {  	v14 =	vadd.s32 v8, v14;
	_ =	sdelay $0x4  }
0x113: {  	[tilespmem:s16], [sflag:$0x1] =	stream.indirect_vreg.gather [hbm4b:s1+s21], $0x80, v14, vm3, $0xb8;
	[tilespmem:$0x19880] =	vst v63  }
0x114: {  	s6 =	simm.s32 $0x2080  }
0x115: {  	[tilespmem:s6], [sflag:$0x1] =	stream.indirect_vreg.gather [hbm4b:s7+s21], $0x80, v14, vm3, $0xb8;
	[tilespmem:$0x19880] =	vst v63  }
0x116: {  	s15 =	simm.s32 $0x2880  }
0x117: {  	[tilespmem:s15], [sflag:$0x1] =	stream.indirect_vreg.gather [hbm4b:s8+s21], $0x80, v14, vm3, $0xb8;
	[tilespmem:$0x19880] =	vst v63  }
0x118: {  	s18 =	simm.s32 $0x3080  }
0x119: {  	[tilespmem:s18], [sflag:$0x1] =	stream.indirect_vreg.gather [hbm4b:s9+s21], $0x80, v14, vm3, $0xb8;
	[tilespmem:$0x19880] =	vst v63  }
0x11a: {  	s20 =	simm.s32 $0x3880  }
0x11b: {  	[tilespmem:s20], [sflag:$0x1] =	stream.indirect_vreg.gather [hbm4b:s10+s21], $0x80, v14, vm3, $0xb8;
	[tilespmem:$0x19880] =	vst v63  }
0x11c: {  	s22 =	simm.s32 $0x4080;
	v13 =	vperm.xlane v13, v9  }
0x11d: {  	[tilespmem:s22], [sflag:$0x1] =	stream.indirect_vreg.gather [hbm4b:s11+s21], $0x80, v14, vm3, $0xb8;
	[tilespmem:$0x19880] =	vst v63  }
0x11e: {  	s28 =	simm.s32 $0x4880;
	v13 =	vadd.s32 v8, v13  }
0x11f: {  	[tilespmem:s28], [sflag:$0x1] =	stream.indirect_vreg.gather [hbm4b:s12+s21], $0x80, v14, vm3, $0xb8;
	[tilespmem:$0x19880] =	vst v63  }
0x120: {  	s29 =	simm.s32 $0x5080  }
0x121: {  	[tilespmem:s29], [sflag:$0x1] =	stream.indirect_vreg.gather [hbm4b:s14+s21], $0x80, v14, vm3, $0xb8;
	[tilespmem:$0x19880] =	vst v63  }
0x122: {  	s30 =	simm.s32 $0x5880  }
0x123: {  	[tilespmem:s30], [sflag:$0x1] =	stream.indirect_vreg.gather [hbm4b:s1+s21], $0x80, v13, vm3, $0xb8;
	[tilespmem:$0x19880] =	vst v63  }
0x124: {  	s18 =	simm.s32 $0x6080  }
0x125: {  	[tilespmem:s18], [sflag:$0x1] =	stream.indirect_vreg.gather [hbm4b:s7+s21], $0x80, v13, vm3, $0xb8;
	[tilespmem:$0x19880] =	vst v63  }
0x126: {  	s31 =	simm.s32 $0x6880  }
0x127: {  	[tilespmem:s31], [sflag:$0x1] =	stream.indirect_vreg.gather [hbm4b:s8+s21], $0x80, v13, vm3, $0xb8;
	[tilespmem:$0x19880] =	vst v63  }
0x128: {  	s22 =	simm.s32 $0x7080  }
0x129: {  	[tilespmem:s22], [sflag:$0x1] =	stream.indirect_vreg.gather [hbm4b:s9+s21], $0x80, v13, vm3, $0xb8;
	[tilespmem:$0x19880] =	vst v63  }
0x12a: {  	s24 =	simm.s32 $0x7880  }
0x12b: {  	[tilespmem:s24], [sflag:$0x1] =	stream.indirect_vreg.gather [hbm4b:s10+s21], $0x80, v13, vm3, $0xb8;
	[tilespmem:$0x19880] =	vst v63  }
0x12c: {  	s25 =	simm.s32 $0x8080  }
0x12d: {  	[tilespmem:s25], [sflag:$0x1] =	stream.indirect_vreg.gather [hbm4b:s11+s21], $0x80, v13, vm3, $0xb8;
	[tilespmem:$0x19880] =	vst v63  }
0x12e: {  	s26 =	simm.s32 $0x8880  }
0x12f: {  	[tilespmem:s26], [sflag:$0x1] =	stream.indirect_vreg.gather [hbm4b:s12+s21], $0x80, v13, vm3, $0xb8;
	[tilespmem:$0x19880] =	vst v63  }
0x130: {  	s23 =	simm.s32 $0x9080;
	s18 =	simm.s32 $0x2  }
0x131: {  	[tilespmem:s23], [sflag:$0x1] =	stream.indirect_vreg.gather [hbm4b:s14+s21], $0x80, v13, vm3, $0xb8;
	[tilespmem:$0x19880] =	vst v63  }
0x132: {  	_ =	swait.ge [sflag:s18], $0x8000  }
0x133: {  	[sflag:s18] =	ssyncset.done $0x0  }
0x134: {  	s15 =	simm.s32 $0x5;
	s23 =	rddreg [dreg:$0x6];
	[sflag:s18] =	ssyncadd.s32 $0xFFFF8000  }
0x135: {  	[hbm4b:s23+s21] =	stream.linear.scatter [tilespmem:s19], [sflag:$0x5], $0x8000, $0x38;
	[tilespmem:$0x19880] =	vst v63  }
0x136: {  	_ =	swait.ge [sflag:s15], $0x8000  }
0x137: {  	[sflag:s15] =	ssyncset.done $0x0  }
0x138: {  	[sflag:s15] =	ssyncadd.s32 $0xFFFF8000  }
0x139: {  	v39 =	vld [tilespmem:$0x1200];
	_ =	sdelay $0x4  }
0x13a: {  	v40 =	vshll.u32 v39, $0x4  }
0x13b: {  	v13 =	vand.u32 $0x7, v39;
	v14 =	vand.u32 $0xFFFFFF80, v40  }
0x13c: {  	v13 =	vor.u32 v13, v14  }
0x13d: {  	v14 =	vperm.xlane v13, v7;
	_ =	sdelay $0x1  }
0x13e: {  	v14 =	vadd.s32 v8, v14;
	_ =	sdelay $0x4  }
0x13f: {  	[tilespmem:s19], [sflag:$0x2] =	stream.indirect_vreg.gather [hbm4b:s1+s21], $0x80, v14, vm3, $0xb8;
	[tilespmem:$0x19880] =	vst v63  }
0x140: {  	s6 =	simm.s32 $0xA080  }
0x141: {  	[tilespmem:s6], [sflag:$0x2] =	stream.indirect_vreg.gather [hbm4b:s7+s21], $0x80, v14, vm3, $0xb8;
	[tilespmem:$0x19880] =	vst v63  }
0x142: {  	s22 =	simm.s32 $0xA880  }
0x143: {  	[tilespmem:s22], [sflag:$0x2] =	stream.indirect_vreg.gather [hbm4b:s8+s21], $0x80, v14, vm3, $0xb8;
	[tilespmem:$0x19880] =	vst v63  }
0x144: {  	s23 =	simm.s32 $0xB080  }
0x145: {  	[tilespmem:s23], [sflag:$0x2] =	stream.indirect_vreg.gather [hbm4b:s9+s21], $0x80, v14, vm3, $0xb8;
	[tilespmem:$0x19880] =	vst v63  }
0x146: {  	s6 =	simm.s32 $0xB880  }
0x147: {  	[tilespmem:s6], [sflag:$0x2] =	stream.indirect_vreg.gather [hbm4b:s10+s21], $0x80, v14, vm3, $0xb8;
	[tilespmem:$0x19880] =	vst v63  }
0x148: {  	v13 =	vperm.xlane v13, v9;
	s22 =	simm.s32 $0xC080  }
0x149: {  	[tilespmem:s22], [sflag:$0x2] =	stream.indirect_vreg.gather [hbm4b:s11+s21], $0x80, v14, vm3, $0xb8;
	[tilespmem:$0x19880] =	vst v63  }
0x14a: {  	v13 =	vadd.s32 v8, v13;
	s23 =	simm.s32 $0xC880  }
0x14b: {  	[tilespmem:s23], [sflag:$0x2] =	stream.indirect_vreg.gather [hbm4b:s12+s21], $0x80, v14, vm3, $0xb8;
	[tilespmem:$0x19880] =	vst v63  }
0x14c: {  	s6 =	simm.s32 $0xD080  }
0x14d: {  	[tilespmem:s6], [sflag:$0x2] =	stream.indirect_vreg.gather [hbm4b:s14+s21], $0x80, v14, vm3, $0xb8;
	[tilespmem:$0x19880] =	vst v63  }
0x14e: {  	s22 =	simm.s32 $0xD880  }
0x14f: {  	[tilespmem:s22], [sflag:$0x2] =	stream.indirect_vreg.gather [hbm4b:s1+s21], $0x80, v13, vm3, $0xb8;
	[tilespmem:$0x19880] =	vst v63  }
0x150: {  	s23 =	simm.s32 $0xE080  }
0x151: {  	[tilespmem:s23], [sflag:$0x2] =	stream.indirect_vreg.gather [hbm4b:s7+s21], $0x80, v13, vm3, $0xb8;
	[tilespmem:$0x19880] =	vst v63  }
0x152: {  	s6 =	simm.s32 $0xE880  }
0x153: {  	[tilespmem:s6], [sflag:$0x2] =	stream.indirect_vreg.gather [hbm4b:s8+s21], $0x80, v13, vm3, $0xb8;
	[tilespmem:$0x19880] =	vst v63  }
0x154: {  	s22 =	simm.s32 $0xF080  }
0x155: {  	[tilespmem:s22], [sflag:$0x2] =	stream.indirect_vreg.gather [hbm4b:s9+s21], $0x80, v13, vm3, $0xb8;
	[tilespmem:$0x19880] =	vst v63  }
0x156: {  	s23 =	simm.s32 $0xF880  }
0x157: {  	[tilespmem:s23], [sflag:$0x2] =	stream.indirect_vreg.gather [hbm4b:s10+s21], $0x80, v13, vm3, $0xb8;
	[tilespmem:$0x19880] =	vst v63  }
0x158: {  	s6 =	simm.s32 $0x10080  }
0x159: {  	[tilespmem:s6], [sflag:$0x2] =	stream.indirect_vreg.gather [hbm4b:s11+s21], $0x80, v13, vm3, $0xb8;
	[tilespmem:$0x19880] =	vst v63  }
0x15a: {  	s22 =	simm.s32 $0x10880  }
0x15b: {  	[tilespmem:s22], [sflag:$0x2] =	stream.indirect_vreg.gather [hbm4b:s12+s21], $0x80, v13, vm3, $0xb8;
	[tilespmem:$0x19880] =	vst v63  }
0x15c: {  	s23 =	simm.s32 $0x11080;
	s22 =	simm.s32 $0x3  }
0x15d: {  	[tilespmem:s23], [sflag:$0x2] =	stream.indirect_vreg.gather [hbm4b:s14+s21], $0x80, v13, vm3, $0xb8;
	[tilespmem:$0x19880] =	vst v63  }
0x15e: {  	_ =	swait.ge [sflag:s22], $0x8000  }
0x15f: {  	[sflag:s22] =	ssyncset.done $0x0  }
0x160: {  	s6 =	rddreg [dreg:$0x7];
	[sflag:s22] =	ssyncadd.s32 $0xFFFF8000  }
0x161: {  	[hbm4b:s6+s21] =	stream.linear.scatter [tilespmem:s17], [sflag:$0x6], $0x8000, $0x38;
	[tilespmem:$0x19880] =	vst v63  }
0x162: {  	s6 =	simm.s32 $0x6  }
0x163: {  	_ =	swait.ge [sflag:s6], $0x8000  }
0x164: {  	[sflag:s6] =	ssyncset.done $0x0  }
0x165: {  	[sflag:s6] =	ssyncadd.s32 $0xFFFF8000  }
0x166: {  	v41 =	vld [tilespmem:$0x1280];
	_ =	sdelay $0x4  }
0x167: {  	v42 =	vshll.u32 v41, $0x4  }
0x168: {  	v13 =	vand.u32 $0x7, v41;
	v14 =	vand.u32 $0xFFFFFF80, v42  }
0x169: {  	v13 =	vor.u32 v13, v14  }
0x16a: {  	v14 =	vperm.xlane v13, v7;
	_ =	sdelay $0x1  }
0x16b: {  	v14 =	vadd.s32 v8, v14;
	_ =	sdelay $0x4  }
0x16c: {  	[tilespmem:s17], [sflag:$0x3] =	stream.indirect_vreg.gather [hbm4b:s1+s21], $0x80, v14, vm3, $0xb8;
	[tilespmem:$0x19880] =	vst v63  }
0x16d: {  	s23 =	simm.s32 $0x12080  }
0x16e: {  	[tilespmem:s23], [sflag:$0x3] =	stream.indirect_vreg.gather [hbm4b:s7+s21], $0x80, v14, vm3, $0xb8;
	[tilespmem:$0x19880] =	vst v63  }
0x16f: {  	s0 =	simm.s32 $0x12880  }
0x170: {  	[tilespmem:s0], [sflag:$0x3] =	stream.indirect_vreg.gather [hbm4b:s8+s21], $0x80, v14, vm3, $0xb8;
	[tilespmem:$0x19880] =	vst v63  }
0x171: {  	s0 =	simm.s32 $0x13080  }
0x172: {  	[tilespmem:s0], [sflag:$0x3] =	stream.indirect_vreg.gather [hbm4b:s9+s21], $0x80, v14, vm3, $0xb8;
	[tilespmem:$0x19880] =	vst v63  }
0x173: {  	s0 =	simm.s32 $0x13880  }
0x174: {  	[tilespmem:s0], [sflag:$0x3] =	stream.indirect_vreg.gather [hbm4b:s10+s21], $0x80, v14, vm3, $0xb8;
	[tilespmem:$0x19880] =	vst v63  }
0x175: {  	v13 =	vperm.xlane v13, v9;
	s0 =	simm.s32 $0x14080  }
0x176: {  	[tilespmem:s0], [sflag:$0x3] =	stream.indirect_vreg.gather [hbm4b:s11+s21], $0x80, v14, vm3, $0xb8;
	[tilespmem:$0x19880] =	vst v63  }
0x177: {  	v13 =	vadd.s32 v8, v13;
	s0 =	simm.s32 $0x14880  }
0x178: {  	[tilespmem:s0], [sflag:$0x3] =	stream.indirect_vreg.gather [hbm4b:s12+s21], $0x80, v14, vm3, $0xb8;
	[tilespmem:$0x19880] =	vst v63  }
0x179: {  	s0 =	simm.s32 $0x15080  }
0x17a: {  	[tilespmem:s0], [sflag:$0x3] =	stream.indirect_vreg.gather [hbm4b:s14+s21], $0x80, v14, vm3, $0xb8;
	[tilespmem:$0x19880] =	vst v63  }
0x17b: {  	s0 =	simm.s32 $0x15880  }
0x17c: {  	[tilespmem:s0], [sflag:$0x3] =	stream.indirect_vreg.gather [hbm4b:s1+s21], $0x80, v13, vm3, $0xb8;
	[tilespmem:$0x19880] =	vst v63  }
0x17d: {  	s0 =	simm.s32 $0x16080  }
0x17e: {  	[tilespmem:s0], [sflag:$0x3] =	stream.indirect_vreg.gather [hbm4b:s7+s21], $0x80, v13, vm3, $0xb8;
	[tilespmem:$0x19880] =	vst v63  }
0x17f: {  	s0 =	simm.s32 $0x16880  }
0x180: {  	[tilespmem:s0], [sflag:$0x3] =	stream.indirect_vreg.gather [hbm4b:s8+s21], $0x80, v13, vm3, $0xb8;
	[tilespmem:$0x19880] =	vst v63  }
0x181: {  	s0 =	simm.s32 $0x17080  }
0x182: {  	[tilespmem:s0], [sflag:$0x3] =	stream.indirect_vreg.gather [hbm4b:s9+s21], $0x80, v13, vm3, $0xb8;
	[tilespmem:$0x19880] =	vst v63  }
0x183: {  	s0 =	simm.s32 $0x17880  }
0x184: {  	[tilespmem:s0], [sflag:$0x3] =	stream.indirect_vreg.gather [hbm4b:s10+s21], $0x80, v13, vm3, $0xb8;
	[tilespmem:$0x19880] =	vst v63  }
0x185: {  	s0 =	simm.s32 $0x18080  }
0x186: {  	[tilespmem:s0], [sflag:$0x3] =	stream.indirect_vreg.gather [hbm4b:s11+s21], $0x80, v13, vm3, $0xb8;
	[tilespmem:$0x19880] =	vst v63  }
0x187: {  	s0 =	simm.s32 $0x18880  }
0x188: {  	[tilespmem:s0], [sflag:$0x3] =	stream.indirect_vreg.gather [hbm4b:s12+s21], $0x80, v13, vm3, $0xb8;
	[tilespmem:$0x19880] =	vst v63  }
0x189: {  	s0 =	simm.s32 $0x19080  }
0x18a: {  	[tilespmem:s0], [sflag:$0x3] =	stream.indirect_vreg.gather [hbm4b:s14+s21], $0x80, v13, vm3, $0xb8;
	[tilespmem:$0x19880] =	vst v63  }
0x18b: {  	_ =	swait.ge [sflag:s13], $0x8000  }
0x18c: {  	[sflag:s13] =	ssyncset.done $0x0  }
0x18d: {  	s0 =	rddreg [dreg:$0x8];
	[sflag:s13] =	ssyncadd.s32 $0xFFFF8000  }
0x18e: {  	[hbm4b:s0+s21] =	stream.linear.scatter [tilespmem:s16], [sflag:$0x4], $0x8000, $0x38;
	[tilespmem:$0x19880] =	vst v63  }
0x18f: {  	_ =	swait.ge [sflag:s3], $0x8000  }
0x190: {  	[sflag:s3] =	ssyncset.done $0x0  }
0x191: {  	[sflag:s3] =	ssyncadd.s32 $0xFFFF8000  }
0x192: {  	v43 =	vld [tilespmem:$0x1300];
	_ =	sdelay $0x4  }
0x193: {  	v44 =	vshll.u32 v43, $0x4  }
0x194: {  	v13 =	vand.u32 $0x7, v43;
	v14 =	vand.u32 $0xFFFFFF80, v44  }
0x195: {  	v13 =	vor.u32 v13, v14  }
0x196: {  	v14 =	vperm.xlane v13, v7;
	_ =	sdelay $0x1  }
0x197: {  	v14 =	vadd.s32 v8, v14;
	_ =	sdelay $0x4  }
0x198: {  	[tilespmem:s16], [sflag:$0x1] =	stream.indirect_vreg.gather [hbm4b:s1+s21], $0x80, v14, vm3, $0xb8;
	[tilespmem:$0x19880] =	vst v63  }
0x199: {  	s0 =	simm.s32 $0x2080  }
0x19a: {  	[tilespmem:s0], [sflag:$0x1] =	stream.indirect_vreg.gather [hbm4b:s7+s21], $0x80, v14, vm3, $0xb8;
	[tilespmem:$0x19880] =	vst v63  }
0x19b: {  	s0 =	simm.s32 $0x2880  }
0x19c: {  	[tilespmem:s0], [sflag:$0x1] =	stream.indirect_vreg.gather [hbm4b:s8+s21], $0x80, v14, vm3, $0xb8;
	[tilespmem:$0x19880] =	vst v63  }
0x19d: {  	s0 =	simm.s32 $0x3080  }
0x19e: {  	[tilespmem:s0], [sflag:$0x1] =	stream.indirect_vreg.gather [hbm4b:s9+s21], $0x80, v14, vm3, $0xb8;
	[tilespmem:$0x19880] =	vst v63  }
0x19f: {  	s0 =	simm.s32 $0x3880  }
0x1a0: {  	[tilespmem:s0], [sflag:$0x1] =	stream.indirect_vreg.gather [hbm4b:s10+s21], $0x80, v14, vm3, $0xb8;
	[tilespmem:$0x19880] =	vst v63  }
0x1a1: {  	v13 =	vperm.xlane v13, v9;
	s0 =	simm.s32 $0x4080  }
0x1a2: {  	[tilespmem:s0], [sflag:$0x1] =	stream.indirect_vreg.gather [hbm4b:s11+s21], $0x80, v14, vm3, $0xb8;
	[tilespmem:$0x19880] =	vst v63  }
0x1a3: {  	s20 =	simm.s32 $0x4880;
	v13 =	vadd.s32 v8, v13  }
0x1a4: {  	[tilespmem:s20], [sflag:$0x1] =	stream.indirect_vreg.gather [hbm4b:s12+s21], $0x80, v14, vm3, $0xb8;
	[tilespmem:$0x19880] =	vst v63  }
0x1a5: {  	s28 =	simm.s32 $0x5080  }
0x1a6: {  	[tilespmem:s28], [sflag:$0x1] =	stream.indirect_vreg.gather [hbm4b:s14+s21], $0x80, v14, vm3, $0xb8;
	[tilespmem:$0x19880] =	vst v63  }
0x1a7: {  	s29 =	simm.s32 $0x5880  }
0x1a8: {  	[tilespmem:s29], [sflag:$0x1] =	stream.indirect_vreg.gather [hbm4b:s1+s21], $0x80, v13, vm3, $0xb8;
	[tilespmem:$0x19880] =	vst v63  }
0x1a9: {  	s30 =	simm.s32 $0x6080  }
0x1aa: {  	[tilespmem:s30], [sflag:$0x1] =	stream.indirect_vreg.gather [hbm4b:s7+s21], $0x80, v13, vm3, $0xb8;
	[tilespmem:$0x19880] =	vst v63  }
0x1ab: {  	s31 =	simm.s32 $0x6880  }
0x1ac: {  	[tilespmem:s31], [sflag:$0x1] =	stream.indirect_vreg.gather [hbm4b:s8+s21], $0x80, v13, vm3, $0xb8;
	[tilespmem:$0x19880] =	vst v63  }
0x1ad: {  	s31 =	simm.s32 $0x7080  }
0x1ae: {  	[tilespmem:s31], [sflag:$0x1] =	stream.indirect_vreg.gather [hbm4b:s9+s21], $0x80, v13, vm3, $0xb8;
	[tilespmem:$0x19880] =	vst v63  }
0x1af: {  	s24 =	simm.s32 $0x7880  }
0x1b0: {  	[tilespmem:s24], [sflag:$0x1] =	stream.indirect_vreg.gather [hbm4b:s10+s21], $0x80, v13, vm3, $0xb8;
	[tilespmem:$0x19880] =	vst v63  }
0x1b1: {  	s25 =	simm.s32 $0x8080  }
0x1b2: {  	[tilespmem:s25], [sflag:$0x1] =	stream.indirect_vreg.gather [hbm4b:s11+s21], $0x80, v13, vm3, $0xb8;
	[tilespmem:$0x19880] =	vst v63  }
0x1b3: {  	s26 =	simm.s32 $0x8880  }
0x1b4: {  	[tilespmem:s26], [sflag:$0x1] =	stream.indirect_vreg.gather [hbm4b:s12+s21], $0x80, v13, vm3, $0xb8;
	[tilespmem:$0x19880] =	vst v63  }
0x1b5: {  	s31 =	simm.s32 $0x9080  }
0x1b6: {  	[tilespmem:s31], [sflag:$0x1] =	stream.indirect_vreg.gather [hbm4b:s14+s21], $0x80, v13, vm3, $0xb8;
	[tilespmem:$0x19880] =	vst v63  }
0x1b7: {  	_ =	swait.ge [sflag:s18], $0x8000  }
0x1b8: {  	[sflag:s18] =	ssyncset.done $0x0  }
0x1b9: {  	s0 =	rddreg [dreg:$0x9];
	[sflag:s18] =	ssyncadd.s32 $0xFFFF8000  }
0x1ba: {  	[hbm4b:s0+s21] =	stream.linear.scatter [tilespmem:s19], [sflag:$0x5], $0x8000, $0x38;
	[tilespmem:$0x19880] =	vst v63  }
0x1bb: {  	_ =	swait.ge [sflag:s15], $0x8000  }
0x1bc: {  	[sflag:s15] =	ssyncset.done $0x0  }
0x1bd: {  	[sflag:s15] =	ssyncadd.s32 $0xFFFF8000  }
0x1be: {  	v45 =	vld [tilespmem:$0x1380];
	_ =	sdelay $0x4  }
0x1bf: {  	v46 =	vshll.u32 v45, $0x4  }
0x1c0: {  	v13 =	vand.u32 $0x7, v45;
	v14 =	vand.u32 $0xFFFFFF80, v46  }
0x1c1: {  	v13 =	vor.u32 v13, v14  }
0x1c2: {  	v14 =	vperm.xlane v13, v7;
	_ =	sdelay $0x1  }
0x1c3: {  	v14 =	vadd.s32 v8, v14;
	_ =	sdelay $0x4  }
0x1c4: {  	[tilespmem:s19], [sflag:$0x2] =	stream.indirect_vreg.gather [hbm4b:s1+s21], $0x80, v14, vm3, $0xb8;
	[tilespmem:$0x19880] =	vst v63  }
0x1c5: {  	s0 =	simm.s32 $0xA080  }
0x1c6: {  	[tilespmem:s0], [sflag:$0x2] =	stream.indirect_vreg.gather [hbm4b:s7+s21], $0x80, v14, vm3, $0xb8;
	[tilespmem:$0x19880] =	vst v63  }
0x1c7: {  	s0 =	simm.s32 $0xA880  }
0x1c8: {  	[tilespmem:s0], [sflag:$0x2] =	stream.indirect_vreg.gather [hbm4b:s8+s21], $0x80, v14, vm3, $0xb8;
	[tilespmem:$0x19880] =	vst v63  }
0x1c9: {  	s0 =	simm.s32 $0xB080  }
0x1ca: {  	[tilespmem:s0], [sflag:$0x2] =	stream.indirect_vreg.gather [hbm4b:s9+s21], $0x80, v14, vm3, $0xb8;
	[tilespmem:$0x19880] =	vst v63  }
0x1cb: {  	s0 =	simm.s32 $0xB880  }
0x1cc: {  	[tilespmem:s0], [sflag:$0x2] =	stream.indirect_vreg.gather [hbm4b:s10+s21], $0x80, v14, vm3, $0xb8;
	[tilespmem:$0x19880] =	vst v63  }
0x1cd: {  	v13 =	vperm.xlane v13, v9;
	s0 =	simm.s32 $0xC080  }
0x1ce: {  	[tilespmem:s0], [sflag:$0x2] =	stream.indirect_vreg.gather [hbm4b:s11+s21], $0x80, v14, vm3, $0xb8;
	[tilespmem:$0x19880] =	vst v63  }
0x1cf: {  	v13 =	vadd.s32 v8, v13;
	s0 =	simm.s32 $0xC880  }
0x1d0: {  	[tilespmem:s0], [sflag:$0x2] =	stream.indirect_vreg.gather [hbm4b:s12+s21], $0x80, v14, vm3, $0xb8;
	[tilespmem:$0x19880] =	vst v63  }
0x1d1: {  	s0 =	simm.s32 $0xD080  }
0x1d2: {  	[tilespmem:s0], [sflag:$0x2] =	stream.indirect_vreg.gather [hbm4b:s14+s21], $0x80, v14, vm3, $0xb8;
	[tilespmem:$0x19880] =	vst v63  }
0x1d3: {  	s0 =	simm.s32 $0xD880  }
0x1d4: {  	[tilespmem:s0], [sflag:$0x2] =	stream.indirect_vreg.gather [hbm4b:s1+s21], $0x80, v13, vm3, $0xb8;
	[tilespmem:$0x19880] =	vst v63  }
0x1d5: {  	s0 =	simm.s32 $0xE080  }
0x1d6: {  	[tilespmem:s0], [sflag:$0x2] =	stream.indirect_vreg.gather [hbm4b:s7+s21], $0x80, v13, vm3, $0xb8;
	[tilespmem:$0x19880] =	vst v63  }
0x1d7: {  	s0 =	simm.s32 $0xE880  }
0x1d8: {  	[tilespmem:s0], [sflag:$0x2] =	stream.indirect_vreg.gather [hbm4b:s8+s21], $0x80, v13, vm3, $0xb8;
	[tilespmem:$0x19880] =	vst v63  }
0x1d9: {  	s0 =	simm.s32 $0xF080  }
0x1da: {  	[tilespmem:s0], [sflag:$0x2] =	stream.indirect_vreg.gather [hbm4b:s9+s21], $0x80, v13, vm3, $0xb8;
	[tilespmem:$0x19880] =	vst v63  }
0x1db: {  	s0 =	simm.s32 $0xF880  }
0x1dc: {  	[tilespmem:s0], [sflag:$0x2] =	stream.indirect_vreg.gather [hbm4b:s10+s21], $0x80, v13, vm3, $0xb8;
	[tilespmem:$0x19880] =	vst v63  }
0x1dd: {  	s0 =	simm.s32 $0x10080  }
0x1de: {  	[tilespmem:s0], [sflag:$0x2] =	stream.indirect_vreg.gather [hbm4b:s11+s21], $0x80, v13, vm3, $0xb8;
	[tilespmem:$0x19880] =	vst v63  }
0x1df: {  	s0 =	simm.s32 $0x10880  }
0x1e0: {  	[tilespmem:s0], [sflag:$0x2] =	stream.indirect_vreg.gather [hbm4b:s12+s21], $0x80, v13, vm3, $0xb8;
	[tilespmem:$0x19880] =	vst v63  }
0x1e1: {  	s0 =	simm.s32 $0x11080  }
0x1e2: {  	[tilespmem:s0], [sflag:$0x2] =	stream.indirect_vreg.gather [hbm4b:s14+s21], $0x80, v13, vm3, $0xb8;
	[tilespmem:$0x19880] =	vst v63  }
0x1e3: {  	_ =	swait.ge [sflag:s22], $0x8000  }
0x1e4: {  	[sflag:s22] =	ssyncset.done $0x0  }
0x1e5: {  	s0 =	rddreg [dreg:$0xa];
	[sflag:s22] =	ssyncadd.s32 $0xFFFF8000  }
0x1e6: {  	[hbm4b:s0+s21] =	stream.linear.scatter [tilespmem:s17], [sflag:$0x6], $0x8000, $0x38;
	[tilespmem:$0x19880] =	vst v63  }
0x1e7: {  	_ =	swait.ge [sflag:s6], $0x8000  }
0x1e8: {  	[sflag:s6] =	ssyncset.done $0x0  }
0x1e9: {  	[sflag:s6] =	ssyncadd.s32 $0xFFFF8000  }
0x1ea: {  	v47 =	vld [tilespmem:$0x1400];
	_ =	sdelay $0x4  }
0x1eb: {  	v48 =	vshll.u32 v47, $0x4  }
0x1ec: {  	v13 =	vand.u32 $0x7, v47;
	v14 =	vand.u32 $0xFFFFFF80, v48  }
0x1ed: {  	v13 =	vor.u32 v13, v14  }
0x1ee: {  	v14 =	vperm.xlane v13, v7;
	_ =	sdelay $0x1  }
0x1ef: {  	v14 =	vadd.s32 v8, v14;
	_ =	sdelay $0x4  }
0x1f0: {  	[tilespmem:s17], [sflag:$0x3] =	stream.indirect_vreg.gather [hbm4b:s1+s21], $0x80, v14, vm3, $0xb8;
	[tilespmem:$0x19880] =	vst v63  }
0x1f1: {  	s23 =	simm.s32 $0x12080  }
0x1f2: {  	[tilespmem:s23], [sflag:$0x3] =	stream.indirect_vreg.gather [hbm4b:s7+s21], $0x80, v14, vm3, $0xb8;
	[tilespmem:$0x19880] =	vst v63  }
0x1f3: {  	s0 =	simm.s32 $0x12880  }
0x1f4: {  	[tilespmem:s0], [sflag:$0x3] =	stream.indirect_vreg.gather [hbm4b:s8+s21], $0x80, v14, vm3, $0xb8;
	[tilespmem:$0x19880] =	vst v63  }
0x1f5: {  	s0 =	simm.s32 $0x13080  }
0x1f6: {  	[tilespmem:s0], [sflag:$0x3] =	stream.indirect_vreg.gather [hbm4b:s9+s21], $0x80, v14, vm3, $0xb8;
	[tilespmem:$0x19880] =	vst v63  }
0x1f7: {  	s0 =	simm.s32 $0x13880  }
0x1f8: {  	[tilespmem:s0], [sflag:$0x3] =	stream.indirect_vreg.gather [hbm4b:s10+s21], $0x80, v14, vm3, $0xb8;
	[tilespmem:$0x19880] =	vst v63  }
0x1f9: {  	v13 =	vperm.xlane v13, v9;
	s0 =	simm.s32 $0x14080  }
0x1fa: {  	[tilespmem:s0], [sflag:$0x3] =	stream.indirect_vreg.gather [hbm4b:s11+s21], $0x80, v14, vm3, $0xb8;
	[tilespmem:$0x19880] =	vst v63  }
0x1fb: {  	v13 =	vadd.s32 v8, v13;
	s0 =	simm.s32 $0x14880  }
0x1fc: {  	[tilespmem:s0], [sflag:$0x3] =	stream.indirect_vreg.gather [hbm4b:s12+s21], $0x80, v14, vm3, $0xb8;
	[tilespmem:$0x19880] =	vst v63  }
0x1fd: {  	s0 =	simm.s32 $0x15080  }
0x1fe: {  	[tilespmem:s0], [sflag:$0x3] =	stream.indirect_vreg.gather [hbm4b:s14+s21], $0x80, v14, vm3, $0xb8;
	[tilespmem:$0x19880] =	vst v63  }
0x1ff: {  	s0 =	simm.s32 $0x15880  }
0x200: {  	[tilespmem:s0], [sflag:$0x3] =	stream.indirect_vreg.gather [hbm4b:s1+s21], $0x80, v13, vm3, $0xb8;
	[tilespmem:$0x19880] =	vst v63  }
0x201: {  	s0 =	simm.s32 $0x16080  }
0x202: {  	[tilespmem:s0], [sflag:$0x3] =	stream.indirect_vreg.gather [hbm4b:s7+s21], $0x80, v13, vm3, $0xb8;
	[tilespmem:$0x19880] =	vst v63  }
0x203: {  	s0 =	simm.s32 $0x16880  }
0x204: {  	[tilespmem:s0], [sflag:$0x3] =	stream.indirect_vreg.gather [hbm4b:s8+s21], $0x80, v13, vm3, $0xb8;
	[tilespmem:$0x19880] =	vst v63  }
0x205: {  	s0 =	simm.s32 $0x17080  }
0x206: {  	[tilespmem:s0], [sflag:$0x3] =	stream.indirect_vreg.gather [hbm4b:s9+s21], $0x80, v13, vm3, $0xb8;
	[tilespmem:$0x19880] =	vst v63  }
0x207: {  	s0 =	simm.s32 $0x17880  }
0x208: {  	[tilespmem:s0], [sflag:$0x3] =	stream.indirect_vreg.gather [hbm4b:s10+s21], $0x80, v13, vm3, $0xb8;
	[tilespmem:$0x19880] =	vst v63  }
0x209: {  	s0 =	simm.s32 $0x18080  }
0x20a: {  	[tilespmem:s0], [sflag:$0x3] =	stream.indirect_vreg.gather [hbm4b:s11+s21], $0x80, v13, vm3, $0xb8;
	[tilespmem:$0x19880] =	vst v63  }
0x20b: {  	s0 =	simm.s32 $0x18880  }
0x20c: {  	[tilespmem:s0], [sflag:$0x3] =	stream.indirect_vreg.gather [hbm4b:s12+s21], $0x80, v13, vm3, $0xb8;
	[tilespmem:$0x19880] =	vst v63  }
0x20d: {  	s0 =	simm.s32 $0x19080  }
0x20e: {  	[tilespmem:s0], [sflag:$0x3] =	stream.indirect_vreg.gather [hbm4b:s14+s21], $0x80, v13, vm3, $0xb8;
	[tilespmem:$0x19880] =	vst v63  }
0x20f: {  	_ =	swait.ge [sflag:s13], $0x8000  }
0x210: {  	[sflag:s13] =	ssyncset.done $0x0  }
0x211: {  	s0 =	rddreg [dreg:$0xc];
	[sflag:s13] =	ssyncadd.s32 $0xFFFF8000  }
0x212: {  	[hbm4b:s0+s21] =	stream.linear.scatter [tilespmem:s16], [sflag:$0x4], $0x8000, $0x38;
	[tilespmem:$0x19880] =	vst v63  }
0x213: {  	_ =	swait.ge [sflag:s3], $0x8000  }
0x214: {  	[sflag:s3] =	ssyncset.done $0x0  }
0x215: {  	[sflag:s3] =	ssyncadd.s32 $0xFFFF8000  }
0x216: {  	v49 =	vld [tilespmem:$0x1480];
	_ =	sdelay $0x4  }
0x217: {  	v50 =	vshll.u32 v49, $0x4  }
0x218: {  	v13 =	vand.u32 $0x7, v49;
	v14 =	vand.u32 $0xFFFFFF80, v50  }
0x219: {  	v13 =	vor.u32 v13, v14  }
0x21a: {  	v14 =	vperm.xlane v13, v7;
	_ =	sdelay $0x1  }
0x21b: {  	v14 =	vadd.s32 v8, v14;
	_ =	sdelay $0x4  }
0x21c: {  	[tilespmem:s16], [sflag:$0x1] =	stream.indirect_vreg.gather [hbm4b:s1+s21], $0x80, v14, vm3, $0xb8;
	[tilespmem:$0x19880] =	vst v63  }
0x21d: {  	s0 =	simm.s32 $0x2080  }
0x21e: {  	[tilespmem:s0], [sflag:$0x1] =	stream.indirect_vreg.gather [hbm4b:s7+s21], $0x80, v14, vm3, $0xb8;
	[tilespmem:$0x19880] =	vst v63  }
0x21f: {  	s0 =	simm.s32 $0x2880  }
0x220: {  	[tilespmem:s0], [sflag:$0x1] =	stream.indirect_vreg.gather [hbm4b:s8+s21], $0x80, v14, vm3, $0xb8;
	[tilespmem:$0x19880] =	vst v63  }
0x221: {  	s0 =	simm.s32 $0x3080  }
0x222: {  	[tilespmem:s0], [sflag:$0x1] =	stream.indirect_vreg.gather [hbm4b:s9+s21], $0x80, v14, vm3, $0xb8;
	[tilespmem:$0x19880] =	vst v63  }
0x223: {  	s0 =	simm.s32 $0x3880  }
0x224: {  	[tilespmem:s0], [sflag:$0x1] =	stream.indirect_vreg.gather [hbm4b:s10+s21], $0x80, v14, vm3, $0xb8;
	[tilespmem:$0x19880] =	vst v63  }
0x225: {  	v13 =	vperm.xlane v13, v9;
	s0 =	simm.s32 $0x4080  }
0x226: {  	[tilespmem:s0], [sflag:$0x1] =	stream.indirect_vreg.gather [hbm4b:s11+s21], $0x80, v14, vm3, $0xb8;
	[tilespmem:$0x19880] =	vst v63  }
0x227: {  	s20 =	simm.s32 $0x4880;
	v13 =	vadd.s32 v8, v13  }
0x228: {  	[tilespmem:s20], [sflag:$0x1] =	stream.indirect_vreg.gather [hbm4b:s12+s21], $0x80, v14, vm3, $0xb8;
	[tilespmem:$0x19880] =	vst v63  }
0x229: {  	s28 =	simm.s32 $0x5080  }
0x22a: {  	[tilespmem:s28], [sflag:$0x1] =	stream.indirect_vreg.gather [hbm4b:s14+s21], $0x80, v14, vm3, $0xb8;
	[tilespmem:$0x19880] =	vst v63  }
0x22b: {  	s29 =	simm.s32 $0x5880  }
0x22c: {  	[tilespmem:s29], [sflag:$0x1] =	stream.indirect_vreg.gather [hbm4b:s1+s21], $0x80, v13, vm3, $0xb8;
	[tilespmem:$0x19880] =	vst v63  }
0x22d: {  	s30 =	simm.s32 $0x6080  }
0x22e: {  	[tilespmem:s30], [sflag:$0x1] =	stream.indirect_vreg.gather [hbm4b:s7+s21], $0x80, v13, vm3, $0xb8;
	[tilespmem:$0x19880] =	vst v63  }
0x22f: {  	s30 =	simm.s32 $0x6880  }
0x230: {  	[tilespmem:s30], [sflag:$0x1] =	stream.indirect_vreg.gather [hbm4b:s8+s21], $0x80, v13, vm3, $0xb8;
	[tilespmem:$0x19880] =	vst v63  }
0x231: {  	s20 =	simm.s32 $0x7080  }
0x232: {  	[tilespmem:s20], [sflag:$0x1] =	stream.indirect_vreg.gather [hbm4b:s9+s21], $0x80, v13, vm3, $0xb8;
	[tilespmem:$0x19880] =	vst v63  }
0x233: {  	s24 =	simm.s32 $0x7880  }
0x234: {  	[tilespmem:s24], [sflag:$0x1] =	stream.indirect_vreg.gather [hbm4b:s10+s21], $0x80, v13, vm3, $0xb8;
	[tilespmem:$0x19880] =	vst v63  }
0x235: {  	s25 =	simm.s32 $0x8080  }
0x236: {  	[tilespmem:s25], [sflag:$0x1] =	stream.indirect_vreg.gather [hbm4b:s11+s21], $0x80, v13, vm3, $0xb8;
	[tilespmem:$0x19880] =	vst v63  }
0x237: {  	s26 =	simm.s32 $0x8880  }
0x238: {  	[tilespmem:s26], [sflag:$0x1] =	stream.indirect_vreg.gather [hbm4b:s12+s21], $0x80, v13, vm3, $0xb8;
	[tilespmem:$0x19880] =	vst v63  }
0x239: {  	s31 =	simm.s32 $0x9080  }
0x23a: {  	[tilespmem:s31], [sflag:$0x1] =	stream.indirect_vreg.gather [hbm4b:s14+s21], $0x80, v13, vm3, $0xb8;
	[tilespmem:$0x19880] =	vst v63  }
0x23b: {  	_ =	swait.ge [sflag:s18], $0x8000  }
0x23c: {  	[sflag:s18] =	ssyncset.done $0x0  }
0x23d: {  	s25 =	rddreg [dreg:$0xe];
	[sflag:s18] =	ssyncadd.s32 $0xFFFF8000  }
0x23e: {  	[hbm4b:s25+s21] =	stream.linear.scatter [tilespmem:s19], [sflag:$0x5], $0x8000, $0x38;
	[tilespmem:$0x19880] =	vst v63  }
0x23f: {  	_ =	swait.ge [sflag:s15], $0x8000  }
0x240: {  	[sflag:s15] =	ssyncset.done $0x0  }
0x241: {  	[sflag:s15] =	ssyncadd.s32 $0xFFFF8000  }
0x242: {  	v51 =	vld [tilespmem:$0x1500];
	_ =	sdelay $0x4  }
0x243: {  	v52 =	vshll.u32 v51, $0x4  }
0x244: {  	v13 =	vand.u32 $0x7, v51;
	v14 =	vand.u32 $0xFFFFFF80, v52  }
0x245: {  	v13 =	vor.u32 v13, v14  }
0x246: {  	v14 =	vperm.xlane v13, v7;
	_ =	sdelay $0x1  }
0x247: {  	v14 =	vadd.s32 v8, v14;
	_ =	sdelay $0x4  }
0x248: {  	[tilespmem:s19], [sflag:$0x2] =	stream.indirect_vreg.gather [hbm4b:s1+s21], $0x80, v14, vm3, $0xb8;
	[tilespmem:$0x19880] =	vst v63  }
0x249: {  	s26 =	simm.s32 $0xA080  }
0x24a: {  	[tilespmem:s26], [sflag:$0x2] =	stream.indirect_vreg.gather [hbm4b:s7+s21], $0x80, v14, vm3, $0xb8;
	[tilespmem:$0x19880] =	vst v63  }
0x24b: {  	s28 =	simm.s32 $0xA880  }
0x24c: {  	[tilespmem:s28], [sflag:$0x2] =	stream.indirect_vreg.gather [hbm4b:s8+s21], $0x80, v14, vm3, $0xb8;
	[tilespmem:$0x19880] =	vst v63  }
0x24d: {  	s29 =	simm.s32 $0xB080  }
0x24e: {  	[tilespmem:s29], [sflag:$0x2] =	stream.indirect_vreg.gather [hbm4b:s9+s21], $0x80, v14, vm3, $0xb8;
	[tilespmem:$0x19880] =	vst v63  }
0x24f: {  	s30 =	simm.s32 $0xB880  }
0x250: {  	[tilespmem:s30], [sflag:$0x2] =	stream.indirect_vreg.gather [hbm4b:s10+s21], $0x80, v14, vm3, $0xb8;
	[tilespmem:$0x19880] =	vst v63  }
0x251: {  	s31 =	simm.s32 $0xC080;
	v13 =	vperm.xlane v13, v9  }
0x252: {  	[tilespmem:s31], [sflag:$0x2] =	stream.indirect_vreg.gather [hbm4b:s11+s21], $0x80, v14, vm3, $0xb8;
	[tilespmem:$0x19880] =	vst v63  }
0x253: {  	s20 =	simm.s32 $0xC880;
	v13 =	vadd.s32 v8, v13  }
0x254: {  	[tilespmem:s20], [sflag:$0x2] =	stream.indirect_vreg.gather [hbm4b:s12+s21], $0x80, v14, vm3, $0xb8;
	[tilespmem:$0x19880] =	vst v63  }
0x255: {  	s24 =	simm.s32 $0xD080  }
0x256: {  	[tilespmem:s24], [sflag:$0x2] =	stream.indirect_vreg.gather [hbm4b:s14+s21], $0x80, v14, vm3, $0xb8;
	[tilespmem:$0x19880] =	vst v63  }
0x257: {  	s25 =	simm.s32 $0xD880  }
0x258: {  	[tilespmem:s25], [sflag:$0x2] =	stream.indirect_vreg.gather [hbm4b:s1+s21], $0x80, v13, vm3, $0xb8;
	[tilespmem:$0x19880] =	vst v63  }
0x259: {  	s26 =	simm.s32 $0xE080  }
0x25a: {  	[tilespmem:s26], [sflag:$0x2] =	stream.indirect_vreg.gather [hbm4b:s7+s21], $0x80, v13, vm3, $0xb8;
	[tilespmem:$0x19880] =	vst v63  }
0x25b: {  	s28 =	simm.s32 $0xE880  }
0x25c: {  	[tilespmem:s28], [sflag:$0x2] =	stream.indirect_vreg.gather [hbm4b:s8+s21], $0x80, v13, vm3, $0xb8;
	[tilespmem:$0x19880] =	vst v63  }
0x25d: {  	s29 =	simm.s32 $0xF080  }
0x25e: {  	[tilespmem:s29], [sflag:$0x2] =	stream.indirect_vreg.gather [hbm4b:s9+s21], $0x80, v13, vm3, $0xb8;
	[tilespmem:$0x19880] =	vst v63  }
0x25f: {  	s30 =	simm.s32 $0xF880  }
0x260: {  	[tilespmem:s30], [sflag:$0x2] =	stream.indirect_vreg.gather [hbm4b:s10+s21], $0x80, v13, vm3, $0xb8;
	[tilespmem:$0x19880] =	vst v63  }
0x261: {  	s31 =	simm.s32 $0x10080  }
0x262: {  	[tilespmem:s31], [sflag:$0x2] =	stream.indirect_vreg.gather [hbm4b:s11+s21], $0x80, v13, vm3, $0xb8;
	[tilespmem:$0x19880] =	vst v63  }
0x263: {  	s20 =	simm.s32 $0x10880  }
0x264: {  	[tilespmem:s20], [sflag:$0x2] =	stream.indirect_vreg.gather [hbm4b:s12+s21], $0x80, v13, vm3, $0xb8;
	[tilespmem:$0x19880] =	vst v63  }
0x265: {  	s24 =	simm.s32 $0x11080  }
0x266: {  	[tilespmem:s24], [sflag:$0x2] =	stream.indirect_vreg.gather [hbm4b:s14+s21], $0x80, v13, vm3, $0xb8;
	[tilespmem:$0x19880] =	vst v63  }
0x267: {  	_ =	swait.ge [sflag:s22], $0x8000  }
0x268: {  	[sflag:s22] =	ssyncset.done $0x0  }
0x269: {  	s25 =	rddreg [dreg:$0xf];
	[sflag:s22] =	ssyncadd.s32 $0xFFFF8000  }
0x26a: {  	[hbm4b:s25+s21] =	stream.linear.scatter [tilespmem:s17], [sflag:$0x6], $0x8000, $0x38;
	[tilespmem:$0x19880] =	vst v63  }
0x26b: {  	_ =	swait.ge [sflag:s6], $0x8000  }
0x26c: {  	[sflag:s6] =	ssyncset.done $0x0  }
0x26d: {  	[sflag:s6] =	ssyncadd.s32 $0xFFFF8000  }
0x26e: {  	v53 =	vld [tilespmem:$0x1580];
	_ =	sdelay $0x4  }
0x26f: {  	v54 =	vshll.u32 v53, $0x4  }
0x270: {  	v13 =	vand.u32 $0x7, v53;
	v14 =	vand.u32 $0xFFFFFF80, v54  }
0x271: {  	v13 =	vor.u32 v13, v14  }
0x272: {  	v14 =	vperm.xlane v13, v7;
	_ =	sdelay $0x1  }
0x273: {  	v14 =	vadd.s32 v8, v14;
	_ =	sdelay $0x4  }
0x274: {  	[tilespmem:s17], [sflag:$0x3] =	stream.indirect_vreg.gather [hbm4b:s1+s21], $0x80, v14, vm3, $0xb8;
	[tilespmem:$0x19880] =	vst v63  }
0x275: {  	s23 =	simm.s32 $0x12080  }
0x276: {  	[tilespmem:s23], [sflag:$0x3] =	stream.indirect_vreg.gather [hbm4b:s7+s21], $0x80, v14, vm3, $0xb8;
	[tilespmem:$0x19880] =	vst v63  }
0x277: {  	s28 =	simm.s32 $0x12880  }
0x278: {  	[tilespmem:s28], [sflag:$0x3] =	stream.indirect_vreg.gather [hbm4b:s8+s21], $0x80, v14, vm3, $0xb8;
	[tilespmem:$0x19880] =	vst v63  }
0x279: {  	s29 =	simm.s32 $0x13080  }
0x27a: {  	[tilespmem:s29], [sflag:$0x3] =	stream.indirect_vreg.gather [hbm4b:s9+s21], $0x80, v14, vm3, $0xb8;
	[tilespmem:$0x19880] =	vst v63  }
0x27b: {  	s30 =	simm.s32 $0x13880  }
0x27c: {  	[tilespmem:s30], [sflag:$0x3] =	stream.indirect_vreg.gather [hbm4b:s10+s21], $0x80, v14, vm3, $0xb8;
	[tilespmem:$0x19880] =	vst v63  }
0x27d: {  	s31 =	simm.s32 $0x14080;
	v13 =	vperm.xlane v13, v9  }
0x27e: {  	[tilespmem:s31], [sflag:$0x3] =	stream.indirect_vreg.gather [hbm4b:s11+s21], $0x80, v14, vm3, $0xb8;
	[tilespmem:$0x19880] =	vst v63  }
0x27f: {  	s25 =	simm.s32 $0x14880;
	v13 =	vadd.s32 v8, v13  }
0x280: {  	[tilespmem:s25], [sflag:$0x3] =	stream.indirect_vreg.gather [hbm4b:s12+s21], $0x80, v14, vm3, $0xb8;
	[tilespmem:$0x19880] =	vst v63  }
0x281: {  	s28 =	simm.s32 $0x15080  }
0x282: {  	[tilespmem:s28], [sflag:$0x3] =	stream.indirect_vreg.gather [hbm4b:s14+s21], $0x80, v14, vm3, $0xb8;
	[tilespmem:$0x19880] =	vst v63  }
0x283: {  	s29 =	simm.s32 $0x15880  }
0x284: {  	[tilespmem:s29], [sflag:$0x3] =	stream.indirect_vreg.gather [hbm4b:s1+s21], $0x80, v13, vm3, $0xb8;
	[tilespmem:$0x19880] =	vst v63  }
0x285: {  	s30 =	simm.s32 $0x16080  }
0x286: {  	[tilespmem:s30], [sflag:$0x3] =	stream.indirect_vreg.gather [hbm4b:s7+s21], $0x80, v13, vm3, $0xb8;
	[tilespmem:$0x19880] =	vst v63  }
0x287: {  	s31 =	simm.s32 $0x16880  }
0x288: {  	[tilespmem:s31], [sflag:$0x3] =	stream.indirect_vreg.gather [hbm4b:s8+s21], $0x80, v13, vm3, $0xb8;
	[tilespmem:$0x19880] =	vst v63  }
0x289: {  	s0 =	simm.s32 $0x17080  }
0x28a: {  	[tilespmem:s0], [sflag:$0x3] =	stream.indirect_vreg.gather [hbm4b:s9+s21], $0x80, v13, vm3, $0xb8;
	[tilespmem:$0x19880] =	vst v63  }
0x28b: {  	s0 =	simm.s32 $0x17880  }
0x28c: {  	[tilespmem:s0], [sflag:$0x3] =	stream.indirect_vreg.gather [hbm4b:s10+s21], $0x80, v13, vm3, $0xb8;
	[tilespmem:$0x19880] =	vst v63  }
0x28d: {  	s0 =	simm.s32 $0x18080  }
0x28e: {  	[tilespmem:s0], [sflag:$0x3] =	stream.indirect_vreg.gather [hbm4b:s11+s21], $0x80, v13, vm3, $0xb8;
	[tilespmem:$0x19880] =	vst v63  }
0x28f: {  	s0 =	simm.s32 $0x18880  }
0x290: {  	[tilespmem:s0], [sflag:$0x3] =	stream.indirect_vreg.gather [hbm4b:s12+s21], $0x80, v13, vm3, $0xb8;
	[tilespmem:$0x19880] =	vst v63  }
0x291: {  	s0 =	simm.s32 $0x19080  }
0x292: {  	[tilespmem:s0], [sflag:$0x3] =	stream.indirect_vreg.gather [hbm4b:s14+s21], $0x80, v13, vm3, $0xb8;
	[tilespmem:$0x19880] =	vst v63  }
0x293: {  	_ =	swait.ge [sflag:s13], $0x8000  }
0x294: {  	[sflag:s13] =	ssyncset.done $0x0  }
0x295: {  	s0 =	rddreg [dreg:$0x11];
	[sflag:s13] =	ssyncadd.s32 $0xFFFF8000  }
0x296: {  	[hbm4b:s0+s21] =	stream.linear.scatter [tilespmem:s16], [sflag:$0x4], $0x8000, $0x38;
	[tilespmem:$0x19880] =	vst v63  }
0x297: {  	_ =	swait.ge [sflag:s3], $0x8000  }
0x298: {  	[sflag:s3] =	ssyncset.done $0x0  }
0x299: {  	[sflag:s3] =	ssyncadd.s32 $0xFFFF8000  }
0x29a: {  	v55 =	vld [tilespmem:$0x1600];
	_ =	sdelay $0x4  }
0x29b: {  	v56 =	vshll.u32 v55, $0x4  }
0x29c: {  	v13 =	vand.u32 $0x7, v55;
	v14 =	vand.u32 $0xFFFFFF80, v56  }
0x29d: {  	v13 =	vor.u32 v13, v14  }
0x29e: {  	v14 =	vperm.xlane v13, v7;
	_ =	sdelay $0x1  }
0x29f: {  	v14 =	vadd.s32 v8, v14;
	_ =	sdelay $0x4  }
0x2a0: {  	[tilespmem:s16], [sflag:$0x1] =	stream.indirect_vreg.gather [hbm4b:s1+s21], $0x80, v14, vm3, $0xb8;
	[tilespmem:$0x19880] =	vst v63  }
0x2a1: {  	s0 =	simm.s32 $0x2080  }
0x2a2: {  	[tilespmem:s0], [sflag:$0x1] =	stream.indirect_vreg.gather [hbm4b:s7+s21], $0x80, v14, vm3, $0xb8;
	[tilespmem:$0x19880] =	vst v63  }
0x2a3: {  	s0 =	simm.s32 $0x2880  }
0x2a4: {  	[tilespmem:s0], [sflag:$0x1] =	stream.indirect_vreg.gather [hbm4b:s8+s21], $0x80, v14, vm3, $0xb8;
	[tilespmem:$0x19880] =	vst v63  }
0x2a5: {  	s0 =	simm.s32 $0x3080  }
0x2a6: {  	[tilespmem:s0], [sflag:$0x1] =	stream.indirect_vreg.gather [hbm4b:s9+s21], $0x80, v14, vm3, $0xb8;
	[tilespmem:$0x19880] =	vst v63  }
0x2a7: {  	s0 =	simm.s32 $0x3880  }
0x2a8: {  	[tilespmem:s0], [sflag:$0x1] =	stream.indirect_vreg.gather [hbm4b:s10+s21], $0x80, v14, vm3, $0xb8;
	[tilespmem:$0x19880] =	vst v63  }
0x2a9: {  	v13 =	vperm.xlane v13, v9;
	s0 =	simm.s32 $0x4080  }
0x2aa: {  	[tilespmem:s0], [sflag:$0x1] =	stream.indirect_vreg.gather [hbm4b:s11+s21], $0x80, v14, vm3, $0xb8;
	[tilespmem:$0x19880] =	vst v63  }
0x2ab: {  	v13 =	vadd.s32 v8, v13;
	s0 =	simm.s32 $0x4880  }
0x2ac: {  	[tilespmem:s0], [sflag:$0x1] =	stream.indirect_vreg.gather [hbm4b:s12+s21], $0x80, v14, vm3, $0xb8;
	[tilespmem:$0x19880] =	vst v63  }
0x2ad: {  	s0 =	simm.s32 $0x5080  }
0x2ae: {  	[tilespmem:s0], [sflag:$0x1] =	stream.indirect_vreg.gather [hbm4b:s14+s21], $0x80, v14, vm3, $0xb8;
	[tilespmem:$0x19880] =	vst v63  }
0x2af: {  	s0 =	simm.s32 $0x5880  }
0x2b0: {  	[tilespmem:s0], [sflag:$0x1] =	stream.indirect_vreg.gather [hbm4b:s1+s21], $0x80, v13, vm3, $0xb8;
	[tilespmem:$0x19880] =	vst v63  }
0x2b1: {  	s0 =	simm.s32 $0x6080  }
0x2b2: {  	[tilespmem:s0], [sflag:$0x1] =	stream.indirect_vreg.gather [hbm4b:s7+s21], $0x80, v13, vm3, $0xb8;
	[tilespmem:$0x19880] =	vst v63  }
0x2b3: {  	s0 =	simm.s32 $0x6880  }
0x2b4: {  	[tilespmem:s0], [sflag:$0x1] =	stream.indirect_vreg.gather [hbm4b:s8+s21], $0x80, v13, vm3, $0xb8;
	[tilespmem:$0x19880] =	vst v63  }
0x2b5: {  	s0 =	simm.s32 $0x7080  }
0x2b6: {  	[tilespmem:s0], [sflag:$0x1] =	stream.indirect_vreg.gather [hbm4b:s9+s21], $0x80, v13, vm3, $0xb8;
	[tilespmem:$0x19880] =	vst v63  }
0x2b7: {  	s0 =	simm.s32 $0x7880  }
0x2b8: {  	[tilespmem:s0], [sflag:$0x1] =	stream.indirect_vreg.gather [hbm4b:s10+s21], $0x80, v13, vm3, $0xb8;
	[tilespmem:$0x19880] =	vst v63  }
0x2b9: {  	s0 =	simm.s32 $0x8080  }
0x2ba: {  	[tilespmem:s0], [sflag:$0x1] =	stream.indirect_vreg.gather [hbm4b:s11+s21], $0x80, v13, vm3, $0xb8;
	[tilespmem:$0x19880] =	vst v63  }
0x2bb: {  	s0 =	simm.s32 $0x8880  }
0x2bc: {  	[tilespmem:s0], [sflag:$0x1] =	stream.indirect_vreg.gather [hbm4b:s12+s21], $0x80, v13, vm3, $0xb8;
	[tilespmem:$0x19880] =	vst v63  }
0x2bd: {  	s0 =	simm.s32 $0x9080  }
0x2be: {  	[tilespmem:s0], [sflag:$0x1] =	stream.indirect_vreg.gather [hbm4b:s14+s21], $0x80, v13, vm3, $0xb8;
	[tilespmem:$0x19880] =	vst v63  }
0x2bf: {  	_ =	swait.ge [sflag:s18], $0x8000  }
0x2c0: {  	[sflag:s18] =	ssyncset.done $0x0  }
0x2c1: {  	s0 =	rddreg [dreg:$0x12];
	[sflag:s18] =	ssyncadd.s32 $0xFFFF8000  }
0x2c2: {  	[hbm4b:s0+s21] =	stream.linear.scatter [tilespmem:s19], [sflag:$0x5], $0x8000, $0x38;
	[tilespmem:$0x19880] =	vst v63  }
0x2c3: {  	_ =	swait.ge [sflag:s15], $0x8000  }
0x2c4: {  	[sflag:s15] =	ssyncset.done $0x0  }
0x2c5: {  	[sflag:s15] =	ssyncadd.s32 $0xFFFF8000  }
0x2c6: {  	v57 =	vld [tilespmem:$0x1680];
	_ =	sdelay $0x4  }
0x2c7: {  	v58 =	vshll.u32 v57, $0x4  }
0x2c8: {  	v13 =	vand.u32 $0x7, v57;
	v14 =	vand.u32 $0xFFFFFF80, v58  }
0x2c9: {  	v13 =	vor.u32 v13, v14  }
0x2ca: {  	v14 =	vperm.xlane v13, v7;
	_ =	sdelay $0x1  }
0x2cb: {  	v14 =	vadd.s32 v8, v14;
	_ =	sdelay $0x4  }
0x2cc: {  	[tilespmem:s19], [sflag:$0x2] =	stream.indirect_vreg.gather [hbm4b:s1+s21], $0x80, v14, vm3, $0xb8;
	[tilespmem:$0x19880] =	vst v63  }
0x2cd: {  	s0 =	simm.s32 $0xA080  }
0x2ce: {  	[tilespmem:s0], [sflag:$0x2] =	stream.indirect_vreg.gather [hbm4b:s7+s21], $0x80, v14, vm3, $0xb8;
	[tilespmem:$0x19880] =	vst v63  }
0x2cf: {  	s0 =	simm.s32 $0xA880  }
0x2d0: {  	[tilespmem:s0], [sflag:$0x2] =	stream.indirect_vreg.gather [hbm4b:s8+s21], $0x80, v14, vm3, $0xb8;
	[tilespmem:$0x19880] =	vst v63  }
0x2d1: {  	s0 =	simm.s32 $0xB080  }
0x2d2: {  	[tilespmem:s0], [sflag:$0x2] =	stream.indirect_vreg.gather [hbm4b:s9+s21], $0x80, v14, vm3, $0xb8;
	[tilespmem:$0x19880] =	vst v63  }
0x2d3: {  	s0 =	simm.s32 $0xB880  }
0x2d4: {  	[tilespmem:s0], [sflag:$0x2] =	stream.indirect_vreg.gather [hbm4b:s10+s21], $0x80, v14, vm3, $0xb8;
	[tilespmem:$0x19880] =	vst v63  }
0x2d5: {  	v13 =	vperm.xlane v13, v9;
	s0 =	simm.s32 $0xC080  }
0x2d6: {  	[tilespmem:s0], [sflag:$0x2] =	stream.indirect_vreg.gather [hbm4b:s11+s21], $0x80, v14, vm3, $0xb8;
	[tilespmem:$0x19880] =	vst v63  }
0x2d7: {  	v13 =	vadd.s32 v8, v13;
	s0 =	simm.s32 $0xC880  }
0x2d8: {  	[tilespmem:s0], [sflag:$0x2] =	stream.indirect_vreg.gather [hbm4b:s12+s21], $0x80, v14, vm3, $0xb8;
	[tilespmem:$0x19880] =	vst v63  }
0x2d9: {  	s0 =	simm.s32 $0xD080  }
0x2da: {  	[tilespmem:s0], [sflag:$0x2] =	stream.indirect_vreg.gather [hbm4b:s14+s21], $0x80, v14, vm3, $0xb8;
	[tilespmem:$0x19880] =	vst v63  }
0x2db: {  	s0 =	simm.s32 $0xD880  }
0x2dc: {  	[tilespmem:s0], [sflag:$0x2] =	stream.indirect_vreg.gather [hbm4b:s1+s21], $0x80, v13, vm3, $0xb8;
	[tilespmem:$0x19880] =	vst v63  }
0x2dd: {  	s0 =	simm.s32 $0xE080  }
0x2de: {  	[tilespmem:s0], [sflag:$0x2] =	stream.indirect_vreg.gather [hbm4b:s7+s21], $0x80, v13, vm3, $0xb8;
	[tilespmem:$0x19880] =	vst v63  }
0x2df: {  	s0 =	simm.s32 $0xE880  }
0x2e0: {  	[tilespmem:s0], [sflag:$0x2] =	stream.indirect_vreg.gather [hbm4b:s8+s21], $0x80, v13, vm3, $0xb8;
	[tilespmem:$0x19880] =	vst v63  }
0x2e1: {  	s0 =	simm.s32 $0xF080  }
0x2e2: {  	[tilespmem:s0], [sflag:$0x2] =	stream.indirect_vreg.gather [hbm4b:s9+s21], $0x80, v13, vm3, $0xb8;
	[tilespmem:$0x19880] =	vst v63  }
0x2e3: {  	s0 =	simm.s32 $0xF880  }
0x2e4: {  	[tilespmem:s0], [sflag:$0x2] =	stream.indirect_vreg.gather [hbm4b:s10+s21], $0x80, v13, vm3, $0xb8;
	[tilespmem:$0x19880] =	vst v63  }
0x2e5: {  	s0 =	simm.s32 $0x10080  }
0x2e6: {  	[tilespmem:s0], [sflag:$0x2] =	stream.indirect_vreg.gather [hbm4b:s11+s21], $0x80, v13, vm3, $0xb8;
	[tilespmem:$0x19880] =	vst v63  }
0x2e7: {  	s0 =	simm.s32 $0x10880  }
0x2e8: {  	[tilespmem:s0], [sflag:$0x2] =	stream.indirect_vreg.gather [hbm4b:s12+s21], $0x80, v13, vm3, $0xb8;
	[tilespmem:$0x19880] =	vst v63  }
0x2e9: {  	s26 =	simm.s32 $0x11080  }
0x2ea: {  	[tilespmem:s26], [sflag:$0x2] =	stream.indirect_vreg.gather [hbm4b:s14+s21], $0x80, v13, vm3, $0xb8;
	[tilespmem:$0x19880] =	vst v63  }
0x2eb: {  	_ =	swait.ge [sflag:s22], $0x8000  }
0x2ec: {  	[sflag:s22] =	ssyncset.done $0x0  }
0x2ed: {  	s26 =	rddreg [dreg:$0x13];
	[sflag:s22] =	ssyncadd.s32 $0xFFFF8000  }
0x2ee: {  	[hbm4b:s26+s21] =	stream.linear.scatter [tilespmem:s17], [sflag:$0x6], $0x8000, $0x38;
	[tilespmem:$0x19880] =	vst v63  }
0x2ef: {  	_ =	swait.ge [sflag:s6], $0x8000  }
0x2f0: {  	[sflag:s6] =	ssyncset.done $0x0  }
0x2f1: {  	[sflag:s6] =	ssyncadd.s32 $0xFFFF8000  }
0x2f2: {  	v59 =	vld [tilespmem:$0x1700];
	_ =	sdelay $0x4  }
0x2f3: {  	v60 =	vshll.u32 v59, $0x4  }
0x2f4: {  	v13 =	vand.u32 $0x7, v59;
	v14 =	vand.u32 $0xFFFFFF80, v60  }
0x2f5: {  	v13 =	vor.u32 v13, v14  }
0x2f6: {  	v14 =	vperm.xlane v13, v7;
	_ =	sdelay $0x1  }
0x2f7: {  	v14 =	vadd.s32 v8, v14;
	_ =	sdelay $0x4  }
0x2f8: {  	[tilespmem:s17], [sflag:$0x3] =	stream.indirect_vreg.gather [hbm4b:s1+s21], $0x80, v14, vm3, $0xb8;
	[tilespmem:$0x19880] =	vst v63  }
0x2f9: {  	s20 =	simm.s32 $0x12080  }
0x2fa: {  	[tilespmem:s20], [sflag:$0x3] =	stream.indirect_vreg.gather [hbm4b:s7+s21], $0x80, v14, vm3, $0xb8;
	[tilespmem:$0x19880] =	vst v63  }
0x2fb: {  	s23 =	simm.s32 $0x12880  }
0x2fc: {  	[tilespmem:s23], [sflag:$0x3] =	stream.indirect_vreg.gather [hbm4b:s8+s21], $0x80, v14, vm3, $0xb8;
	[tilespmem:$0x19880] =	vst v63  }
0x2fd: {  	s24 =	simm.s32 $0x13080  }
0x2fe: {  	[tilespmem:s24], [sflag:$0x3] =	stream.indirect_vreg.gather [hbm4b:s9+s21], $0x80, v14, vm3, $0xb8;
	[tilespmem:$0x19880] =	vst v63  }
0x2ff: {  	s23 =	simm.s32 $0x13880  }
0x300: {  	[tilespmem:s23], [sflag:$0x3] =	stream.indirect_vreg.gather [hbm4b:s10+s21], $0x80, v14, vm3, $0xb8;
	[tilespmem:$0x19880] =	vst v63  }
0x301: {  	v13 =	vperm.xlane v13, v9;
	s24 =	simm.s32 $0x14080  }
0x302: {  	[tilespmem:s24], [sflag:$0x3] =	stream.indirect_vreg.gather [hbm4b:s11+s21], $0x80, v14, vm3, $0xb8;
	[tilespmem:$0x19880] =	vst v63  }
0x303: {  	s25 =	simm.s32 $0x14880;
	v13 =	vadd.s32 v8, v13  }
0x304: {  	[tilespmem:s25], [sflag:$0x3] =	stream.indirect_vreg.gather [hbm4b:s12+s21], $0x80, v14, vm3, $0xb8;
	[tilespmem:$0x19880] =	vst v63  }
0x305: {  	s28 =	simm.s32 $0x15080  }
0x306: {  	[tilespmem:s28], [sflag:$0x3] =	stream.indirect_vreg.gather [hbm4b:s14+s21], $0x80, v14, vm3, $0xb8;
	[tilespmem:$0x19880] =	vst v63  }
0x307: {  	s29 =	simm.s32 $0x15880  }
0x308: {  	[tilespmem:s29], [sflag:$0x3] =	stream.indirect_vreg.gather [hbm4b:s1+s21], $0x80, v13, vm3, $0xb8;
	[tilespmem:$0x19880] =	vst v63  }
0x309: {  	s30 =	simm.s32 $0x16080  }
0x30a: {  	[tilespmem:s30], [sflag:$0x3] =	stream.indirect_vreg.gather [hbm4b:s7+s21], $0x80, v13, vm3, $0xb8;
	[tilespmem:$0x19880] =	vst v63  }
0x30b: {  	s31 =	simm.s32 $0x16880  }
0x30c: {  	[tilespmem:s31], [sflag:$0x3] =	stream.indirect_vreg.gather [hbm4b:s8+s21], $0x80, v13, vm3, $0xb8;
	[tilespmem:$0x19880] =	vst v63  }
0x30d: {  	s25 =	simm.s32 $0x17080  }
0x30e: {  	[tilespmem:s25], [sflag:$0x3] =	stream.indirect_vreg.gather [hbm4b:s9+s21], $0x80, v13, vm3, $0xb8;
	[tilespmem:$0x19880] =	vst v63  }
0x30f: {  	s26 =	simm.s32 $0x17880  }
0x310: {  	[tilespmem:s26], [sflag:$0x3] =	stream.indirect_vreg.gather [hbm4b:s10+s21], $0x80, v13, vm3, $0xb8;
	[tilespmem:$0x19880] =	vst v63  }
0x311: {  	s28 =	simm.s32 $0x18080  }
0x312: {  	[tilespmem:s28], [sflag:$0x3] =	stream.indirect_vreg.gather [hbm4b:s11+s21], $0x80, v13, vm3, $0xb8;
	[tilespmem:$0x19880] =	vst v63  }
0x313: {  	s29 =	simm.s32 $0x18880  }
0x314: {  	[tilespmem:s29], [sflag:$0x3] =	stream.indirect_vreg.gather [hbm4b:s12+s21], $0x80, v13, vm3, $0xb8;
	[tilespmem:$0x19880] =	vst v63  }
0x315: {  	s30 =	simm.s32 $0x19080  }
0x316: {  	[tilespmem:s30], [sflag:$0x3] =	stream.indirect_vreg.gather [hbm4b:s14+s21], $0x80, v13, vm3, $0xb8;
	[tilespmem:$0x19880] =	vst v63  }
0x317: {  	_ =	swait.ge [sflag:s13], $0x8000  }
0x318: {  	[sflag:s13] =	ssyncset.done $0x0  }
0x319: {  	s31 =	rddreg [dreg:$0x14];
	[sflag:s13] =	ssyncadd.s32 $0xFFFF8000  }
0x31a: {  	[hbm4b:s31+s21] =	stream.linear.scatter [tilespmem:s16], [sflag:$0x4], $0x8000, $0x38;
	[tilespmem:$0x19880] =	vst v63  }
0x31b: {  	_ =	swait.ge [sflag:s3], $0x8000  }
0x31c: {  	[sflag:s3] =	ssyncset.done $0x0  }
0x31d: {  	[sflag:s3] =	ssyncadd.s32 $0xFFFF8000  }
0x31e: {  	v61 =	vld [tilespmem:$0x1780];
	_ =	sdelay $0x4  }
0x31f: {  	v62 =	vshll.u32 v61, $0x4  }
0x320: {  	v13 =	vand.u32 $0x7, v61;
	v14 =	vand.u32 $0xFFFFFF80, v62  }
0x321: {  	v13 =	vor.u32 v13, v14  }
0x322: {  	v14 =	vperm.xlane v13, v7;
	_ =	sdelay $0x1  }
0x323: {  	v14 =	vadd.s32 v8, v14;
	_ =	sdelay $0x4  }
0x324: {  	[tilespmem:s16], [sflag:$0x1] =	stream.indirect_vreg.gather [hbm4b:s1+s21], $0x80, v14, vm3, $0xb8;
	[tilespmem:$0x19880] =	vst v63  }
0x325: {  	s20 =	simm.s32 $0x2080  }
0x326: {  	[tilespmem:s20], [sflag:$0x1] =	stream.indirect_vreg.gather [hbm4b:s7+s21], $0x80, v14, vm3, $0xb8;
	[tilespmem:$0x19880] =	vst v63  }
0x327: {  	s23 =	simm.s32 $0x2880  }
0x328: {  	[tilespmem:s23], [sflag:$0x1] =	stream.indirect_vreg.gather [hbm4b:s8+s21], $0x80, v14, vm3, $0xb8;
	[tilespmem:$0x19880] =	vst v63  }
0x329: {  	s24 =	simm.s32 $0x3080  }
0x32a: {  	[tilespmem:s24], [sflag:$0x1] =	stream.indirect_vreg.gather [hbm4b:s9+s21], $0x80, v14, vm3, $0xb8;
	[tilespmem:$0x19880] =	vst v63  }
0x32b: {  	s25 =	simm.s32 $0x3880  }
0x32c: {  	[tilespmem:s25], [sflag:$0x1] =	stream.indirect_vreg.gather [hbm4b:s10+s21], $0x80, v14, vm3, $0xb8;
	[tilespmem:$0x19880] =	vst v63  }
0x32d: {  	s26 =	simm.s32 $0x4080;
	v13 =	vperm.xlane v13, v9  }
0x32e: {  	[tilespmem:s26], [sflag:$0x1] =	stream.indirect_vreg.gather [hbm4b:s11+s21], $0x80, v14, vm3, $0xb8;
	[tilespmem:$0x19880] =	vst v63  }
0x32f: {  	s28 =	simm.s32 $0x4880;
	v13 =	vadd.s32 v8, v13  }
0x330: {  	[tilespmem:s28], [sflag:$0x1] =	stream.indirect_vreg.gather [hbm4b:s12+s21], $0x80, v14, vm3, $0xb8;
	[tilespmem:$0x19880] =	vst v63  }
0x331: {  	s29 =	simm.s32 $0x5080  }
0x332: {  	[tilespmem:s29], [sflag:$0x1] =	stream.indirect_vreg.gather [hbm4b:s14+s21], $0x80, v14, vm3, $0xb8;
	[tilespmem:$0x19880] =	vst v63  }
0x333: {  	s30 =	simm.s32 $0x5880  }
0x334: {  	[tilespmem:s30], [sflag:$0x1] =	stream.indirect_vreg.gather [hbm4b:s1+s21], $0x80, v13, vm3, $0xb8;
	[tilespmem:$0x19880] =	vst v63  }
0x335: {  	s31 =	simm.s32 $0x6080  }
0x336: {  	[tilespmem:s31], [sflag:$0x1] =	stream.indirect_vreg.gather [hbm4b:s7+s21], $0x80, v13, vm3, $0xb8;
	[tilespmem:$0x19880] =	vst v63  }
0x337: {  	s1 =	simm.s32 $0x6880  }
0x338: {  	[tilespmem:s1], [sflag:$0x1] =	stream.indirect_vreg.gather [hbm4b:s8+s21], $0x80, v13, vm3, $0xb8;
	[tilespmem:$0x19880] =	vst v63  }
0x339: {  	s20 =	simm.s32 $0x7080  }
0x33a: {  	[tilespmem:s20], [sflag:$0x1] =	stream.indirect_vreg.gather [hbm4b:s9+s21], $0x80, v13, vm3, $0xb8;
	[tilespmem:$0x19880] =	vst v63  }
0x33b: {  	s23 =	simm.s32 $0x7880  }
0x33c: {  	[tilespmem:s23], [sflag:$0x1] =	stream.indirect_vreg.gather [hbm4b:s10+s21], $0x80, v13, vm3, $0xb8;
	[tilespmem:$0x19880] =	vst v63  }
0x33d: {  	s24 =	simm.s32 $0x8080  }
0x33e: {  	[tilespmem:s24], [sflag:$0x1] =	stream.indirect_vreg.gather [hbm4b:s11+s21], $0x80, v13, vm3, $0xb8;
	[tilespmem:$0x19880] =	vst v63  }
0x33f: {  	s25 =	simm.s32 $0x8880  }
0x340: {  	[tilespmem:s25], [sflag:$0x1] =	stream.indirect_vreg.gather [hbm4b:s12+s21], $0x80, v13, vm3, $0xb8;
	[tilespmem:$0x19880] =	vst v63  }
0x341: {  	s26 =	simm.s32 $0x9080  }
0x342: {  	[tilespmem:s26], [sflag:$0x1] =	stream.indirect_vreg.gather [hbm4b:s14+s21], $0x80, v13, vm3, $0xb8;
	[tilespmem:$0x19880] =	vst v63  }
0x343: {  	_ =	swait.ge [sflag:s18], $0x8000  }
0x344: {  	[sflag:s18] =	ssyncset.done $0x0  }
0x345: {  	s28 =	rddreg [dreg:$0x15];
	[sflag:s18] =	ssyncadd.s32 $0xFFFF8000  }
0x346: {  	[hbm4b:s28+s21] =	stream.linear.scatter [tilespmem:s19], [sflag:$0x5], $0x8000, $0x38;
	[tilespmem:$0x19880] =	vst v63  }
0x347: {  	_ =	swait.ge [sflag:s22], $0x8000  }
0x348: {  	[sflag:s22] =	ssyncset.done $0x0  }
0x349: {  	s29 =	rddreg [dreg:$0x16];
	[sflag:s22] =	ssyncadd.s32 $0xFFFF8000  }
0x34a: {  	[hbm4b:s29+s21] =	stream.linear.scatter [tilespmem:s17], [sflag:$0x6], $0x8000, $0x38;
	[tilespmem:$0x19880] =	vst v63  }
0x34b: {  	_ =	swait.ge [sflag:s13], $0x8000  }
0x34c: {  	[sflag:s13] =	ssyncset.done $0x0  }
0x34d: {  	s30 =	rddreg [dreg:$0x17];
	[sflag:s13] =	ssyncadd.s32 $0xFFFF8000  }
0x34e: {  	[hbm4b:s30+s21] =	stream.linear.scatter [tilespmem:s16], [sflag:$0x4], $0x8000, $0x38;
	[tilespmem:$0x19880] =	vst v63  }
0x34f: {  	_ =	swait.ge [sflag:s3], $0x8000  }
0x350: {  	[sflag:s3] =	ssyncset.done $0x0  }
0x351: {  	v11 =	vadd.s32 v12, v11;
	v63 =	vsel vm4, $0x1, v6;
	[sflag:s3] =	ssyncadd.s32 $0xFFFF8000  }
0x352: {  	v11 =	vadd.s32 v63, v11;
	_ =	swait.ge [sflag:s15], $0x8000  }
0x353: {  	vm4 =	vne.s32 v11, $0x0;
	[sflag:s15] =	ssyncset.done $0x0  }
0x354: {  	v11 =	vmpcnt.ones.xlane vm4;
	[sflag:s15] =	ssyncadd.s32 $0xFFFF8000  }
0x355: {  	_ =	swait.ge [sflag:s6], $0x8000  }
0x356: {  	(v2sf) =	vpush v11, $0x0;
	_ =	sdelay $0xe  }
0x357: {  	s31 =	spop (v2sf)  }
0x358: {  	p1 =	seq.s32 s31, $0x0  }
.Ltmp6:
0x359: {  	_ = 	snop;
	(pc) =	sbr.rel @p1 .LBB2_16-.Ltmp6, $3  }
0x35a: {  	_ =	sdelay $0x1  }
0x35b: {  	[sflag:s6] =	ssyncset.done $0x0  }
0x35c: {  	s1 =	rddreg [dreg:$0x18];
	[sflag:s6] =	ssyncadd.s32 $0xFFFF8000  }
0x35d: {  	s23 =	sand.u32 $0x70, s21;
	s24 =	sand.u32 $0x3C00, s21  }
0x35e: {  	s24 =	sor.u32 s23, s24  }
0x35f: {  	s23 =	sadd.s32 $0x10, s21;
	[tilespmem:s24+$0x1880] =	vst v10;
	s24 =	simm.s32 $0x0  }
.LBB2_9:
0x360: {  	p1 =	sne.s32 s23, $0x7F0  }
.Ltmp7:
0x361: {  	_ = 	snop;
	(pc) =	sbr.rel @p1 .LBB2_9-.Ltmp7, $4  }
0x362: {  	s24 =	sadd.s32 $0x80, s24  }
0x363: {  	s25 =	sand.u32 $0x70, s23;
	s26 =	sand.u32 $0x3C00, s24  }
0x364: {  	s25 =	sor.u32 s25, s26  }
0x365: {  	s23 =	sadd.s32 $0x10, s23;
	[tilespmem:s25+$0x1880] =	vst v10  }
.Ltmp8:
0x366: {  	(pc) =	sbr.rel .LBB2_11-.Ltmp8, $2  }
0x367: {  	_ =	sdelay $0x2  }
0x368: {  	s23 =	rddreg [dreg:$0xd]  }
.LBB2_15:
0x369: {  	s21 =	sadd.s32 $0x1, s21  }
0x36a: {  	p1 =	sne.s32 s21, $0x10  }
.Ltmp9:
0x36b: {  	_ = 	snop;
	(pc) =	sbr.rel @!p1 .LBB2_16-.Ltmp9, $2  }
0x36c: {  	_ =	sdelay $0x2  }
0x36d: {  	s23 =	sadd.s32 $0x1000, s23  }
.LBB2_11:
0x36e: {  	s24 =	sshll.u32 s21, $0x4  }
0x36f: {  	s25 =	sand.u32 $0xF80, s5;
	s24 =	sand.u32 $0xFF0, s24  }
0x370: {  	s24 =	sor.u32 s25, s24  }
0x371: {  	v11 =	vld [tilespmem:s24+$0x0];
	_ =	sdelay $0x4  }
0x372: {  	vm4 =	veq.s32 v11, $0x0  }
0x373: {  	v12 =	vmpcnt.ones.xlane vm4;
	_ =	sdelay $0x1  }
0x374: {  	(v2sf) =	vpush v12, $0x0;
	_ =	sdelay $0xe  }
0x375: {  	s31 =	spop (v2sf)  }
0x376: {  	p1 =	seq.s32 s31, $0x0  }
.Ltmp10:
0x377: {  	_ = 	snop;
	(pc) =	sbr.rel @p1 .LBB2_15-.Ltmp10, $1  }
0x378: {  	_ =	sdelay $0x3  }
0x379: {  	s24 =	simm.s32 $0x0  }
0x37a: {  	v12 =	vmov s24;
	_ =	sdelay $0x3  }
0x37b: {  	[tilespmem:$0x1800] =	vst v11  }
0x37c: {  	v11 =	vld.idx.msk [tilespmem:v12+s4+$0x0], $0xffff;
	_ =	sdelay $0x4  }
0x37d: {  	(v2sf) =	vpush v11, $0x0;
	_ =	sdelay $0xe  }
0x37e: {  	s25 =	spop (v2sf)  }
0x37f: {  	p1 =	sne.s32 s25, $0x0  }
0x380: {  	s25 =	sand.u32 @!p1 $0x70, s24  }
0x381: {  	s26 =	sand.u32 @!p1 $0xFFFF800, s23;
	s25 =	sadd.s32 @!p1 s2, s25  }
0x382: {  	s28 =	simm.s32 @!p1 $0x1880;
	s25 =	sadd.s32 @!p1 s26, s25;
	s26 =	simm.s32 @!p1 $0x0  }
0x383: {  	[hbm4b:s25+s26] =	stream.linear.scatter @!p1 [tilespmem:s28], [sflag:$0x7], $0x80, $0x38;
	[tilespmem:$0x19880] =	vst v63  }
0x384: {  	s29 =	simm.s32 @!p1 $0x1C80;
	s28 =	sadd.s32 @!p1 $0x80, s25  }
0x385: {  	[hbm4b:s28+s26] =	stream.linear.scatter @!p1 [tilespmem:s29], [sflag:$0x7], $0x80, $0x38;
	[tilespmem:$0x19880] =	vst v63  }
0x386: {  	s28 =	sadd.s32 @!p1 $0x100, s25;
	s29 =	simm.s32 @!p1 $0x2080  }
0x387: {  	[hbm4b:s28+s26] =	stream.linear.scatter @!p1 [tilespmem:s29], [sflag:$0x7], $0x80, $0x38;
	[tilespmem:$0x19880] =	vst v63  }
0x388: {  	s28 =	sadd.s32 @!p1 $0x180, s25;
	s29 =	simm.s32 @!p1 $0x2480  }
0x389: {  	[hbm4b:s28+s26] =	stream.linear.scatter @!p1 [tilespmem:s29], [sflag:$0x7], $0x80, $0x38;
	[tilespmem:$0x19880] =	vst v63  }
0x38a: {  	s28 =	sadd.s32 @!p1 $0x200, s25;
	s29 =	simm.s32 @!p1 $0x2880  }
0x38b: {  	[hbm4b:s28+s26] =	stream.linear.scatter @!p1 [tilespmem:s29], [sflag:$0x7], $0x80, $0x38;
	[tilespmem:$0x19880] =	vst v63  }
0x38c: {  	s28 =	sadd.s32 @!p1 $0x280, s25;
	s29 =	simm.s32 @!p1 $0x2C80  }
0x38d: {  	[hbm4b:s28+s26] =	stream.linear.scatter @!p1 [tilespmem:s29], [sflag:$0x7], $0x80, $0x38;
	[tilespmem:$0x19880] =	vst v63  }
0x38e: {  	s28 =	sadd.s32 @!p1 $0x300, s25;
	s29 =	simm.s32 @!p1 $0x3080  }
0x38f: {  	[hbm4b:s28+s26] =	stream.linear.scatter @!p1 [tilespmem:s29], [sflag:$0x7], $0x80, $0x38;
	[tilespmem:$0x19880] =	vst v63  }
0x390: {  	s28 =	sadd.s32 @!p1 $0x380, s25;
	s29 =	simm.s32 @!p1 $0x3480  }
0x391: {  	[hbm4b:s28+s26] =	stream.linear.scatter @!p1 [tilespmem:s29], [sflag:$0x7], $0x80, $0x38;
	[tilespmem:$0x19880] =	vst v63  }
0x392: {  	s28 =	sadd.s32 @!p1 $0x400, s25;
	s29 =	simm.s32 @!p1 $0x3880  }
0x393: {  	[hbm4b:s28+s26] =	stream.linear.scatter @!p1 [tilespmem:s29], [sflag:$0x7], $0x80, $0x38;
	[tilespmem:$0x19880] =	vst v63  }
0x394: {  	s28 =	sadd.s32 @!p1 $0x480, s25;
	s29 =	simm.s32 @!p1 $0x3C80  }
0x395: {  	[hbm4b:s28+s26] =	stream.linear.scatter @!p1 [tilespmem:s29], [sflag:$0x7], $0x80, $0x38;
	[tilespmem:$0x19880] =	vst v63  }
0x396: {  	s28 =	sadd.s32 @!p1 $0x500, s25;
	s29 =	simm.s32 @!p1 $0x4080  }
0x397: {  	[hbm4b:s28+s26] =	stream.linear.scatter @!p1 [tilespmem:s29], [sflag:$0x7], $0x80, $0x38;
	[tilespmem:$0x19880] =	vst v63  }
0x398: {  	s28 =	sadd.s32 @!p1 $0x580, s25;
	s29 =	simm.s32 @!p1 $0x4480  }
0x399: {  	[hbm4b:s28+s26] =	stream.linear.scatter @!p1 [tilespmem:s29], [sflag:$0x7], $0x80, $0x38;
	[tilespmem:$0x19880] =	vst v63  }
0x39a: {  	s28 =	sadd.s32 @!p1 $0x600, s25;
	s29 =	simm.s32 @!p1 $0x4880  }
0x39b: {  	[hbm4b:s28+s26] =	stream.linear.scatter @!p1 [tilespmem:s29], [sflag:$0x7], $0x80, $0x38;
	[tilespmem:$0x19880] =	vst v63  }
0x39c: {  	s28 =	sadd.s32 @!p1 $0x680, s25;
	s29 =	simm.s32 @!p1 $0x4C80  }
0x39d: {  	[hbm4b:s28+s26] =	stream.linear.scatter @!p1 [tilespmem:s29], [sflag:$0x7], $0x80, $0x38;
	[tilespmem:$0x19880] =	vst v63  }
0x39e: {  	s31 =	simm.s32 $0x1;
	s28 =	sadd.s32 @!p1 $0x700, s25;
	s29 =	simm.s32 @!p1 $0x5080  }
0x39f: {  	[hbm4b:s28+s26] =	stream.linear.scatter @!p1 [tilespmem:s29], [sflag:$0x7], $0x80, $0x38;
	[tilespmem:$0x19880] =	vst v63  }
0x3a0: {  	s30 =	simm.s32 @!p1 $0x7;
	s25 =	sadd.s32 @!p1 $0x780, s25;
	s28 =	simm.s32 @!p1 $0x5480  }
0x3a1: {  	[hbm4b:s25+s26] =	stream.linear.scatter @!p1 [tilespmem:s28], [sflag:$0x7], $0x80, $0x38;
	[tilespmem:$0x19880] =	vst v63  }
0x3a2: {  	v11 =	vmov s31;
	_ =	swait.ge @!p1 [sflag:s30], $0x800  }
0x3a3: {  	s26 =	simm.s32 $0x2;
	s25 =	sadd.s32 $0x100, s23;
	[sflag:s30] =	ssyncset.done @!p1 $0x0  }
.LBB2_13:
0x3a4: {  	[sflag:s30] =	ssyncadd.s32 @!p1 $0xFFFFF800  }
0x3a5: {  	s24 =	sadd.s32 $0x10, s24;
	s28 =	smov.u32 s26;
	s26 =	sadd.s32 $0x1, s26  }
0x3a6: {  	p2 =	sne.s32 s26, $0x10  }
0x3a7: {  	v11 =	vld.idx.msk [tilespmem:v11+s4+$0x0], $0xffff;
	_ =	sdelay $0x5  }
0x3a8: {  	(v2sf) =	vpush v11, $0x0;
	_ =	sdelay $0xe  }
0x3a9: {  	s29 =	spop (v2sf)  }
0x3aa: {  	p1 =	sne.s32 s29, $0x0  }
0x3ab: {  	s29 =	sand.u32 @!p1 $0x70, s24  }
0x3ac: {  	s30 =	sand.u32 @!p1 $0xFFFF800, s25;
	s29 =	sadd.s32 @!p1 s2, s29  }
0x3ad: {  	s31 =	simm.s32 @!p1 $0x1880;
	s30 =	sadd.s32 @!p1 s30, s29;
	s29 =	simm.s32 @!p1 $0x0  }
0x3ae: {  	[hbm4b:s30+s29] =	stream.linear.scatter @!p1 [tilespmem:s31], [sflag:$0x7], $0x80, $0x38;
	[tilespmem:$0x19880] =	vst v63  }
0x3af: {  	s0 =	simm.s32 @!p1 $0x1C80;
	s31 =	sadd.s32 @!p1 $0x80, s30;
	s3 =	sadd.s32 @!p1 $0x100, s30  }
0x3b0: {  	[hbm4b:s31+s29] =	stream.linear.scatter @!p1 [tilespmem:s0], [sflag:$0x7], $0x80, $0x38;
	[tilespmem:$0x19880] =	vst v63  }
0x3b1: {  	s20 =	sadd.s32 @!p1 $0x200, s30;
	s0 =	simm.s32 @!p1 $0x2080;
	s31 =	sadd.s32 @!p1 $0x180, s30  }
0x3b2: {  	[hbm4b:s3+s29] =	stream.linear.scatter @!p1 [tilespmem:s0], [sflag:$0x7], $0x80, $0x38;
	[tilespmem:$0x19880] =	vst v63  }
0x3b3: {  	s6 =	sadd.s32 @!p1 $0x300, s30;
	s0 =	simm.s32 @!p1 $0x2480;
	s3 =	sadd.s32 @!p1 $0x280, s30  }
0x3b4: {  	[hbm4b:s31+s29] =	stream.linear.scatter @!p1 [tilespmem:s0], [sflag:$0x7], $0x80, $0x38;
	[tilespmem:$0x19880] =	vst v63  }
0x3b5: {  	s19 =	sadd.s32 @!p1 $0x400, s30;
	s0 =	simm.s32 @!p1 $0x2880;
	s31 =	sadd.s32 @!p1 $0x380, s30  }
0x3b6: {  	[hbm4b:s20+s29] =	stream.linear.scatter @!p1 [tilespmem:s0], [sflag:$0x7], $0x80, $0x38;
	[tilespmem:$0x19880] =	vst v63  }
0x3b7: {  	s15 =	sadd.s32 @!p1 $0x500, s30;
	s0 =	simm.s32 @!p1 $0x2C80;
	s20 =	sadd.s32 @!p1 $0x480, s30  }
0x3b8: {  	[hbm4b:s3+s29] =	stream.linear.scatter @!p1 [tilespmem:s0], [sflag:$0x7], $0x80, $0x38;
	[tilespmem:$0x19880] =	vst v63  }
0x3b9: {  	s16 =	sadd.s32 @!p1 $0x600, s30;
	s0 =	simm.s32 @!p1 $0x3080;
	s3 =	sadd.s32 @!p1 $0x580, s30  }
0x3ba: {  	[hbm4b:s6+s29] =	stream.linear.scatter @!p1 [tilespmem:s0], [sflag:$0x7], $0x80, $0x38;
	[tilespmem:$0x19880] =	vst v63  }
0x3bb: {  	s17 =	sadd.s32 @!p1 $0x700, s30;
	s0 =	simm.s32 @!p1 $0x3480;
	s6 =	sadd.s32 @!p1 $0x680, s30  }
0x3bc: {  	[hbm4b:s31+s29] =	stream.linear.scatter @!p1 [tilespmem:s0], [sflag:$0x7], $0x80, $0x38;
	[tilespmem:$0x19880] =	vst v63  }
0x3bd: {  	s0 =	simm.s32 @!p1 $0x3880;
	s31 =	sadd.s32 @!p1 $0x780, s30  }
0x3be: {  	[hbm4b:s19+s29] =	stream.linear.scatter @!p1 [tilespmem:s0], [sflag:$0x7], $0x80, $0x38;
	[tilespmem:$0x19880] =	vst v63  }
0x3bf: {  	s0 =	simm.s32 @!p1 $0x3C80  }
0x3c0: {  	[hbm4b:s20+s29] =	stream.linear.scatter @!p1 [tilespmem:s0], [sflag:$0x7], $0x80, $0x38;
	[tilespmem:$0x19880] =	vst v63  }
0x3c1: {  	s0 =	simm.s32 @!p1 $0x4080  }
0x3c2: {  	[hbm4b:s15+s29] =	stream.linear.scatter @!p1 [tilespmem:s0], [sflag:$0x7], $0x80, $0x38;
	[tilespmem:$0x19880] =	vst v63  }
0x3c3: {  	s0 =	simm.s32 @!p1 $0x4480  }
0x3c4: {  	[hbm4b:s3+s29] =	stream.linear.scatter @!p1 [tilespmem:s0], [sflag:$0x7], $0x80, $0x38;
	[tilespmem:$0x19880] =	vst v63  }
0x3c5: {  	s0 =	simm.s32 @!p1 $0x4880  }
0x3c6: {  	[hbm4b:s16+s29] =	stream.linear.scatter @!p1 [tilespmem:s0], [sflag:$0x7], $0x80, $0x38;
	[tilespmem:$0x19880] =	vst v63  }
0x3c7: {  	s0 =	simm.s32 @!p1 $0x4C80  }
0x3c8: {  	[hbm4b:s6+s29] =	stream.linear.scatter @!p1 [tilespmem:s0], [sflag:$0x7], $0x80, $0x38;
	[tilespmem:$0x19880] =	vst v63  }
0x3c9: {  	s0 =	simm.s32 @!p1 $0x5080  }
0x3ca: {  	[hbm4b:s17+s29] =	stream.linear.scatter @!p1 [tilespmem:s0], [sflag:$0x7], $0x80, $0x38;
	[tilespmem:$0x19880] =	vst v63  }
.Ltmp11:
0x3cb: {  	_ = 	snop;
	(pc) =	sbr.rel @p2 .LBB2_13-.Ltmp11, $4  }
0x3cc: {  	s30 =	simm.s32 @!p1 $0x7;
	s0 =	simm.s32 @!p1 $0x5480  }
0x3cd: {  	v11 =	vmov s28;
	[hbm4b:s31+s29] =	stream.linear.scatter @!p1 [tilespmem:s0], [sflag:$0x7], $0x80, $0x38;
	[tilespmem:$0x19880] =	vst v63  }
0x3ce: {  	_ =	swait.ge @!p1 [sflag:s30], $0x800  }
0x3cf: {  	s25 =	sadd.s32 $0x100, s25;
	[sflag:s30] =	ssyncset.done @!p1 $0x0  }
0x3d0: {  	_ =	sdelay $0x2  }
0x3d1: {  	[sflag:s30] =	ssyncadd.s32 @!p1 $0xFFFFF800  }
0x3d2: {  	v11 =	vld.idx.msk [tilespmem:v11+s4+$0x0], $0xffff;
	_ =	sdelay $0x4  }
0x3d3: {  	(v2sf) =	vpush v11, $0x0;
	_ =	sdelay $0xe  }
0x3d4: {  	s0 =	spop (v2sf)  }
0x3d5: {  	s3 =	sadd.s32 $0x10, s24;
	p1 =	sne.s32 s0, $0x0  }
0x3d6: {  	s0 =	sand.u32 @!p1 $0x70, s3  }
0x3d7: {  	s3 =	sand.u32 @!p1 $0xFFFF800, s25;
	s0 =	sadd.s32 @!p1 s2, s0  }
0x3d8: {  	s6 =	simm.s32 @!p1 $0x1880;
	s0 =	sadd.s32 @!p1 s3, s0;
	s3 =	simm.s32 @!p1 $0x0  }
0x3d9: {  	[hbm4b:s0+s3] =	stream.linear.scatter @!p1 [tilespmem:s6], [sflag:$0x7], $0x80, $0x38;
	[tilespmem:$0x19880] =	vst v63  }
0x3da: {  	s15 =	simm.s32 @!p1 $0x1C80;
	s6 =	sadd.s32 @!p1 $0x80, s0  }
0x3db: {  	[hbm4b:s6+s3] =	stream.linear.scatter @!p1 [tilespmem:s15], [sflag:$0x7], $0x80, $0x38;
	[tilespmem:$0x19880] =	vst v63  }
0x3dc: {  	s6 =	sadd.s32 @!p1 $0x100, s0;
	s15 =	simm.s32 @!p1 $0x2080  }
0x3dd: {  	[hbm4b:s6+s3] =	stream.linear.scatter @!p1 [tilespmem:s15], [sflag:$0x7], $0x80, $0x38;
	[tilespmem:$0x19880] =	vst v63  }
0x3de: {  	s6 =	sadd.s32 @!p1 $0x180, s0;
	s15 =	simm.s32 @!p1 $0x2480  }
0x3df: {  	[hbm4b:s6+s3] =	stream.linear.scatter @!p1 [tilespmem:s15], [sflag:$0x7], $0x80, $0x38;
	[tilespmem:$0x19880] =	vst v63  }
0x3e0: {  	s6 =	sadd.s32 @!p1 $0x200, s0;
	s15 =	simm.s32 @!p1 $0x2880  }
0x3e1: {  	[hbm4b:s6+s3] =	stream.linear.scatter @!p1 [tilespmem:s15], [sflag:$0x7], $0x80, $0x38;
	[tilespmem:$0x19880] =	vst v63  }
0x3e2: {  	s6 =	sadd.s32 @!p1 $0x280, s0;
	s15 =	simm.s32 @!p1 $0x2C80  }
0x3e3: {  	[hbm4b:s6+s3] =	stream.linear.scatter @!p1 [tilespmem:s15], [sflag:$0x7], $0x80, $0x38;
	[tilespmem:$0x19880] =	vst v63  }
0x3e4: {  	s6 =	sadd.s32 @!p1 $0x300, s0;
	s15 =	simm.s32 @!p1 $0x3080  }
0x3e5: {  	[hbm4b:s6+s3] =	stream.linear.scatter @!p1 [tilespmem:s15], [sflag:$0x7], $0x80, $0x38;
	[tilespmem:$0x19880] =	vst v63  }
0x3e6: {  	s6 =	sadd.s32 @!p1 $0x380, s0;
	s15 =	simm.s32 @!p1 $0x3480  }
0x3e7: {  	[hbm4b:s6+s3] =	stream.linear.scatter @!p1 [tilespmem:s15], [sflag:$0x7], $0x80, $0x38;
	[tilespmem:$0x19880] =	vst v63  }
0x3e8: {  	s6 =	sadd.s32 @!p1 $0x400, s0;
	s15 =	simm.s32 @!p1 $0x3880  }
0x3e9: {  	[hbm4b:s6+s3] =	stream.linear.scatter @!p1 [tilespmem:s15], [sflag:$0x7], $0x80, $0x38;
	[tilespmem:$0x19880] =	vst v63  }
0x3ea: {  	s6 =	sadd.s32 @!p1 $0x480, s0;
	s15 =	simm.s32 @!p1 $0x3C80  }
0x3eb: {  	[hbm4b:s6+s3] =	stream.linear.scatter @!p1 [tilespmem:s15], [sflag:$0x7], $0x80, $0x38;
	[tilespmem:$0x19880] =	vst v63  }
0x3ec: {  	s6 =	sadd.s32 @!p1 $0x500, s0;
	s15 =	simm.s32 @!p1 $0x4080  }
0x3ed: {  	[hbm4b:s6+s3] =	stream.linear.scatter @!p1 [tilespmem:s15], [sflag:$0x7], $0x80, $0x38;
	[tilespmem:$0x19880] =	vst v63  }
0x3ee: {  	s6 =	sadd.s32 @!p1 $0x580, s0;
	s15 =	simm.s32 @!p1 $0x4480  }
0x3ef: {  	[hbm4b:s6+s3] =	stream.linear.scatter @!p1 [tilespmem:s15], [sflag:$0x7], $0x80, $0x38;
	[tilespmem:$0x19880] =	vst v63  }
0x3f0: {  	s6 =	sadd.s32 @!p1 $0x600, s0;
	s15 =	simm.s32 @!p1 $0x4880  }
0x3f1: {  	[hbm4b:s6+s3] =	stream.linear.scatter @!p1 [tilespmem:s15], [sflag:$0x7], $0x80, $0x38;
	[tilespmem:$0x19880] =	vst v63  }
0x3f2: {  	s6 =	sadd.s32 @!p1 $0x680, s0;
	s15 =	simm.s32 @!p1 $0x4C80  }
0x3f3: {  	[hbm4b:s6+s3] =	stream.linear.scatter @!p1 [tilespmem:s15], [sflag:$0x7], $0x80, $0x38;
	[tilespmem:$0x19880] =	vst v63  }
0x3f4: {  	s6 =	sadd.s32 @!p1 $0x700, s0;
	s15 =	simm.s32 @!p1 $0x5080;
	s0 =	sadd.s32 @!p1 $0x780, s0  }
0x3f5: {  	[hbm4b:s6+s3] =	stream.linear.scatter @!p1 [tilespmem:s15], [sflag:$0x7], $0x80, $0x38;
	[tilespmem:$0x19880] =	vst v63  }
.Ltmp12:
0x3f6: {  	s6 =	simm.s32 @!p1 $0x5480;
	s15 =	simm.s32 @!p1 $0x7;
	(pc) =	sbr.rel .LBB2_15-.Ltmp12, $4  }
0x3f7: {  	[hbm4b:s0+s3] =	stream.linear.scatter @!p1 [tilespmem:s6], [sflag:$0x7], $0x80, $0x38;
	[tilespmem:$0x19880] =	vst v63  }
0x3f8: {  	_ =	swait.ge @!p1 [sflag:s15], $0x800  }
0x3f9: {  	[sflag:s15] =	ssyncset.done @!p1 $0x0  }
0x3fa: {  	[sflag:s15] =	ssyncadd.s32 @!p1 $0xFFFFF800  }
.LBB2_17:
0x3fb: {  	_ =	sfence.sel $0x180000  }
0x3fc: {  	[bflag:$0x0] =	sbarrier.arrive $0xFFFF  }
0x3fd: {  	_ =	strace $0x90000047  }
0x3fe: {  	s0 =	stileid.u32;
	[bflag:$0x2] =	sbarrier.arrive $0xFFFF  }
0x3ff: {  	p0 =	sne.s32 s0, $0x0;
	s0 =	rddreg [dreg:$0x3]  }
0x400: {  	s0 =	sadd.s32 @!p0 $0x100000, s0  }
0x401: {  	[sflag:s0] =	ssyncadd.tile.s32 @!p0 $0x1;
	_ =	shalt  }
.Lfunc_end2:
_tile_overlayer_lowered:
.L_overlay_start_2:
0x402: {  	(tag) =	ssettag $0x2  }
0x403: {  	s0 =	rddreg [dreg:$0x0];
	s2 =	stileid.u32  }
0x404: {  	s1 =	rddreg [dreg:$0x1];
	p0 =	sne.s32 s2, $0x0  }
0x405: {  	s3 =	rddreg [dreg:$0x2];
	[bflag:$0x3] =	sbarrier.arrive $0xFFFF;
	s2 =	simm.s32 @!p0 $0x1C07  }
0x406: {  	[timem:s3], [sflag:s2] =	dma.local @!p0 [hbm:s0], s1  }
0x407: {  	s0 =	simm.s32 @!p0 $0x7  }
0x408: {  	_ =	swait.ge @!p0 [sflag:s0], s1  }
0x409: {  	s1 =	ssub.s32 @!p0 $0x0, s1;
	[sflag:s0] =	ssyncset.done @!p0 $0x0  }
0x40a: {  	[sflag:s0] =	ssyncadd.s32 @!p0 s1  }
0x40b: {  	[bflag:$0x3] =	sbarrier.arrive $0xFFFF  }
0x40c: {  	_ =	shalt  }

</sc_bundles>
